<compile_context>
chip_gen: v7x
topology: tpu7x:2x2x1
jax: 0.10.2.dev20260603
libtpu: 0.0.44.dev20260713+nightly
codegen_flags: <defaults>
</compile_context>

<pallas_src>
import functools

import jax
import jax.numpy as jnp
from jax import lax
from jax.experimental import pallas as pl
from jax.experimental.pallas import tpu as pltpu
from jax.experimental.pallas import tpu_sc as plsc

N = 10000
E = 320000
D = 128
NC = 2
NS = 16
NW = NC * NS
CH = 128
NCHUNK = 80
EPW = NCHUNK * CH
NPHASE = 2
PCH = NCHUNK // NPHASE
NPAIR = PCH // 2
NPAD = 8
RPT = 624
TAIL = N - NS * RPT
TAIL0 = NS * RPT
BLK = 2000

_mesh = plsc.VectorSubcoreMesh(core_axis_name="c", subcore_axis_name="s")



@functools.partial(
    pl.kernel,
    out_type=jax.ShapeDtypeStruct((NC, N, D), jnp.float32),
    mesh=_mesh,
    scratch_types=[
        pltpu.VMEM_SHARED((N + NPAD, D), jnp.float32),
        pltpu.VMEM((PCH, CH), jnp.int32),
        pltpu.VMEM((CH, D), jnp.float32),
        pltpu.SemaphoreType.DMA,
    ],
)
def _deg_pass(dst3_h, ones_h, zeros_h, out_h, acc, dst_v, ones_v, sem):
    cid = lax.axis_index("c")
    sid = lax.axis_index("s")
    wid = cid * NS + sid
    r0 = sid * RPT
    pltpu.sync_copy(zeros_h.at[pl.ds(r0, RPT)], acc.at[pl.ds(r0, RPT)])

    @pl.when(sid == NS - 1)
    def _():
        pltpu.sync_copy(zeros_h.at[pl.ds(TAIL0, TAIL)],
                        acc.at[pl.ds(TAIL0, TAIL)])

    pltpu.sync_copy(ones_h, ones_v)
    plsc.subcore_barrier()

    for p in range(NPHASE):
        pltpu.sync_copy(dst3_h.at[wid, pl.ds(p * PCH, PCH)], dst_v)

        def body(j, c):
            pltpu.async_copy(ones_v, acc.at[dst_v.at[j]], sem, add=True)
            return c

        lax.fori_loop(0, PCH, body, 0, unroll=False)

        def drain(j, c):
            pltpu.make_async_copy(ones_v, acc.at[dst_v.at[0]], sem).wait()
            return c

        lax.fori_loop(0, PCH, drain, 0, unroll=False)

    plsc.subcore_barrier()
    pltpu.sync_copy(acc.at[pl.ds(r0, RPT)], out_h.at[cid, pl.ds(r0, RPT)])

    @pl.when(sid == NS - 1)
    def _():
        pltpu.sync_copy(acc.at[pl.ds(TAIL0, TAIL)],
                        out_h.at[cid, pl.ds(TAIL0, TAIL)])


@functools.partial(
    pl.kernel,
    out_type=jax.ShapeDtypeStruct((NC, N, D), jnp.float32),
    mesh=_mesh,
    scratch_types=[
        pltpu.VMEM_SHARED((N + NPAD, D), jnp.float32),
        pltpu.VMEM((PCH, CH), jnp.int32),
        pltpu.VMEM((PCH, CH), jnp.int32),
        pltpu.VMEM((CH, D), jnp.float32),
        pltpu.VMEM((CH, D), jnp.float32),
        pltpu.SemaphoreType.DMA,
        pltpu.SemaphoreType.DMA,
        pltpu.SemaphoreType.DMA,
        pltpu.SemaphoreType.DMA,
    ],
)
def _edge_pass(hs_h, src3_h, dst3_h, zeros_h, out_h, acc, src_v, dst_v,
               rows_a, rows_b, sem_ga, sem_gb, sem_sa, sem_sb):
    cid = lax.axis_index("c")
    sid = lax.axis_index("s")
    wid = cid * NS + sid
    r0 = sid * RPT
    pltpu.sync_copy(zeros_h.at[pl.ds(r0, RPT)], acc.at[pl.ds(r0, RPT)])

    @pl.when(sid == NS - 1)
    def _():
        pltpu.sync_copy(zeros_h.at[pl.ds(TAIL0, TAIL)],
                        acc.at[pl.ds(TAIL0, TAIL)])

    plsc.subcore_barrier()

    def gather(j, buf, sem):
        return pltpu.async_copy(hs_h.at[src_v.at[j]], buf, sem)

    def scatter(j, buf, sem):
        return pltpu.async_copy(buf, acc.at[dst_v.at[j]], sem, add=True)

    def gather_wait(j, buf, sem):
        pltpu.make_async_copy(hs_h.at[src_v.at[j]], buf, sem).wait()

    def scatter_wait(j, buf, sem):
        pltpu.make_async_copy(buf, acc.at[dst_v.at[j]], sem).wait()

    for p in range(NPHASE):
        pltpu.sync_copy(src3_h.at[wid, pl.ds(p * PCH, PCH)], src_v)
        pltpu.sync_copy(dst3_h.at[wid, pl.ds(p * PCH, PCH)], dst_v)
        gather(0, rows_a, sem_ga)

        def body(i, c):
            j0 = 2 * i
            j1 = j0 + 1
            gather_wait(j0, rows_a, sem_ga)

            @pl.when(i >= 1)
            def _():
                scatter_wait(j1 - 2, rows_b, sem_sb)

            gather(j1, rows_b, sem_gb)
            scatter(j0, rows_a, sem_sa)
            gather_wait(j1, rows_b, sem_gb)
            scatter_wait(j0, rows_a, sem_sa)

            @pl.when(i < NPAIR - 1)
            def _():
                gather(j0 + 2, rows_a, sem_ga)

            scatter(j1, rows_b, sem_sb)
            return c

        lax.fori_loop(0, NPAIR, body, 0, unroll=False)
        scatter_wait(PCH - 1, rows_b, sem_sb)

    plsc.subcore_barrier()
    pltpu.sync_copy(acc.at[pl.ds(r0, RPT)], out_h.at[cid, pl.ds(r0, RPT)])

    @pl.when(sid == NS - 1)
    def _():
        pltpu.sync_copy(acc.at[pl.ds(TAIL0, TAIL)],
                        out_h.at[cid, pl.ds(TAIL0, TAIL)])



def _dinv_of(deg_blk):
    return lax.rsqrt(1.0 + deg_blk[0, :, 0:1] + deg_blk[1, :, 0:1])


def _tc1_body(x_ref, wd_ref, bd_ref, w1_ref, deg_ref, ox_ref, h1s_ref,
              dinv_ref):
    xb = x_ref[...]
    ox_ref[...] = (
        jnp.dot(xb, wd_ref[...], preferred_element_type=jnp.float32)
        + bd_ref[...]
    )
    dinv = _dinv_of(deg_ref[...])
    dinv_ref[...] = dinv
    h1s_ref[...] = dinv * jnp.dot(
        xb, w1_ref[...], preferred_element_type=jnp.float32
    )


def _tc2_body(acc_ref, h1s_ref, dinv_ref, b1_ref, w2_ref, h2s_ref):
    dinv = dinv_ref[...]
    a = acc_ref[...]
    s = a[0] + a[1] + h1s_ref[...]
    h1 = jnp.maximum(dinv * s + b1_ref[...], 0.0)
    h2s_ref[...] = dinv * jnp.dot(
        h1, w2_ref[...], preferred_element_type=jnp.float32
    )


def _tc3_body(acc_ref, h2s_ref, dinv_ref, ox_ref, b2_ref, wdeg_ref, bdeg_ref,
              w3_ref, b3_ref, r1_ref, r2_ref, r3_ref):
    dinv = dinv_ref[...]
    a = acc_ref[...]
    h2 = dinv * (a[0] + a[1] + h2s_ref[...]) + b2_ref[...] + ox_ref[...]
    m = jnp.max(h2, axis=-1, keepdims=True)
    z = h2 - m
    r1_ref[...] = z - jnp.log(jnp.sum(jnp.exp(z), axis=-1, keepdims=True))
    r2_ref[...] = (
        jnp.dot(h2, wdeg_ref[...], preferred_element_type=jnp.float32)
        + bdeg_ref[...]
    )
    r3_ref[...] = (
        jnp.dot(h2, w3_ref[...], preferred_element_type=jnp.float32)
        + b3_ref[...]
    )


def _row_spec(w):
    return pl.BlockSpec((BLK, w), lambda i: (i, 0))


def _full_spec(r, c):
    return pl.BlockSpec((r, c), lambda i: (0, 0))


_deg_spec = pl.BlockSpec((NC, BLK, D), lambda i: (0, i, 0))
_acc_spec = pl.BlockSpec((NC, BLK, D), lambda i: (0, i, 0))
_grid = (N // BLK,)


def _tc1(x, wd, bd, w1, degp):
    return pl.pallas_call(
        _tc1_body,
        grid=_grid,
        in_specs=[_row_spec(D), _full_spec(D, D), _full_spec(1, D),
                  _full_spec(D, D), _deg_spec],
        out_specs=[_row_spec(D), _row_spec(D), _row_spec(1)],
        out_shape=[jax.ShapeDtypeStruct((N, D), jnp.float32),
                   jax.ShapeDtypeStruct((N, D), jnp.float32),
                   jax.ShapeDtypeStruct((N, 1), jnp.float32)],
    )(x, wd, bd, w1, degp)


def _tc2(acc1, h1s, dinv, b1, w2):
    return pl.pallas_call(
        _tc2_body,
        grid=_grid,
        in_specs=[_acc_spec, _row_spec(D), _row_spec(1), _full_spec(1, D),
                  _full_spec(D, D)],
        out_specs=_row_spec(D),
        out_shape=jax.ShapeDtypeStruct((N, D), jnp.float32),
    )(acc1, h1s, dinv, b1, w2)


def _tc3(acc2, h2s, dinv, ox, b2, wdeg, bdeg, w3, b3):
    return pl.pallas_call(
        _tc3_body,
        grid=_grid,
        in_specs=[_acc_spec, _row_spec(D), _row_spec(1), _row_spec(D),
                  _full_spec(1, D), _full_spec(D, 1), _full_spec(1, 1),
                  _full_spec(D, 32), _full_spec(1, 32)],
        out_specs=[_row_spec(D), _row_spec(1), _row_spec(32)],
        out_shape=[jax.ShapeDtypeStruct((N, D), jnp.float32),
                   jax.ShapeDtypeStruct((N, 1), jnp.float32),
                   jax.ShapeDtypeStruct((N, 32), jnp.float32)],
    )(acc2, h2s, dinv, ox, b2, wdeg, bdeg, w3, b3)



def kernel(x, edge_index, W_down, b_down, W1, b1, W2, b2, W_deg, b_deg, W3,
           b3):
    npad = NW * NCHUNK * CH - E
    src3 = jnp.concatenate(
        [edge_index[0],
         jnp.arange(npad, dtype=jnp.int32)]).reshape(NW, NCHUNK, CH)
    dst3 = jnp.concatenate(
        [edge_index[1], jnp.full((npad,), N, jnp.int32)]).reshape(NW, NCHUNK,
                                                                  CH)
    zeros_row = jnp.zeros((N, D), jnp.float32)
    ones_deg = jnp.ones((CH, D), jnp.float32)

    degp = _deg_pass(dst3, ones_deg, zeros_row)
    ox, h1s, dinv = _tc1(x, W_down, b_down.reshape(1, D), W1, degp)
    acc1 = _edge_pass(h1s, src3, dst3, zeros_row)
    h2s = _tc2(acc1, h1s, dinv, b1.reshape(1, D), W2)
    acc2 = _edge_pass(h2s, src3, dst3, zeros_row)
    r1, r2, r3 = _tc3(acc2, h2s, dinv, ox, b2.reshape(1, D),
                      W_deg, b_deg.reshape(1, 1), W3, b3.reshape(1, 32))
    return (r1, jnp.squeeze(r2, -1), r3)

# --- scband reference (transcript-rebuilt; emitter-appended) ---
"""Pipeline reference for scband-gnn-22505628631761 (READ-ONLY COPY).

The authoritative reference and input builder live on the scoring server;
editing this copy changes nothing except your own understanding.
"""

import jax, jax.numpy as jnp
import numpy as np

N = 10000
E = 320000
D = 128
H = 128
C3 = 32

def _glorot(key, shape):
    fan_in = shape[0]
    return jax.random.normal(key, shape, dtype=jnp.float32) * (1.0 / np.sqrt(fan_in))

def setup_inputs(seed: int = 0):
    key = jax.random.key(seed)
    ks = jax.random.split(key, 12)
    x = jax.random.normal(ks[0], (N, D), dtype=jnp.float32)
    edge_index = jax.random.randint(ks[1], (2, E), 0, N, dtype=jnp.int32)
    return {
        "x": x,
        "edge_index": edge_index,
        "W_down": _glorot(ks[2], (D, H)),
        "b_down": jnp.zeros((H,), jnp.float32),
        "W1": _glorot(ks[3], (D, H)),
        "b1": jnp.zeros((H,), jnp.float32),
        "W2": _glorot(ks[4], (H, H)),
        "b2": jnp.zeros((H,), jnp.float32),
        "W_deg": _glorot(ks[5], (H, 1)),
        "b_deg": jnp.zeros((1,), jnp.float32),
        "W3": _glorot(ks[6], (H, C3)),
        "b3": jnp.zeros((C3,), jnp.float32),
    }

def _gcn_conv(x, W, b, src, dst, n):
    # GCNConv: out = D^{-1/2} (A + I) D^{-1/2} (x W) + b
    h = x @ W
    loop = jnp.arange(n, dtype=src.dtype)
    src2 = jnp.concatenate([src, loop])
    dst2 = jnp.concatenate([dst, loop])
    deg = jax.ops.segment_sum(jnp.ones(src2.shape[0], dtype=h.dtype), dst2, num_segments=n)
    dinv = jnp.where(deg > 0, jax.lax.rsqrt(deg), 0.0)
    norm = dinv[src2] * dinv[dst2]
    msg = h[src2] * norm[:, None]
    out = jax.ops.segment_sum(msg, dst2, num_segments=n)
    return out + b

def reference(x, edge_index, W_down, b_down, W1, b1, W2, b2, W_deg, b_deg, W3, b3):
    src = edge_index[0]
    dst = edge_index[1]
    original_x = x @ W_down + b_down
    h = _gcn_conv(x, W1, b1, src, dst, N)
    h = jax.nn.relu(h)
    # F.dropout in eval mode (training=False) is identity
    h = _gcn_conv(h, W2, b2, src, dst, N)
    h = h + original_x
    result1 = jax.nn.log_softmax(h, axis=-1)
    result2 = (h @ W_deg + b_deg).squeeze(-1)
    result3 = h @ W3 + b3  # squeeze(-1) is a no-op since last dim > 1
    return (result1, result2, result3)

if __name__ == "__main__":
    import jax
    _d = setup_inputs()
    print(jax.jit(kernel)(*tuple(_d.values())))

</pallas_src>

<mosaic_0001>
#map = affine_map<(d0, d1) -> (0, 0)>
#map1 = affine_map<(d0, d1) -> (0, 0, 0)>
module attributes {stable_mosaic.version = 14 : i64} {
  func.func @_edge_pass(%arg0: i32, %arg1: i32, %arg2: memref<10000x128xf32, #tpu.memory_space<hbm>>, %arg3: memref<32x80x128xi32, #tpu.memory_space<hbm>>, %arg4: memref<32x80x128xi32, #tpu.memory_space<hbm>>, %arg5: memref<10000x128xf32, #tpu.memory_space<hbm>>, %arg6: memref<2x10000x128xf32, #tpu.memory_space<hbm>>, %arg7: memref<10008x128xf32, #tpu.memory_space<vmem_shared>>, %arg8: memref<40x128xi32, #tpu.memory_space<vmem>>, %arg9: memref<40x128xi32, #tpu.memory_space<vmem>>, %arg10: memref<128x128xf32, #tpu.memory_space<vmem>>, %arg11: memref<128x128xf32, #tpu.memory_space<vmem>>, %arg12: memref<!tpu.dma_semaphore, #tpu.memory_space<semaphore_mem>>, %arg13: memref<!tpu.dma_semaphore, #tpu.memory_space<semaphore_mem>>, %arg14: memref<!tpu.dma_semaphore, #tpu.memory_space<semaphore_mem>>, %arg15: memref<!tpu.dma_semaphore, #tpu.memory_space<semaphore_mem>>) attributes {dimension_semantics = [#tpu.dimension_semantics<core_parallel>, #tpu.dimension_semantics<subcore_parallel>], iteration_bounds = array<i64: 2, 16>, scalar_prefetch = 0 : i64, scratch_operands = 9 : i64, tpu.core_type = #tpu.core_type<sc_vector_subcore>, window_params = [{transform_indices = #map}, {transform_indices = #map1}, {transform_indices = #map1}, {transform_indices = #map}, {transform_indices = #map1}]} {
    %mul3A = arith.constant 16 : i32
    %mul3A_0 = arith.muli %arg0, %mul3A : i32
    %add3A = arith.addi %mul3A_0, %arg1 : i32
    %mul3A_1 = arith.constant 624 : i32
    %mul3A_2 = arith.muli %arg1, %mul3A_1 : i32
    "tpu.region"() ({
      %run_scoped3A = tpu.sem_alloc : memref<!tpu.dma_semaphore, #tpu.memory_space<semaphore_mem>>
      %dma_start3A_48 = arith.constant 0 : i32
      %dma_start3A_49 = tpu.memref_slice %arg7[%mul3A_2, %dma_start3A_48] : memref<10008x128xf32, #tpu.memory_space<vmem_shared>> -> memref<624x128xf32, #tpu.memory_space<vmem_shared>>
      %dma_start3A_50 = arith.constant 0 : i32
      %dma_start3A_51 = tpu.memref_slice %arg5[%mul3A_2, %dma_start3A_50] : memref<10000x128xf32, #tpu.memory_space<hbm>> -> memref<624x128xf32, #tpu.memory_space<hbm>>
      tpu.enqueue_dma source(%dma_start3A_51 : memref<624x128xf32, #tpu.memory_space<hbm>>) target(%dma_start3A_49 : memref<624x128xf32, #tpu.memory_space<vmem_shared>>) target_semaphore(%run_scoped3A : memref<!tpu.dma_semaphore, #tpu.memory_space<semaphore_mem>>)
      %dma_wait3A_52 = arith.constant 0 : i32
      %dma_wait3A_53 = tpu.memref_slice %arg7[%mul3A_2, %dma_wait3A_52] : memref<10008x128xf32, #tpu.memory_space<vmem_shared>> -> memref<624x128xf32, #tpu.memory_space<vmem_shared>>
      %dma_wait3A_54 = arith.constant 0 : i32
      %dma_wait3A_55 = tpu.memref_slice %arg5[%mul3A_2, %dma_wait3A_54] : memref<10000x128xf32, #tpu.memory_space<hbm>> -> memref<624x128xf32, #tpu.memory_space<hbm>>
      tpu.wait_dma2 semaphore(%run_scoped3A : memref<!tpu.dma_semaphore, #tpu.memory_space<semaphore_mem>>) src(%dma_wait3A_55 : memref<624x128xf32, #tpu.memory_space<hbm>>) dst(%dma_wait3A_53 : memref<624x128xf32, #tpu.memory_space<vmem_shared>>)
      tpu.yield
    }) : () -> ()
    %eq3A = arith.constant 15 : i32
    %eq3A_3 = arith.cmpi eq, %arg1, %eq3A : i32
    %convert_element_type3A = arith.extui %eq3A_3 : i1 to i32
    %cond3A = arith.constant 0 : i32
    %cond3A_4 = arith.cmpi ne, %convert_element_type3A, %cond3A : i32
    scf.if %cond3A_4 {
      "tpu.region"() ({
        %run_scoped3A = tpu.sem_alloc : memref<!tpu.dma_semaphore, #tpu.memory_space<semaphore_mem>>
        %dma_start3A_48 = arith.constant 9984 : i32
        %dma_start3A_49 = arith.constant 0 : i32
        %dma_start3A_50 = tpu.memref_slice %arg7[%dma_start3A_48, %dma_start3A_49] : memref<10008x128xf32, #tpu.memory_space<vmem_shared>> -> memref<16x128xf32, #tpu.memory_space<vmem_shared>>
        %dma_start3A_51 = arith.constant 9984 : i32
        %dma_start3A_52 = arith.constant 0 : i32
        %dma_start3A_53 = tpu.memref_slice %arg5[%dma_start3A_51, %dma_start3A_52] : memref<10000x128xf32, #tpu.memory_space<hbm>> -> memref<16x128xf32, #tpu.memory_space<hbm>>
        tpu.enqueue_dma source(%dma_start3A_53 : memref<16x128xf32, #tpu.memory_space<hbm>>) target(%dma_start3A_50 : memref<16x128xf32, #tpu.memory_space<vmem_shared>>) target_semaphore(%run_scoped3A : memref<!tpu.dma_semaphore, #tpu.memory_space<semaphore_mem>>)
        %dma_wait3A_54 = arith.constant 9984 : i32
        %dma_wait3A_55 = arith.constant 0 : i32
        %dma_wait3A_56 = tpu.memref_slice %arg7[%dma_wait3A_54, %dma_wait3A_55] : memref<10008x128xf32, #tpu.memory_space<vmem_shared>> -> memref<16x128xf32, #tpu.memory_space<vmem_shared>>
        %dma_wait3A_57 = arith.constant 9984 : i32
        %dma_wait3A_58 = arith.constant 0 : i32
        %dma_wait3A_59 = tpu.memref_slice %arg5[%dma_wait3A_57, %dma_wait3A_58] : memref<10000x128xf32, #tpu.memory_space<hbm>> -> memref<16x128xf32, #tpu.memory_space<hbm>>
        tpu.wait_dma2 semaphore(%run_scoped3A : memref<!tpu.dma_semaphore, #tpu.memory_space<semaphore_mem>>) src(%dma_wait3A_59 : memref<16x128xf32, #tpu.memory_space<hbm>>) dst(%dma_wait3A_56 : memref<16x128xf32, #tpu.memory_space<vmem_shared>>)
        tpu.yield
      }) : () -> ()
    } else {
    }
    %barrier3A = arith.constant 0 : index
    tpu.barrier barrier_id(%barrier3A)
    "tpu.region"() ({
      %run_scoped3A = tpu.sem_alloc : memref<!tpu.dma_semaphore, #tpu.memory_space<semaphore_mem>>
      %dma_start3A_48 = arith.constant 0 : i32
      %dma_start3A_49 = arith.constant 0 : i32
      %dma_start3A_50 = tpu.memref_slice %arg3[%add3A, %dma_start3A_48, %dma_start3A_49] : memref<32x80x128xi32, #tpu.memory_space<hbm>> -> memref<1x40x128xi32, #tpu.memory_space<hbm>>
      %dma_start3A_51 = tpu.memref_squeeze %dma_start3A_50 : memref<1x40x128xi32, #tpu.memory_space<hbm>> -> memref<40x128xi32, #tpu.memory_space<hbm>>
      %dma_start3A_52 = arith.constant 0 : i32
      %dma_start3A_53 = arith.constant 0 : i32
      %dma_start3A_54 = tpu.memref_slice %arg3[%add3A, %dma_start3A_52, %dma_start3A_53] : memref<32x80x128xi32, #tpu.memory_space<hbm>> -> memref<1x40x128xi32, #tpu.memory_space<hbm>>
      %dma_start3A_55 = tpu.memref_squeeze %dma_start3A_54 : memref<1x40x128xi32, #tpu.memory_space<hbm>> -> memref<40x128xi32, #tpu.memory_space<hbm>>
      tpu.enqueue_dma source(%dma_start3A_55 : memref<40x128xi32, #tpu.memory_space<hbm>>) target(%arg8 : memref<40x128xi32, #tpu.memory_space<vmem>>) target_semaphore(%run_scoped3A : memref<!tpu.dma_semaphore, #tpu.memory_space<semaphore_mem>>)
      %dma_wait3A_56 = arith.constant 0 : i32
      %dma_wait3A_57 = arith.constant 0 : i32
      %dma_wait3A_58 = tpu.memref_slice %arg3[%add3A, %dma_wait3A_56, %dma_wait3A_57] : memref<32x80x128xi32, #tpu.memory_space<hbm>> -> memref<1x40x128xi32, #tpu.memory_space<hbm>>
      %dma_wait3A_59 = tpu.memref_squeeze %dma_wait3A_58 : memref<1x40x128xi32, #tpu.memory_space<hbm>> -> memref<40x128xi32, #tpu.memory_space<hbm>>
      %dma_wait3A_60 = arith.constant 0 : i32
      %dma_wait3A_61 = arith.constant 0 : i32
      %dma_wait3A_62 = tpu.memref_slice %arg3[%add3A, %dma_wait3A_60, %dma_wait3A_61] : memref<32x80x128xi32, #tpu.memory_space<hbm>> -> memref<1x40x128xi32, #tpu.memory_space<hbm>>
      %dma_wait3A_63 = tpu.memref_squeeze %dma_wait3A_62 : memref<1x40x128xi32, #tpu.memory_space<hbm>> -> memref<40x128xi32, #tpu.memory_space<hbm>>
      tpu.wait_dma2 semaphore(%run_scoped3A : memref<!tpu.dma_semaphore, #tpu.memory_space<semaphore_mem>>) src(%dma_wait3A_63 : memref<40x128xi32, #tpu.memory_space<hbm>>) dst(%arg8 : memref<40x128xi32, #tpu.memory_space<vmem>>)
      tpu.yield
    }) : () -> ()
    "tpu.region"() ({
      %run_scoped3A = tpu.sem_alloc : memref<!tpu.dma_semaphore, #tpu.memory_space<semaphore_mem>>
      %dma_start3A_48 = arith.constant 0 : i32
      %dma_start3A_49 = arith.constant 0 : i32
      %dma_start3A_50 = tpu.memref_slice %arg4[%add3A, %dma_start3A_48, %dma_start3A_49] : memref<32x80x128xi32, #tpu.memory_space<hbm>> -> memref<1x40x128xi32, #tpu.memory_space<hbm>>
      %dma_start3A_51 = tpu.memref_squeeze %dma_start3A_50 : memref<1x40x128xi32, #tpu.memory_space<hbm>> -> memref<40x128xi32, #tpu.memory_space<hbm>>
      %dma_start3A_52 = arith.constant 0 : i32
      %dma_start3A_53 = arith.constant 0 : i32
      %dma_start3A_54 = tpu.memref_slice %arg4[%add3A, %dma_start3A_52, %dma_start3A_53] : memref<32x80x128xi32, #tpu.memory_space<hbm>> -> memref<1x40x128xi32, #tpu.memory_space<hbm>>
      %dma_start3A_55 = tpu.memref_squeeze %dma_start3A_54 : memref<1x40x128xi32, #tpu.memory_space<hbm>> -> memref<40x128xi32, #tpu.memory_space<hbm>>
      tpu.enqueue_dma source(%dma_start3A_55 : memref<40x128xi32, #tpu.memory_space<hbm>>) target(%arg9 : memref<40x128xi32, #tpu.memory_space<vmem>>) target_semaphore(%run_scoped3A : memref<!tpu.dma_semaphore, #tpu.memory_space<semaphore_mem>>)
      %dma_wait3A_56 = arith.constant 0 : i32
      %dma_wait3A_57 = arith.constant 0 : i32
      %dma_wait3A_58 = tpu.memref_slice %arg4[%add3A, %dma_wait3A_56, %dma_wait3A_57] : memref<32x80x128xi32, #tpu.memory_space<hbm>> -> memref<1x40x128xi32, #tpu.memory_space<hbm>>
      %dma_wait3A_59 = tpu.memref_squeeze %dma_wait3A_58 : memref<1x40x128xi32, #tpu.memory_space<hbm>> -> memref<40x128xi32, #tpu.memory_space<hbm>>
      %dma_wait3A_60 = arith.constant 0 : i32
      %dma_wait3A_61 = arith.constant 0 : i32
      %dma_wait3A_62 = tpu.memref_slice %arg4[%add3A, %dma_wait3A_60, %dma_wait3A_61] : memref<32x80x128xi32, #tpu.memory_space<hbm>> -> memref<1x40x128xi32, #tpu.memory_space<hbm>>
      %dma_wait3A_63 = tpu.memref_squeeze %dma_wait3A_62 : memref<1x40x128xi32, #tpu.memory_space<hbm>> -> memref<40x128xi32, #tpu.memory_space<hbm>>
      tpu.wait_dma2 semaphore(%run_scoped3A : memref<!tpu.dma_semaphore, #tpu.memory_space<semaphore_mem>>) src(%dma_wait3A_63 : memref<40x128xi32, #tpu.memory_space<hbm>>) dst(%arg9 : memref<40x128xi32, #tpu.memory_space<vmem>>)
      tpu.yield
    }) : () -> ()
    %dma_start3A = arith.constant 0 : i32
    %dma_start3A_5 = arith.constant 0 : i32
    %dma_start3A_6 = tpu.memref_slice %arg8[%dma_start3A, %dma_start3A_5] : memref<40x128xi32, #tpu.memory_space<vmem>> -> memref<1x128xi32, #tpu.memory_space<vmem>>
    %dma_start3A_7 = tpu.memref_squeeze %dma_start3A_6 : memref<1x128xi32, #tpu.memory_space<vmem>> -> memref<128xi32, #tpu.memory_space<vmem>>
    %dma_start3A_8 = arith.constant 0 : i32
    %dma_start3A_9 = arith.constant 0 : i32
    %dma_start3A_10 = tpu.memref_slice %arg2[%dma_start3A_8, %dma_start3A_9] : memref<10000x128xf32, #tpu.memory_space<hbm>> -> memref<10000x128xf32, #tpu.memory_space<hbm>>
    tpu.enqueue_indirect_dma source(%dma_start3A_10 : memref<10000x128xf32, #tpu.memory_space<hbm>>) target(%arg10 : memref<128x128xf32, #tpu.memory_space<vmem>>) offsets(%dma_start3A_7 : memref<128xi32, #tpu.memory_space<vmem>>) semaphore(%arg12 : memref<!tpu.dma_semaphore, #tpu.memory_space<semaphore_mem>>)
    %scan3A = arith.constant 0 : i32
    %scan3A_11 = arith.constant 0 : i32
    %scan3A_12 = arith.constant 20 : i32
    %scan3A_13 = arith.addi %scan3A_11, %scan3A_12 : i32
    %scan3A_14 = arith.constant 1 : i32
    scf.for %scan3A_48 = %scan3A_11 to %scan3A_13 step %scan3A_14  : i32 {
      %mul3A_49 = arith.constant 2 : i32
      %mul3A_50 = arith.muli %mul3A_49, %scan3A_48 : i32
      %add3A_51 = arith.constant 1 : i32
      %add3A_52 = arith.addi %mul3A_50, %add3A_51 : i32
      %dma_wait3A_53 = arith.constant 0 : i32
      %dma_wait3A_54 = tpu.memref_slice %arg8[%mul3A_50, %dma_wait3A_53] : memref<40x128xi32, #tpu.memory_space<vmem>> -> memref<1x128xi32, #tpu.memory_space<vmem>>
      %dma_wait3A_55 = tpu.memref_squeeze %dma_wait3A_54 : memref<1x128xi32, #tpu.memory_space<vmem>> -> memref<128xi32, #tpu.memory_space<vmem>>
      %dma_wait3A_56 = arith.constant 0 : i32
      %dma_wait3A_57 = arith.constant 0 : i32
      %dma_wait3A_58 = tpu.memref_slice %arg2[%dma_wait3A_56, %dma_wait3A_57] : memref<10000x128xf32, #tpu.memory_space<hbm>> -> memref<10000x128xf32, #tpu.memory_space<hbm>>
      tpu.wait_indirect_dma semaphore(%arg12 : memref<!tpu.dma_semaphore, #tpu.memory_space<semaphore_mem>>) src(%dma_wait3A_58 : memref<10000x128xf32, #tpu.memory_space<hbm>>) dst(%arg10 : memref<128x128xf32, #tpu.memory_space<vmem>>)
      %ge3A = arith.constant 1 : i32
      %ge3A_59 = arith.cmpi sge, %scan3A_48, %ge3A : i32
      %convert_element_type3A_60 = arith.extui %ge3A_59 : i1 to i32
      %cond3A_61 = arith.constant 0 : i32
      %cond3A_62 = arith.cmpi ne, %convert_element_type3A_60, %cond3A_61 : i32
      scf.if %cond3A_62 {
        %sub3A = arith.constant 2 : i32
        %sub3A_97 = arith.subi %add3A_52, %sub3A : i32
        %dma_wait3A_98 = arith.constant 0 : i32
        %dma_wait3A_99 = tpu.memref_slice %arg9[%sub3A_97, %dma_wait3A_98] : memref<40x128xi32, #tpu.memory_space<vmem>> -> memref<1x128xi32, #tpu.memory_space<vmem>>
        %dma_wait3A_100 = tpu.memref_squeeze %dma_wait3A_99 : memref<1x128xi32, #tpu.memory_space<vmem>> -> memref<128xi32, #tpu.memory_space<vmem>>
        %dma_wait3A_101 = arith.constant 0 : i32
        %dma_wait3A_102 = arith.constant 0 : i32
        %dma_wait3A_103 = tpu.memref_slice %arg7[%dma_wait3A_101, %dma_wait3A_102] : memref<10008x128xf32, #tpu.memory_space<vmem_shared>> -> memref<10008x128xf32, #tpu.memory_space<vmem_shared>>
        tpu.wait_indirect_dma semaphore(%arg15 : memref<!tpu.dma_semaphore, #tpu.memory_space<semaphore_mem>>) src(%arg11 : memref<128x128xf32, #tpu.memory_space<vmem>>) dst(%dma_wait3A_103 : memref<10008x128xf32, #tpu.memory_space<vmem_shared>>)
      } else {
      }
      %dma_start3A_63 = arith.constant 0 : i32
      %dma_start3A_64 = tpu.memref_slice %arg8[%add3A_52, %dma_start3A_63] : memref<40x128xi32, #tpu.memory_space<vmem>> -> memref<1x128xi32, #tpu.memory_space<vmem>>
      %dma_start3A_65 = tpu.memref_squeeze %dma_start3A_64 : memref<1x128xi32, #tpu.memory_space<vmem>> -> memref<128xi32, #tpu.memory_space<vmem>>
      %dma_start3A_66 = arith.constant 0 : i32
      %dma_start3A_67 = arith.constant 0 : i32
      %dma_start3A_68 = tpu.memref_slice %arg2[%dma_start3A_66, %dma_start3A_67] : memref<10000x128xf32, #tpu.memory_space<hbm>> -> memref<10000x128xf32, #tpu.memory_space<hbm>>
      tpu.enqueue_indirect_dma source(%dma_start3A_68 : memref<10000x128xf32, #tpu.memory_space<hbm>>) target(%arg11 : memref<128x128xf32, #tpu.memory_space<vmem>>) offsets(%dma_start3A_65 : memref<128xi32, #tpu.memory_space<vmem>>) semaphore(%arg13 : memref<!tpu.dma_semaphore, #tpu.memory_space<semaphore_mem>>)
      %dma_start3A_69 = arith.constant 0 : i32
      %dma_start3A_70 = tpu.memref_slice %arg9[%mul3A_50, %dma_start3A_69] : memref<40x128xi32, #tpu.memory_space<vmem>> -> memref<1x128xi32, #tpu.memory_space<vmem>>
      %dma_start3A_71 = tpu.memref_squeeze %dma_start3A_70 : memref<1x128xi32, #tpu.memory_space<vmem>> -> memref<128xi32, #tpu.memory_space<vmem>>
      %dma_start3A_72 = arith.constant 0 : i32
      %dma_start3A_73 = arith.constant 0 : i32
      %dma_start3A_74 = tpu.memref_slice %arg7[%dma_start3A_72, %dma_start3A_73] : memref<10008x128xf32, #tpu.memory_space<vmem_shared>> -> memref<10008x128xf32, #tpu.memory_space<vmem_shared>>
      tpu.enqueue_indirect_dma source(%arg10 : memref<128x128xf32, #tpu.memory_space<vmem>>) target(%dma_start3A_74 : memref<10008x128xf32, #tpu.memory_space<vmem_shared>>) offsets(%dma_start3A_71 : memref<128xi32, #tpu.memory_space<vmem>>) semaphore(%arg14 : memref<!tpu.dma_semaphore, #tpu.memory_space<semaphore_mem>>) {add = true}
      %dma_wait3A_75 = arith.constant 0 : i32
      %dma_wait3A_76 = tpu.memref_slice %arg8[%add3A_52, %dma_wait3A_75] : memref<40x128xi32, #tpu.memory_space<vmem>> -> memref<1x128xi32, #tpu.memory_space<vmem>>
      %dma_wait3A_77 = tpu.memref_squeeze %dma_wait3A_76 : memref<1x128xi32, #tpu.memory_space<vmem>> -> memref<128xi32, #tpu.memory_space<vmem>>
      %dma_wait3A_78 = arith.constant 0 : i32
      %dma_wait3A_79 = arith.constant 0 : i32
      %dma_wait3A_80 = tpu.memref_slice %arg2[%dma_wait3A_78, %dma_wait3A_79] : memref<10000x128xf32, #tpu.memory_space<hbm>> -> memref<10000x128xf32, #tpu.memory_space<hbm>>
      tpu.wait_indirect_dma semaphore(%arg13 : memref<!tpu.dma_semaphore, #tpu.memory_space<semaphore_mem>>) src(%dma_wait3A_80 : memref<10000x128xf32, #tpu.memory_space<hbm>>) dst(%arg11 : memref<128x128xf32, #tpu.memory_space<vmem>>)
      %dma_wait3A_81 = arith.constant 0 : i32
      %dma_wait3A_82 = tpu.memref_slice %arg9[%mul3A_50, %dma_wait3A_81] : memref<40x128xi32, #tpu.memory_space<vmem>> -> memref<1x128xi32, #tpu.memory_space<vmem>>
      %dma_wait3A_83 = tpu.memref_squeeze %dma_wait3A_82 : memref<1x128xi32, #tpu.memory_space<vmem>> -> memref<128xi32, #tpu.memory_space<vmem>>
      %dma_wait3A_84 = arith.constant 0 : i32
      %dma_wait3A_85 = arith.constant 0 : i32
      %dma_wait3A_86 = tpu.memref_slice %arg7[%dma_wait3A_84, %dma_wait3A_85] : memref<10008x128xf32, #tpu.memory_space<vmem_shared>> -> memref<10008x128xf32, #tpu.memory_space<vmem_shared>>
      tpu.wait_indirect_dma semaphore(%arg14 : memref<!tpu.dma_semaphore, #tpu.memory_space<semaphore_mem>>) src(%arg10 : memref<128x128xf32, #tpu.memory_space<vmem>>) dst(%dma_wait3A_86 : memref<10008x128xf32, #tpu.memory_space<vmem_shared>>)
      %lt3A = arith.constant 19 : i32
      %lt3A_87 = arith.cmpi slt, %scan3A_48, %lt3A : i32
      %convert_element_type3A_88 = arith.extui %lt3A_87 : i1 to i32
      %cond3A_89 = arith.constant 0 : i32
      %cond3A_90 = arith.cmpi ne, %convert_element_type3A_88, %cond3A_89 : i32
      scf.if %cond3A_90 {
        %add3A_97 = arith.constant 2 : i32
        %add3A_98 = arith.addi %mul3A_50, %add3A_97 : i32
        %dma_start3A_99 = arith.constant 0 : i32
        %dma_start3A_100 = tpu.memref_slice %arg8[%add3A_98, %dma_start3A_99] : memref<40x128xi32, #tpu.memory_space<vmem>> -> memref<1x128xi32, #tpu.memory_space<vmem>>
        %dma_start3A_101 = tpu.memref_squeeze %dma_start3A_100 : memref<1x128xi32, #tpu.memory_space<vmem>> -> memref<128xi32, #tpu.memory_space<vmem>>
        %dma_start3A_102 = arith.constant 0 : i32
        %dma_start3A_103 = arith.constant 0 : i32
        %dma_start3A_104 = tpu.memref_slice %arg2[%dma_start3A_102, %dma_start3A_103] : memref<10000x128xf32, #tpu.memory_space<hbm>> -> memref<10000x128xf32, #tpu.memory_space<hbm>>
        tpu.enqueue_indirect_dma source(%dma_start3A_104 : memref<10000x128xf32, #tpu.memory_space<hbm>>) target(%arg10 : memref<128x128xf32, #tpu.memory_space<vmem>>) offsets(%dma_start3A_101 : memref<128xi32, #tpu.memory_space<vmem>>) semaphore(%arg12 : memref<!tpu.dma_semaphore, #tpu.memory_space<semaphore_mem>>)
      } else {
      }
      %dma_start3A_91 = arith.constant 0 : i32
      %dma_start3A_92 = tpu.memref_slice %arg9[%add3A_52, %dma_start3A_91] : memref<40x128xi32, #tpu.memory_space<vmem>> -> memref<1x128xi32, #tpu.memory_space<vmem>>
      %dma_start3A_93 = tpu.memref_squeeze %dma_start3A_92 : memref<1x128xi32, #tpu.memory_space<vmem>> -> memref<128xi32, #tpu.memory_space<vmem>>
      %dma_start3A_94 = arith.constant 0 : i32
      %dma_start3A_95 = arith.constant 0 : i32
      %dma_start3A_96 = tpu.memref_slice %arg7[%dma_start3A_94, %dma_start3A_95] : memref<10008x128xf32, #tpu.memory_space<vmem_shared>> -> memref<10008x128xf32, #tpu.memory_space<vmem_shared>>
      tpu.enqueue_indirect_dma source(%arg11 : memref<128x128xf32, #tpu.memory_space<vmem>>) target(%dma_start3A_96 : memref<10008x128xf32, #tpu.memory_space<vmem_shared>>) offsets(%dma_start3A_93 : memref<128xi32, #tpu.memory_space<vmem>>) semaphore(%arg15 : memref<!tpu.dma_semaphore, #tpu.memory_space<semaphore_mem>>) {add = true}
    }
    %scan3A_15 = arith.constant 20 : i32
    %dma_wait3A = arith.constant 39 : i32
    %dma_wait3A_16 = arith.constant 0 : i32
    %dma_wait3A_17 = tpu.memref_slice %arg9[%dma_wait3A, %dma_wait3A_16] : memref<40x128xi32, #tpu.memory_space<vmem>> -> memref<1x128xi32, #tpu.memory_space<vmem>>
    %dma_wait3A_18 = tpu.memref_squeeze %dma_wait3A_17 : memref<1x128xi32, #tpu.memory_space<vmem>> -> memref<128xi32, #tpu.memory_space<vmem>>
    %dma_wait3A_19 = arith.constant 0 : i32
    %dma_wait3A_20 = arith.constant 0 : i32
    %dma_wait3A_21 = tpu.memref_slice %arg7[%dma_wait3A_19, %dma_wait3A_20] : memref<10008x128xf32, #tpu.memory_space<vmem_shared>> -> memref<10008x128xf32, #tpu.memory_space<vmem_shared>>
    tpu.wait_indirect_dma semaphore(%arg15 : memref<!tpu.dma_semaphore, #tpu.memory_space<semaphore_mem>>) src(%arg11 : memref<128x128xf32, #tpu.memory_space<vmem>>) dst(%dma_wait3A_21 : memref<10008x128xf32, #tpu.memory_space<vmem_shared>>)
    "tpu.region"() ({
      %run_scoped3A = tpu.sem_alloc : memref<!tpu.dma_semaphore, #tpu.memory_space<semaphore_mem>>
      %dma_start3A_48 = arith.constant 40 : i32
      %dma_start3A_49 = arith.constant 0 : i32
      %dma_start3A_50 = tpu.memref_slice %arg3[%add3A, %dma_start3A_48, %dma_start3A_49] : memref<32x80x128xi32, #tpu.memory_space<hbm>> -> memref<1x40x128xi32, #tpu.memory_space<hbm>>
      %dma_start3A_51 = tpu.memref_squeeze %dma_start3A_50 : memref<1x40x128xi32, #tpu.memory_space<hbm>> -> memref<40x128xi32, #tpu.memory_space<hbm>>
      %dma_start3A_52 = arith.constant 40 : i32
      %dma_start3A_53 = arith.constant 0 : i32
      %dma_start3A_54 = tpu.memref_slice %arg3[%add3A, %dma_start3A_52, %dma_start3A_53] : memref<32x80x128xi32, #tpu.memory_space<hbm>> -> memref<1x40x128xi32, #tpu.memory_space<hbm>>
      %dma_start3A_55 = tpu.memref_squeeze %dma_start3A_54 : memref<1x40x128xi32, #tpu.memory_space<hbm>> -> memref<40x128xi32, #tpu.memory_space<hbm>>
      tpu.enqueue_dma source(%dma_start3A_55 : memref<40x128xi32, #tpu.memory_space<hbm>>) target(%arg8 : memref<40x128xi32, #tpu.memory_space<vmem>>) target_semaphore(%run_scoped3A : memref<!tpu.dma_semaphore, #tpu.memory_space<semaphore_mem>>)
      %dma_wait3A_56 = arith.constant 40 : i32
      %dma_wait3A_57 = arith.constant 0 : i32
      %dma_wait3A_58 = tpu.memref_slice %arg3[%add3A, %dma_wait3A_56, %dma_wait3A_57] : memref<32x80x128xi32, #tpu.memory_space<hbm>> -> memref<1x40x128xi32, #tpu.memory_space<hbm>>
      %dma_wait3A_59 = tpu.memref_squeeze %dma_wait3A_58 : memref<1x40x128xi32, #tpu.memory_space<hbm>> -> memref<40x128xi32, #tpu.memory_space<hbm>>
      %dma_wait3A_60 = arith.constant 40 : i32
      %dma_wait3A_61 = arith.constant 0 : i32
      %dma_wait3A_62 = tpu.memref_slice %arg3[%add3A, %dma_wait3A_60, %dma_wait3A_61] : memref<32x80x128xi32, #tpu.memory_space<hbm>> -> memref<1x40x128xi32, #tpu.memory_space<hbm>>
      %dma_wait3A_63 = tpu.memref_squeeze %dma_wait3A_62 : memref<1x40x128xi32, #tpu.memory_space<hbm>> -> memref<40x128xi32, #tpu.memory_space<hbm>>
      tpu.wait_dma2 semaphore(%run_scoped3A : memref<!tpu.dma_semaphore, #tpu.memory_space<semaphore_mem>>) src(%dma_wait3A_63 : memref<40x128xi32, #tpu.memory_space<hbm>>) dst(%arg8 : memref<40x128xi32, #tpu.memory_space<vmem>>)
      tpu.yield
    }) : () -> ()
    "tpu.region"() ({
      %run_scoped3A = tpu.sem_alloc : memref<!tpu.dma_semaphore, #tpu.memory_space<semaphore_mem>>
      %dma_start3A_48 = arith.constant 40 : i32
      %dma_start3A_49 = arith.constant 0 : i32
      %dma_start3A_50 = tpu.memref_slice %arg4[%add3A, %dma_start3A_48, %dma_start3A_49] : memref<32x80x128xi32, #tpu.memory_space<hbm>> -> memref<1x40x128xi32, #tpu.memory_space<hbm>>
      %dma_start3A_51 = tpu.memref_squeeze %dma_start3A_50 : memref<1x40x128xi32, #tpu.memory_space<hbm>> -> memref<40x128xi32, #tpu.memory_space<hbm>>
      %dma_start3A_52 = arith.constant 40 : i32
      %dma_start3A_53 = arith.constant 0 : i32
      %dma_start3A_54 = tpu.memref_slice %arg4[%add3A, %dma_start3A_52, %dma_start3A_53] : memref<32x80x128xi32, #tpu.memory_space<hbm>> -> memref<1x40x128xi32, #tpu.memory_space<hbm>>
      %dma_start3A_55 = tpu.memref_squeeze %dma_start3A_54 : memref<1x40x128xi32, #tpu.memory_space<hbm>> -> memref<40x128xi32, #tpu.memory_space<hbm>>
      tpu.enqueue_dma source(%dma_start3A_55 : memref<40x128xi32, #tpu.memory_space<hbm>>) target(%arg9 : memref<40x128xi32, #tpu.memory_space<vmem>>) target_semaphore(%run_scoped3A : memref<!tpu.dma_semaphore, #tpu.memory_space<semaphore_mem>>)
      %dma_wait3A_56 = arith.constant 40 : i32
      %dma_wait3A_57 = arith.constant 0 : i32
      %dma_wait3A_58 = tpu.memref_slice %arg4[%add3A, %dma_wait3A_56, %dma_wait3A_57] : memref<32x80x128xi32, #tpu.memory_space<hbm>> -> memref<1x40x128xi32, #tpu.memory_space<hbm>>
      %dma_wait3A_59 = tpu.memref_squeeze %dma_wait3A_58 : memref<1x40x128xi32, #tpu.memory_space<hbm>> -> memref<40x128xi32, #tpu.memory_space<hbm>>
      %dma_wait3A_60 = arith.constant 40 : i32
      %dma_wait3A_61 = arith.constant 0 : i32
      %dma_wait3A_62 = tpu.memref_slice %arg4[%add3A, %dma_wait3A_60, %dma_wait3A_61] : memref<32x80x128xi32, #tpu.memory_space<hbm>> -> memref<1x40x128xi32, #tpu.memory_space<hbm>>
      %dma_wait3A_63 = tpu.memref_squeeze %dma_wait3A_62 : memref<1x40x128xi32, #tpu.memory_space<hbm>> -> memref<40x128xi32, #tpu.memory_space<hbm>>
      tpu.wait_dma2 semaphore(%run_scoped3A : memref<!tpu.dma_semaphore, #tpu.memory_space<semaphore_mem>>) src(%dma_wait3A_63 : memref<40x128xi32, #tpu.memory_space<hbm>>) dst(%arg9 : memref<40x128xi32, #tpu.memory_space<vmem>>)
      tpu.yield
    }) : () -> ()
    %dma_start3A_22 = arith.constant 0 : i32
    %dma_start3A_23 = arith.constant 0 : i32
    %dma_start3A_24 = tpu.memref_slice %arg8[%dma_start3A_22, %dma_start3A_23] : memref<40x128xi32, #tpu.memory_space<vmem>> -> memref<1x128xi32, #tpu.memory_space<vmem>>
    %dma_start3A_25 = tpu.memref_squeeze %dma_start3A_24 : memref<1x128xi32, #tpu.memory_space<vmem>> -> memref<128xi32, #tpu.memory_space<vmem>>
    %dma_start3A_26 = arith.constant 0 : i32
    %dma_start3A_27 = arith.constant 0 : i32
    %dma_start3A_28 = tpu.memref_slice %arg2[%dma_start3A_26, %dma_start3A_27] : memref<10000x128xf32, #tpu.memory_space<hbm>> -> memref<10000x128xf32, #tpu.memory_space<hbm>>
    tpu.enqueue_indirect_dma source(%dma_start3A_28 : memref<10000x128xf32, #tpu.memory_space<hbm>>) target(%arg10 : memref<128x128xf32, #tpu.memory_space<vmem>>) offsets(%dma_start3A_25 : memref<128xi32, #tpu.memory_space<vmem>>) semaphore(%arg12 : memref<!tpu.dma_semaphore, #tpu.memory_space<semaphore_mem>>)
    %scan3A_29 = arith.constant 0 : i32
    %scan3A_30 = arith.constant 0 : i32
    %scan3A_31 = arith.constant 20 : i32
    %scan3A_32 = arith.addi %scan3A_30, %scan3A_31 : i32
    %scan3A_33 = arith.constant 1 : i32
    scf.for %scan3A_48 = %scan3A_30 to %scan3A_32 step %scan3A_33  : i32 {
      %mul3A_49 = arith.constant 2 : i32
      %mul3A_50 = arith.muli %mul3A_49, %scan3A_48 : i32
      %add3A_51 = arith.constant 1 : i32
      %add3A_52 = arith.addi %mul3A_50, %add3A_51 : i32
      %dma_wait3A_53 = arith.constant 0 : i32
      %dma_wait3A_54 = tpu.memref_slice %arg8[%mul3A_50, %dma_wait3A_53] : memref<40x128xi32, #tpu.memory_space<vmem>> -> memref<1x128xi32, #tpu.memory_space<vmem>>
      %dma_wait3A_55 = tpu.memref_squeeze %dma_wait3A_54 : memref<1x128xi32, #tpu.memory_space<vmem>> -> memref<128xi32, #tpu.memory_space<vmem>>
      %dma_wait3A_56 = arith.constant 0 : i32
      %dma_wait3A_57 = arith.constant 0 : i32
      %dma_wait3A_58 = tpu.memref_slice %arg2[%dma_wait3A_56, %dma_wait3A_57] : memref<10000x128xf32, #tpu.memory_space<hbm>> -> memref<10000x128xf32, #tpu.memory_space<hbm>>
      tpu.wait_indirect_dma semaphore(%arg12 : memref<!tpu.dma_semaphore, #tpu.memory_space<semaphore_mem>>) src(%dma_wait3A_58 : memref<10000x128xf32, #tpu.memory_space<hbm>>) dst(%arg10 : memref<128x128xf32, #tpu.memory_space<vmem>>)
      %ge3A = arith.constant 1 : i32
      %ge3A_59 = arith.cmpi sge, %scan3A_48, %ge3A : i32
      %convert_element_type3A_60 = arith.extui %ge3A_59 : i1 to i32
      %cond3A_61 = arith.constant 0 : i32
      %cond3A_62 = arith.cmpi ne, %convert_element_type3A_60, %cond3A_61 : i32
      scf.if %cond3A_62 {
        %sub3A = arith.constant 2 : i32
        %sub3A_97 = arith.subi %add3A_52, %sub3A : i32
        %dma_wait3A_98 = arith.constant 0 : i32
        %dma_wait3A_99 = tpu.memref_slice %arg9[%sub3A_97, %dma_wait3A_98] : memref<40x128xi32, #tpu.memory_space<vmem>> -> memref<1x128xi32, #tpu.memory_space<vmem>>
        %dma_wait3A_100 = tpu.memref_squeeze %dma_wait3A_99 : memref<1x128xi32, #tpu.memory_space<vmem>> -> memref<128xi32, #tpu.memory_space<vmem>>
        %dma_wait3A_101 = arith.constant 0 : i32
        %dma_wait3A_102 = arith.constant 0 : i32
        %dma_wait3A_103 = tpu.memref_slice %arg7[%dma_wait3A_101, %dma_wait3A_102] : memref<10008x128xf32, #tpu.memory_space<vmem_shared>> -> memref<10008x128xf32, #tpu.memory_space<vmem_shared>>
        tpu.wait_indirect_dma semaphore(%arg15 : memref<!tpu.dma_semaphore, #tpu.memory_space<semaphore_mem>>) src(%arg11 : memref<128x128xf32, #tpu.memory_space<vmem>>) dst(%dma_wait3A_103 : memref<10008x128xf32, #tpu.memory_space<vmem_shared>>)
      } else {
      }
      %dma_start3A_63 = arith.constant 0 : i32
      %dma_start3A_64 = tpu.memref_slice %arg8[%add3A_52, %dma_start3A_63] : memref<40x128xi32, #tpu.memory_space<vmem>> -> memref<1x128xi32, #tpu.memory_space<vmem>>
      %dma_start3A_65 = tpu.memref_squeeze %dma_start3A_64 : memref<1x128xi32, #tpu.memory_space<vmem>> -> memref<128xi32, #tpu.memory_space<vmem>>
      %dma_start3A_66 = arith.constant 0 : i32
      %dma_start3A_67 = arith.constant 0 : i32
      %dma_start3A_68 = tpu.memref_slice %arg2[%dma_start3A_66, %dma_start3A_67] : memref<10000x128xf32, #tpu.memory_space<hbm>> -> memref<10000x128xf32, #tpu.memory_space<hbm>>
      tpu.enqueue_indirect_dma source(%dma_start3A_68 : memref<10000x128xf32, #tpu.memory_space<hbm>>) target(%arg11 : memref<128x128xf32, #tpu.memory_space<vmem>>) offsets(%dma_start3A_65 : memref<128xi32, #tpu.memory_space<vmem>>) semaphore(%arg13 : memref<!tpu.dma_semaphore, #tpu.memory_space<semaphore_mem>>)
      %dma_start3A_69 = arith.constant 0 : i32
      %dma_start3A_70 = tpu.memref_slice %arg9[%mul3A_50, %dma_start3A_69] : memref<40x128xi32, #tpu.memory_space<vmem>> -> memref<1x128xi32, #tpu.memory_space<vmem>>
      %dma_start3A_71 = tpu.memref_squeeze %dma_start3A_70 : memref<1x128xi32, #tpu.memory_space<vmem>> -> memref<128xi32, #tpu.memory_space<vmem>>
      %dma_start3A_72 = arith.constant 0 : i32
      %dma_start3A_73 = arith.constant 0 : i32
      %dma_start3A_74 = tpu.memref_slice %arg7[%dma_start3A_72, %dma_start3A_73] : memref<10008x128xf32, #tpu.memory_space<vmem_shared>> -> memref<10008x128xf32, #tpu.memory_space<vmem_shared>>
      tpu.enqueue_indirect_dma source(%arg10 : memref<128x128xf32, #tpu.memory_space<vmem>>) target(%dma_start3A_74 : memref<10008x128xf32, #tpu.memory_space<vmem_shared>>) offsets(%dma_start3A_71 : memref<128xi32, #tpu.memory_space<vmem>>) semaphore(%arg14 : memref<!tpu.dma_semaphore, #tpu.memory_space<semaphore_mem>>) {add = true}
      %dma_wait3A_75 = arith.constant 0 : i32
      %dma_wait3A_76 = tpu.memref_slice %arg8[%add3A_52, %dma_wait3A_75] : memref<40x128xi32, #tpu.memory_space<vmem>> -> memref<1x128xi32, #tpu.memory_space<vmem>>
      %dma_wait3A_77 = tpu.memref_squeeze %dma_wait3A_76 : memref<1x128xi32, #tpu.memory_space<vmem>> -> memref<128xi32, #tpu.memory_space<vmem>>
      %dma_wait3A_78 = arith.constant 0 : i32
      %dma_wait3A_79 = arith.constant 0 : i32
      %dma_wait3A_80 = tpu.memref_slice %arg2[%dma_wait3A_78, %dma_wait3A_79] : memref<10000x128xf32, #tpu.memory_space<hbm>> -> memref<10000x128xf32, #tpu.memory_space<hbm>>
      tpu.wait_indirect_dma semaphore(%arg13 : memref<!tpu.dma_semaphore, #tpu.memory_space<semaphore_mem>>) src(%dma_wait3A_80 : memref<10000x128xf32, #tpu.memory_space<hbm>>) dst(%arg11 : memref<128x128xf32, #tpu.memory_space<vmem>>)
      %dma_wait3A_81 = arith.constant 0 : i32
      %dma_wait3A_82 = tpu.memref_slice %arg9[%mul3A_50, %dma_wait3A_81] : memref<40x128xi32, #tpu.memory_space<vmem>> -> memref<1x128xi32, #tpu.memory_space<vmem>>
      %dma_wait3A_83 = tpu.memref_squeeze %dma_wait3A_82 : memref<1x128xi32, #tpu.memory_space<vmem>> -> memref<128xi32, #tpu.memory_space<vmem>>
      %dma_wait3A_84 = arith.constant 0 : i32
      %dma_wait3A_85 = arith.constant 0 : i32
      %dma_wait3A_86 = tpu.memref_slice %arg7[%dma_wait3A_84, %dma_wait3A_85] : memref<10008x128xf32, #tpu.memory_space<vmem_shared>> -> memref<10008x128xf32, #tpu.memory_space<vmem_shared>>
      tpu.wait_indirect_dma semaphore(%arg14 : memref<!tpu.dma_semaphore, #tpu.memory_space<semaphore_mem>>) src(%arg10 : memref<128x128xf32, #tpu.memory_space<vmem>>) dst(%dma_wait3A_86 : memref<10008x128xf32, #tpu.memory_space<vmem_shared>>)
      %lt3A = arith.constant 19 : i32
      %lt3A_87 = arith.cmpi slt, %scan3A_48, %lt3A : i32
      %convert_element_type3A_88 = arith.extui %lt3A_87 : i1 to i32
      %cond3A_89 = arith.constant 0 : i32
      %cond3A_90 = arith.cmpi ne, %convert_element_type3A_88, %cond3A_89 : i32
      scf.if %cond3A_90 {
        %add3A_97 = arith.constant 2 : i32
        %add3A_98 = arith.addi %mul3A_50, %add3A_97 : i32
        %dma_start3A_99 = arith.constant 0 : i32
        %dma_start3A_100 = tpu.memref_slice %arg8[%add3A_98, %dma_start3A_99] : memref<40x128xi32, #tpu.memory_space<vmem>> -> memref<1x128xi32, #tpu.memory_space<vmem>>
        %dma_start3A_101 = tpu.memref_squeeze %dma_start3A_100 : memref<1x128xi32, #tpu.memory_space<vmem>> -> memref<128xi32, #tpu.memory_space<vmem>>
        %dma_start3A_102 = arith.constant 0 : i32
        %dma_start3A_103 = arith.constant 0 : i32
        %dma_start3A_104 = tpu.memref_slice %arg2[%dma_start3A_102, %dma_start3A_103] : memref<10000x128xf32, #tpu.memory_space<hbm>> -> memref<10000x128xf32, #tpu.memory_space<hbm>>
        tpu.enqueue_indirect_dma source(%dma_start3A_104 : memref<10000x128xf32, #tpu.memory_space<hbm>>) target(%arg10 : memref<128x128xf32, #tpu.memory_space<vmem>>) offsets(%dma_start3A_101 : memref<128xi32, #tpu.memory_space<vmem>>) semaphore(%arg12 : memref<!tpu.dma_semaphore, #tpu.memory_space<semaphore_mem>>)
      } else {
      }
      %dma_start3A_91 = arith.constant 0 : i32
      %dma_start3A_92 = tpu.memref_slice %arg9[%add3A_52, %dma_start3A_91] : memref<40x128xi32, #tpu.memory_space<vmem>> -> memref<1x128xi32, #tpu.memory_space<vmem>>
      %dma_start3A_93 = tpu.memref_squeeze %dma_start3A_92 : memref<1x128xi32, #tpu.memory_space<vmem>> -> memref<128xi32, #tpu.memory_space<vmem>>
      %dma_start3A_94 = arith.constant 0 : i32
      %dma_start3A_95 = arith.constant 0 : i32
      %dma_start3A_96 = tpu.memref_slice %arg7[%dma_start3A_94, %dma_start3A_95] : memref<10008x128xf32, #tpu.memory_space<vmem_shared>> -> memref<10008x128xf32, #tpu.memory_space<vmem_shared>>
      tpu.enqueue_indirect_dma source(%arg11 : memref<128x128xf32, #tpu.memory_space<vmem>>) target(%dma_start3A_96 : memref<10008x128xf32, #tpu.memory_space<vmem_shared>>) offsets(%dma_start3A_93 : memref<128xi32, #tpu.memory_space<vmem>>) semaphore(%arg15 : memref<!tpu.dma_semaphore, #tpu.memory_space<semaphore_mem>>) {add = true}
    }
    %scan3A_34 = arith.constant 20 : i32
    %dma_wait3A_35 = arith.constant 39 : i32
    %dma_wait3A_36 = arith.constant 0 : i32
    %dma_wait3A_37 = tpu.memref_slice %arg9[%dma_wait3A_35, %dma_wait3A_36] : memref<40x128xi32, #tpu.memory_space<vmem>> -> memref<1x128xi32, #tpu.memory_space<vmem>>
    %dma_wait3A_38 = tpu.memref_squeeze %dma_wait3A_37 : memref<1x128xi32, #tpu.memory_space<vmem>> -> memref<128xi32, #tpu.memory_space<vmem>>
    %dma_wait3A_39 = arith.constant 0 : i32
    %dma_wait3A_40 = arith.constant 0 : i32
    %dma_wait3A_41 = tpu.memref_slice %arg7[%dma_wait3A_39, %dma_wait3A_40] : memref<10008x128xf32, #tpu.memory_space<vmem_shared>> -> memref<10008x128xf32, #tpu.memory_space<vmem_shared>>
    tpu.wait_indirect_dma semaphore(%arg15 : memref<!tpu.dma_semaphore, #tpu.memory_space<semaphore_mem>>) src(%arg11 : memref<128x128xf32, #tpu.memory_space<vmem>>) dst(%dma_wait3A_41 : memref<10008x128xf32, #tpu.memory_space<vmem_shared>>)
    %barrier3A_42 = arith.constant 0 : index
    tpu.barrier barrier_id(%barrier3A_42)
    "tpu.region"() ({
      %run_scoped3A = tpu.sem_alloc : memref<!tpu.dma_semaphore, #tpu.memory_space<semaphore_mem>>
      %dma_start3A_48 = arith.constant 0 : i32
      %dma_start3A_49 = tpu.memref_slice %arg6[%arg0, %mul3A_2, %dma_start3A_48] : memref<2x10000x128xf32, #tpu.memory_space<hbm>> -> memref<1x624x128xf32, #tpu.memory_space<hbm>>
      %dma_start3A_50 = tpu.memref_squeeze %dma_start3A_49 : memref<1x624x128xf32, #tpu.memory_space<hbm>> -> memref<624x128xf32, #tpu.memory_space<hbm>>
      %dma_start3A_51 = arith.constant 0 : i32
      %dma_start3A_52 = tpu.memref_slice %arg7[%mul3A_2, %dma_start3A_51] : memref<10008x128xf32, #tpu.memory_space<vmem_shared>> -> memref<624x128xf32, #tpu.memory_space<vmem_shared>>
      tpu.enqueue_dma source(%dma_start3A_52 : memref<624x128xf32, #tpu.memory_space<vmem_shared>>) target(%dma_start3A_50 : memref<624x128xf32, #tpu.memory_space<hbm>>) target_semaphore(%run_scoped3A : memref<!tpu.dma_semaphore, #tpu.memory_space<semaphore_mem>>)
      %dma_wait3A_53 = arith.constant 0 : i32
      %dma_wait3A_54 = tpu.memref_slice %arg6[%arg0, %mul3A_2, %dma_wait3A_53] : memref<2x10000x128xf32, #tpu.memory_space<hbm>> -> memref<1x624x128xf32, #tpu.memory_space<hbm>>
      %dma_wait3A_55 = tpu.memref_squeeze %dma_wait3A_54 : memref<1x624x128xf32, #tpu.memory_space<hbm>> -> memref<624x128xf32, #tpu.memory_space<hbm>>
      %dma_wait3A_56 = arith.constant 0 : i32
      %dma_wait3A_57 = tpu.memref_slice %arg7[%mul3A_2, %dma_wait3A_56] : memref<10008x128xf32, #tpu.memory_space<vmem_shared>> -> memref<624x128xf32, #tpu.memory_space<vmem_shared>>
      tpu.wait_dma2 semaphore(%run_scoped3A : memref<!tpu.dma_semaphore, #tpu.memory_space<semaphore_mem>>) src(%dma_wait3A_57 : memref<624x128xf32, #tpu.memory_space<vmem_shared>>) dst(%dma_wait3A_55 : memref<624x128xf32, #tpu.memory_space<hbm>>)
      tpu.yield
    }) : () -> ()
    %eq3A_43 = arith.constant 15 : i32
    %eq3A_44 = arith.cmpi eq, %arg1, %eq3A_43 : i32
    %convert_element_type3A_45 = arith.extui %eq3A_44 : i1 to i32
    %cond3A_46 = arith.constant 0 : i32
    %cond3A_47 = arith.cmpi ne, %convert_element_type3A_45, %cond3A_46 : i32
    scf.if %cond3A_47 {
      "tpu.region"() ({
        %run_scoped3A = tpu.sem_alloc : memref<!tpu.dma_semaphore, #tpu.memory_space<semaphore_mem>>
        %dma_start3A_48 = arith.constant 9984 : i32
        %dma_start3A_49 = arith.constant 0 : i32
        %dma_start3A_50 = tpu.memref_slice %arg6[%arg0, %dma_start3A_48, %dma_start3A_49] : memref<2x10000x128xf32, #tpu.memory_space<hbm>> -> memref<1x16x128xf32, #tpu.memory_space<hbm>>
        %dma_start3A_51 = tpu.memref_squeeze %dma_start3A_50 : memref<1x16x128xf32, #tpu.memory_space<hbm>> -> memref<16x128xf32, #tpu.memory_space<hbm>>
        %dma_start3A_52 = arith.constant 9984 : i32
        %dma_start3A_53 = arith.constant 0 : i32
        %dma_start3A_54 = tpu.memref_slice %arg7[%dma_start3A_52, %dma_start3A_53] : memref<10008x128xf32, #tpu.memory_space<vmem_shared>> -> memref<16x128xf32, #tpu.memory_space<vmem_shared>>
        tpu.enqueue_dma source(%dma_start3A_54 : memref<16x128xf32, #tpu.memory_space<vmem_shared>>) target(%dma_start3A_51 : memref<16x128xf32, #tpu.memory_space<hbm>>) target_semaphore(%run_scoped3A : memref<!tpu.dma_semaphore, #tpu.memory_space<semaphore_mem>>)
        %dma_wait3A_55 = arith.constant 9984 : i32
        %dma_wait3A_56 = arith.constant 0 : i32
        %dma_wait3A_57 = tpu.memref_slice %arg6[%arg0, %dma_wait3A_55, %dma_wait3A_56] : memref<2x10000x128xf32, #tpu.memory_space<hbm>> -> memref<1x16x128xf32, #tpu.memory_space<hbm>>
        %dma_wait3A_58 = tpu.memref_squeeze %dma_wait3A_57 : memref<1x16x128xf32, #tpu.memory_space<hbm>> -> memref<16x128xf32, #tpu.memory_space<hbm>>
        %dma_wait3A_59 = arith.constant 9984 : i32
        %dma_wait3A_60 = arith.constant 0 : i32
        %dma_wait3A_61 = tpu.memref_slice %arg7[%dma_wait3A_59, %dma_wait3A_60] : memref<10008x128xf32, #tpu.memory_space<vmem_shared>> -> memref<16x128xf32, #tpu.memory_space<vmem_shared>>
        tpu.wait_dma2 semaphore(%run_scoped3A : memref<!tpu.dma_semaphore, #tpu.memory_space<semaphore_mem>>) src(%dma_wait3A_61 : memref<16x128xf32, #tpu.memory_space<vmem_shared>>) dst(%dma_wait3A_58 : memref<16x128xf32, #tpu.memory_space<hbm>>)
        tpu.yield
      }) : () -> ()
    } else {
    }
    return
  }
}

#map = affine_map<(d0, d1) -> (0, 0, 0)>
#map1 = affine_map<(d0, d1) -> (0, 0)>
module attributes {stable_mosaic.version = 14 : i64} {
  func.func @_deg_pass(%arg0: i32, %arg1: i32, %arg2: memref<32x80x128xi32, #tpu.memory_space<hbm>>, %arg3: memref<128x128xf32, #tpu.memory_space<hbm>>, %arg4: memref<10000x128xf32, #tpu.memory_space<hbm>>, %arg5: memref<2x10000x128xf32, #tpu.memory_space<hbm>>, %arg6: memref<10008x128xf32, #tpu.memory_space<vmem_shared>>, %arg7: memref<40x128xi32, #tpu.memory_space<vmem>>, %arg8: memref<128x128xf32, #tpu.memory_space<vmem>>, %arg9: memref<!tpu.dma_semaphore, #tpu.memory_space<semaphore_mem>>) attributes {dimension_semantics = [#tpu.dimension_semantics<core_parallel>, #tpu.dimension_semantics<subcore_parallel>], iteration_bounds = array<i64: 2, 16>, scalar_prefetch = 0 : i64, scratch_operands = 4 : i64, tpu.core_type = #tpu.core_type<sc_vector_subcore>, window_params = [{transform_indices = #map}, {transform_indices = #map1}, {transform_indices = #map1}, {transform_indices = #map}]} {
    %mul3A = arith.constant 16 : i32
    %mul3A_0 = arith.muli %arg0, %mul3A : i32
    %add3A = arith.addi %mul3A_0, %arg1 : i32
    %mul3A_1 = arith.constant 624 : i32
    %mul3A_2 = arith.muli %arg1, %mul3A_1 : i32
    "tpu.region"() ({
      %run_scoped3A = tpu.sem_alloc : memref<!tpu.dma_semaphore, #tpu.memory_space<semaphore_mem>>
      %dma_start3A = arith.constant 0 : i32
      %dma_start3A_34 = tpu.memref_slice %arg6[%mul3A_2, %dma_start3A] : memref<10008x128xf32, #tpu.memory_space<vmem_shared>> -> memref<624x128xf32, #tpu.memory_space<vmem_shared>>
      %dma_start3A_35 = arith.constant 0 : i32
      %dma_start3A_36 = tpu.memref_slice %arg4[%mul3A_2, %dma_start3A_35] : memref<10000x128xf32, #tpu.memory_space<hbm>> -> memref<624x128xf32, #tpu.memory_space<hbm>>
      tpu.enqueue_dma source(%dma_start3A_36 : memref<624x128xf32, #tpu.memory_space<hbm>>) target(%dma_start3A_34 : memref<624x128xf32, #tpu.memory_space<vmem_shared>>) target_semaphore(%run_scoped3A : memref<!tpu.dma_semaphore, #tpu.memory_space<semaphore_mem>>)
      %dma_wait3A = arith.constant 0 : i32
      %dma_wait3A_37 = tpu.memref_slice %arg6[%mul3A_2, %dma_wait3A] : memref<10008x128xf32, #tpu.memory_space<vmem_shared>> -> memref<624x128xf32, #tpu.memory_space<vmem_shared>>
      %dma_wait3A_38 = arith.constant 0 : i32
      %dma_wait3A_39 = tpu.memref_slice %arg4[%mul3A_2, %dma_wait3A_38] : memref<10000x128xf32, #tpu.memory_space<hbm>> -> memref<624x128xf32, #tpu.memory_space<hbm>>
      tpu.wait_dma2 semaphore(%run_scoped3A : memref<!tpu.dma_semaphore, #tpu.memory_space<semaphore_mem>>) src(%dma_wait3A_39 : memref<624x128xf32, #tpu.memory_space<hbm>>) dst(%dma_wait3A_37 : memref<624x128xf32, #tpu.memory_space<vmem_shared>>)
      tpu.yield
    }) : () -> ()
    %eq3A = arith.constant 15 : i32
    %eq3A_3 = arith.cmpi eq, %arg1, %eq3A : i32
    %convert_element_type3A = arith.extui %eq3A_3 : i1 to i32
    %cond3A = arith.constant 0 : i32
    %cond3A_4 = arith.cmpi ne, %convert_element_type3A, %cond3A : i32
    scf.if %cond3A_4 {
      "tpu.region"() ({
        %run_scoped3A = tpu.sem_alloc : memref<!tpu.dma_semaphore, #tpu.memory_space<semaphore_mem>>
        %dma_start3A = arith.constant 9984 : i32
        %dma_start3A_34 = arith.constant 0 : i32
        %dma_start3A_35 = tpu.memref_slice %arg6[%dma_start3A, %dma_start3A_34] : memref<10008x128xf32, #tpu.memory_space<vmem_shared>> -> memref<16x128xf32, #tpu.memory_space<vmem_shared>>
        %dma_start3A_36 = arith.constant 9984 : i32
        %dma_start3A_37 = arith.constant 0 : i32
        %dma_start3A_38 = tpu.memref_slice %arg4[%dma_start3A_36, %dma_start3A_37] : memref<10000x128xf32, #tpu.memory_space<hbm>> -> memref<16x128xf32, #tpu.memory_space<hbm>>
        tpu.enqueue_dma source(%dma_start3A_38 : memref<16x128xf32, #tpu.memory_space<hbm>>) target(%dma_start3A_35 : memref<16x128xf32, #tpu.memory_space<vmem_shared>>) target_semaphore(%run_scoped3A : memref<!tpu.dma_semaphore, #tpu.memory_space<semaphore_mem>>)
        %dma_wait3A = arith.constant 9984 : i32
        %dma_wait3A_39 = arith.constant 0 : i32
        %dma_wait3A_40 = tpu.memref_slice %arg6[%dma_wait3A, %dma_wait3A_39] : memref<10008x128xf32, #tpu.memory_space<vmem_shared>> -> memref<16x128xf32, #tpu.memory_space<vmem_shared>>
        %dma_wait3A_41 = arith.constant 9984 : i32
        %dma_wait3A_42 = arith.constant 0 : i32
        %dma_wait3A_43 = tpu.memref_slice %arg4[%dma_wait3A_41, %dma_wait3A_42] : memref<10000x128xf32, #tpu.memory_space<hbm>> -> memref<16x128xf32, #tpu.memory_space<hbm>>
        tpu.wait_dma2 semaphore(%run_scoped3A : memref<!tpu.dma_semaphore, #tpu.memory_space<semaphore_mem>>) src(%dma_wait3A_43 : memref<16x128xf32, #tpu.memory_space<hbm>>) dst(%dma_wait3A_40 : memref<16x128xf32, #tpu.memory_space<vmem_shared>>)
        tpu.yield
      }) : () -> ()
    } else {
    }
    "tpu.region"() ({
      %run_scoped3A = tpu.sem_alloc : memref<!tpu.dma_semaphore, #tpu.memory_space<semaphore_mem>>
      tpu.enqueue_dma source(%arg3 : memref<128x128xf32, #tpu.memory_space<hbm>>) target(%arg8 : memref<128x128xf32, #tpu.memory_space<vmem>>) target_semaphore(%run_scoped3A : memref<!tpu.dma_semaphore, #tpu.memory_space<semaphore_mem>>)
      tpu.wait_dma2 semaphore(%run_scoped3A : memref<!tpu.dma_semaphore, #tpu.memory_space<semaphore_mem>>) src(%arg3 : memref<128x128xf32, #tpu.memory_space<hbm>>) dst(%arg8 : memref<128x128xf32, #tpu.memory_space<vmem>>)
      tpu.yield
    }) : () -> ()
    %barrier3A = arith.constant 0 : index
    tpu.barrier barrier_id(%barrier3A)
    "tpu.region"() ({
      %run_scoped3A = tpu.sem_alloc : memref<!tpu.dma_semaphore, #tpu.memory_space<semaphore_mem>>
      %dma_start3A = arith.constant 0 : i32
      %dma_start3A_34 = arith.constant 0 : i32
      %dma_start3A_35 = tpu.memref_slice %arg2[%add3A, %dma_start3A, %dma_start3A_34] : memref<32x80x128xi32, #tpu.memory_space<hbm>> -> memref<1x40x128xi32, #tpu.memory_space<hbm>>
      %dma_start3A_36 = tpu.memref_squeeze %dma_start3A_35 : memref<1x40x128xi32, #tpu.memory_space<hbm>> -> memref<40x128xi32, #tpu.memory_space<hbm>>
      %dma_start3A_37 = arith.constant 0 : i32
      %dma_start3A_38 = arith.constant 0 : i32
      %dma_start3A_39 = tpu.memref_slice %arg2[%add3A, %dma_start3A_37, %dma_start3A_38] : memref<32x80x128xi32, #tpu.memory_space<hbm>> -> memref<1x40x128xi32, #tpu.memory_space<hbm>>
      %dma_start3A_40 = tpu.memref_squeeze %dma_start3A_39 : memref<1x40x128xi32, #tpu.memory_space<hbm>> -> memref<40x128xi32, #tpu.memory_space<hbm>>
      tpu.enqueue_dma source(%dma_start3A_40 : memref<40x128xi32, #tpu.memory_space<hbm>>) target(%arg7 : memref<40x128xi32, #tpu.memory_space<vmem>>) target_semaphore(%run_scoped3A : memref<!tpu.dma_semaphore, #tpu.memory_space<semaphore_mem>>)
      %dma_wait3A = arith.constant 0 : i32
      %dma_wait3A_41 = arith.constant 0 : i32
      %dma_wait3A_42 = tpu.memref_slice %arg2[%add3A, %dma_wait3A, %dma_wait3A_41] : memref<32x80x128xi32, #tpu.memory_space<hbm>> -> memref<1x40x128xi32, #tpu.memory_space<hbm>>
      %dma_wait3A_43 = tpu.memref_squeeze %dma_wait3A_42 : memref<1x40x128xi32, #tpu.memory_space<hbm>> -> memref<40x128xi32, #tpu.memory_space<hbm>>
      %dma_wait3A_44 = arith.constant 0 : i32
      %dma_wait3A_45 = arith.constant 0 : i32
      %dma_wait3A_46 = tpu.memref_slice %arg2[%add3A, %dma_wait3A_44, %dma_wait3A_45] : memref<32x80x128xi32, #tpu.memory_space<hbm>> -> memref<1x40x128xi32, #tpu.memory_space<hbm>>
      %dma_wait3A_47 = tpu.memref_squeeze %dma_wait3A_46 : memref<1x40x128xi32, #tpu.memory_space<hbm>> -> memref<40x128xi32, #tpu.memory_space<hbm>>
      tpu.wait_dma2 semaphore(%run_scoped3A : memref<!tpu.dma_semaphore, #tpu.memory_space<semaphore_mem>>) src(%dma_wait3A_47 : memref<40x128xi32, #tpu.memory_space<hbm>>) dst(%arg7 : memref<40x128xi32, #tpu.memory_space<vmem>>)
      tpu.yield
    }) : () -> ()
    %scan3A = arith.constant 0 : i32
    %scan3A_5 = arith.constant 0 : i32
    %scan3A_6 = arith.constant 40 : i32
    %scan3A_7 = arith.addi %scan3A_5, %scan3A_6 : i32
    %scan3A_8 = arith.constant 1 : i32
    scf.for %scan3A_34 = %scan3A_5 to %scan3A_7 step %scan3A_8  : i32 {
      %dma_start3A = arith.constant 0 : i32
      %dma_start3A_35 = tpu.memref_slice %arg7[%scan3A_34, %dma_start3A] : memref<40x128xi32, #tpu.memory_space<vmem>> -> memref<1x128xi32, #tpu.memory_space<vmem>>
      %dma_start3A_36 = tpu.memref_squeeze %dma_start3A_35 : memref<1x128xi32, #tpu.memory_space<vmem>> -> memref<128xi32, #tpu.memory_space<vmem>>
      %dma_start3A_37 = arith.constant 0 : i32
      %dma_start3A_38 = arith.constant 0 : i32
      %dma_start3A_39 = tpu.memref_slice %arg6[%dma_start3A_37, %dma_start3A_38] : memref<10008x128xf32, #tpu.memory_space<vmem_shared>> -> memref<10008x128xf32, #tpu.memory_space<vmem_shared>>
      tpu.enqueue_indirect_dma source(%arg8 : memref<128x128xf32, #tpu.memory_space<vmem>>) target(%dma_start3A_39 : memref<10008x128xf32, #tpu.memory_space<vmem_shared>>) offsets(%dma_start3A_36 : memref<128xi32, #tpu.memory_space<vmem>>) semaphore(%arg9 : memref<!tpu.dma_semaphore, #tpu.memory_space<semaphore_mem>>) {add = true}
    }
    %scan3A_9 = arith.constant 40 : i32
    %scan3A_10 = arith.constant 0 : i32
    %scan3A_11 = arith.constant 0 : i32
    %scan3A_12 = arith.constant 40 : i32
    %scan3A_13 = arith.addi %scan3A_11, %scan3A_12 : i32
    %scan3A_14 = arith.constant 1 : i32
    scf.for %scan3A_34 = %scan3A_11 to %scan3A_13 step %scan3A_14  : i32 {
      %dma_wait3A = arith.constant 0 : i32
      %dma_wait3A_35 = arith.constant 0 : i32
      %dma_wait3A_36 = tpu.memref_slice %arg7[%dma_wait3A, %dma_wait3A_35] : memref<40x128xi32, #tpu.memory_space<vmem>> -> memref<1x128xi32, #tpu.memory_space<vmem>>
      %dma_wait3A_37 = tpu.memref_squeeze %dma_wait3A_36 : memref<1x128xi32, #tpu.memory_space<vmem>> -> memref<128xi32, #tpu.memory_space<vmem>>
      %dma_wait3A_38 = arith.constant 0 : i32
      %dma_wait3A_39 = arith.constant 0 : i32
      %dma_wait3A_40 = tpu.memref_slice %arg6[%dma_wait3A_38, %dma_wait3A_39] : memref<10008x128xf32, #tpu.memory_space<vmem_shared>> -> memref<10008x128xf32, #tpu.memory_space<vmem_shared>>
      tpu.wait_indirect_dma semaphore(%arg9 : memref<!tpu.dma_semaphore, #tpu.memory_space<semaphore_mem>>) src(%arg8 : memref<128x128xf32, #tpu.memory_space<vmem>>) dst(%dma_wait3A_40 : memref<10008x128xf32, #tpu.memory_space<vmem_shared>>)
    }
    %scan3A_15 = arith.constant 40 : i32
    "tpu.region"() ({
      %run_scoped3A = tpu.sem_alloc : memref<!tpu.dma_semaphore, #tpu.memory_space<semaphore_mem>>
      %dma_start3A = arith.constant 40 : i32
      %dma_start3A_34 = arith.constant 0 : i32
      %dma_start3A_35 = tpu.memref_slice %arg2[%add3A, %dma_start3A, %dma_start3A_34] : memref<32x80x128xi32, #tpu.memory_space<hbm>> -> memref<1x40x128xi32, #tpu.memory_space<hbm>>
      %dma_start3A_36 = tpu.memref_squeeze %dma_start3A_35 : memref<1x40x128xi32, #tpu.memory_space<hbm>> -> memref<40x128xi32, #tpu.memory_space<hbm>>
      %dma_start3A_37 = arith.constant 40 : i32
      %dma_start3A_38 = arith.constant 0 : i32
      %dma_start3A_39 = tpu.memref_slice %arg2[%add3A, %dma_start3A_37, %dma_start3A_38] : memref<32x80x128xi32, #tpu.memory_space<hbm>> -> memref<1x40x128xi32, #tpu.memory_space<hbm>>
      %dma_start3A_40 = tpu.memref_squeeze %dma_start3A_39 : memref<1x40x128xi32, #tpu.memory_space<hbm>> -> memref<40x128xi32, #tpu.memory_space<hbm>>
      tpu.enqueue_dma source(%dma_start3A_40 : memref<40x128xi32, #tpu.memory_space<hbm>>) target(%arg7 : memref<40x128xi32, #tpu.memory_space<vmem>>) target_semaphore(%run_scoped3A : memref<!tpu.dma_semaphore, #tpu.memory_space<semaphore_mem>>)
      %dma_wait3A = arith.constant 40 : i32
      %dma_wait3A_41 = arith.constant 0 : i32
      %dma_wait3A_42 = tpu.memref_slice %arg2[%add3A, %dma_wait3A, %dma_wait3A_41] : memref<32x80x128xi32, #tpu.memory_space<hbm>> -> memref<1x40x128xi32, #tpu.memory_space<hbm>>
      %dma_wait3A_43 = tpu.memref_squeeze %dma_wait3A_42 : memref<1x40x128xi32, #tpu.memory_space<hbm>> -> memref<40x128xi32, #tpu.memory_space<hbm>>
      %dma_wait3A_44 = arith.constant 40 : i32
      %dma_wait3A_45 = arith.constant 0 : i32
      %dma_wait3A_46 = tpu.memref_slice %arg2[%add3A, %dma_wait3A_44, %dma_wait3A_45] : memref<32x80x128xi32, #tpu.memory_space<hbm>> -> memref<1x40x128xi32, #tpu.memory_space<hbm>>
      %dma_wait3A_47 = tpu.memref_squeeze %dma_wait3A_46 : memref<1x40x128xi32, #tpu.memory_space<hbm>> -> memref<40x128xi32, #tpu.memory_space<hbm>>
      tpu.wait_dma2 semaphore(%run_scoped3A : memref<!tpu.dma_semaphore, #tpu.memory_space<semaphore_mem>>) src(%dma_wait3A_47 : memref<40x128xi32, #tpu.memory_space<hbm>>) dst(%arg7 : memref<40x128xi32, #tpu.memory_space<vmem>>)
      tpu.yield
    }) : () -> ()
    %scan3A_16 = arith.constant 0 : i32
    %scan3A_17 = arith.constant 0 : i32
    %scan3A_18 = arith.constant 40 : i32
    %scan3A_19 = arith.addi %scan3A_17, %scan3A_18 : i32
    %scan3A_20 = arith.constant 1 : i32
    scf.for %scan3A_34 = %scan3A_17 to %scan3A_19 step %scan3A_20  : i32 {
      %dma_start3A = arith.constant 0 : i32
      %dma_start3A_35 = tpu.memref_slice %arg7[%scan3A_34, %dma_start3A] : memref<40x128xi32, #tpu.memory_space<vmem>> -> memref<1x128xi32, #tpu.memory_space<vmem>>
      %dma_start3A_36 = tpu.memref_squeeze %dma_start3A_35 : memref<1x128xi32, #tpu.memory_space<vmem>> -> memref<128xi32, #tpu.memory_space<vmem>>
      %dma_start3A_37 = arith.constant 0 : i32
      %dma_start3A_38 = arith.constant 0 : i32
      %dma_start3A_39 = tpu.memref_slice %arg6[%dma_start3A_37, %dma_start3A_38] : memref<10008x128xf32, #tpu.memory_space<vmem_shared>> -> memref<10008x128xf32, #tpu.memory_space<vmem_shared>>
      tpu.enqueue_indirect_dma source(%arg8 : memref<128x128xf32, #tpu.memory_space<vmem>>) target(%dma_start3A_39 : memref<10008x128xf32, #tpu.memory_space<vmem_shared>>) offsets(%dma_start3A_36 : memref<128xi32, #tpu.memory_space<vmem>>) semaphore(%arg9 : memref<!tpu.dma_semaphore, #tpu.memory_space<semaphore_mem>>) {add = true}
    }
    %scan3A_21 = arith.constant 40 : i32
    %scan3A_22 = arith.constant 0 : i32
    %scan3A_23 = arith.constant 0 : i32
    %scan3A_24 = arith.constant 40 : i32
    %scan3A_25 = arith.addi %scan3A_23, %scan3A_24 : i32
    %scan3A_26 = arith.constant 1 : i32
    scf.for %scan3A_34 = %scan3A_23 to %scan3A_25 step %scan3A_26  : i32 {
      %dma_wait3A = arith.constant 0 : i32
      %dma_wait3A_35 = arith.constant 0 : i32
      %dma_wait3A_36 = tpu.memref_slice %arg7[%dma_wait3A, %dma_wait3A_35] : memref<40x128xi32, #tpu.memory_space<vmem>> -> memref<1x128xi32, #tpu.memory_space<vmem>>
      %dma_wait3A_37 = tpu.memref_squeeze %dma_wait3A_36 : memref<1x128xi32, #tpu.memory_space<vmem>> -> memref<128xi32, #tpu.memory_space<vmem>>
      %dma_wait3A_38 = arith.constant 0 : i32
      %dma_wait3A_39 = arith.constant 0 : i32
      %dma_wait3A_40 = tpu.memref_slice %arg6[%dma_wait3A_38, %dma_wait3A_39] : memref<10008x128xf32, #tpu.memory_space<vmem_shared>> -> memref<10008x128xf32, #tpu.memory_space<vmem_shared>>
      tpu.wait_indirect_dma semaphore(%arg9 : memref<!tpu.dma_semaphore, #tpu.memory_space<semaphore_mem>>) src(%arg8 : memref<128x128xf32, #tpu.memory_space<vmem>>) dst(%dma_wait3A_40 : memref<10008x128xf32, #tpu.memory_space<vmem_shared>>)
    }
    %scan3A_27 = arith.constant 40 : i32
    %barrier3A_28 = arith.constant 0 : index
    tpu.barrier barrier_id(%barrier3A_28)
    "tpu.region"() ({
      %run_scoped3A = tpu.sem_alloc : memref<!tpu.dma_semaphore, #tpu.memory_space<semaphore_mem>>
      %dma_start3A = arith.constant 0 : i32
      %dma_start3A_34 = tpu.memref_slice %arg5[%arg0, %mul3A_2, %dma_start3A] : memref<2x10000x128xf32, #tpu.memory_space<hbm>> -> memref<1x624x128xf32, #tpu.memory_space<hbm>>
      %dma_start3A_35 = tpu.memref_squeeze %dma_start3A_34 : memref<1x624x128xf32, #tpu.memory_space<hbm>> -> memref<624x128xf32, #tpu.memory_space<hbm>>
      %dma_start3A_36 = arith.constant 0 : i32
      %dma_start3A_37 = tpu.memref_slice %arg6[%mul3A_2, %dma_start3A_36] : memref<10008x128xf32, #tpu.memory_space<vmem_shared>> -> memref<624x128xf32, #tpu.memory_space<vmem_shared>>
      tpu.enqueue_dma source(%dma_start3A_37 : memref<624x128xf32, #tpu.memory_space<vmem_shared>>) target(%dma_start3A_35 : memref<624x128xf32, #tpu.memory_space<hbm>>) target_semaphore(%run_scoped3A : memref<!tpu.dma_semaphore, #tpu.memory_space<semaphore_mem>>)
      %dma_wait3A = arith.constant 0 : i32
      %dma_wait3A_38 = tpu.memref_slice %arg5[%arg0, %mul3A_2, %dma_wait3A] : memref<2x10000x128xf32, #tpu.memory_space<hbm>> -> memref<1x624x128xf32, #tpu.memory_space<hbm>>
      %dma_wait3A_39 = tpu.memref_squeeze %dma_wait3A_38 : memref<1x624x128xf32, #tpu.memory_space<hbm>> -> memref<624x128xf32, #tpu.memory_space<hbm>>
      %dma_wait3A_40 = arith.constant 0 : i32
      %dma_wait3A_41 = tpu.memref_slice %arg6[%mul3A_2, %dma_wait3A_40] : memref<10008x128xf32, #tpu.memory_space<vmem_shared>> -> memref<624x128xf32, #tpu.memory_space<vmem_shared>>
      tpu.wait_dma2 semaphore(%run_scoped3A : memref<!tpu.dma_semaphore, #tpu.memory_space<semaphore_mem>>) src(%dma_wait3A_41 : memref<624x128xf32, #tpu.memory_space<vmem_shared>>) dst(%dma_wait3A_39 : memref<624x128xf32, #tpu.memory_space<hbm>>)
      tpu.yield
    }) : () -> ()
    %eq3A_29 = arith.constant 15 : i32
    %eq3A_30 = arith.cmpi eq, %arg1, %eq3A_29 : i32
    %convert_element_type3A_31 = arith.extui %eq3A_30 : i1 to i32
    %cond3A_32 = arith.constant 0 : i32
    %cond3A_33 = arith.cmpi ne, %convert_element_type3A_31, %cond3A_32 : i32
    scf.if %cond3A_33 {
      "tpu.region"() ({
        %run_scoped3A = tpu.sem_alloc : memref<!tpu.dma_semaphore, #tpu.memory_space<semaphore_mem>>
        %dma_start3A = arith.constant 9984 : i32
        %dma_start3A_34 = arith.constant 0 : i32
        %dma_start3A_35 = tpu.memref_slice %arg5[%arg0, %dma_start3A, %dma_start3A_34] : memref<2x10000x128xf32, #tpu.memory_space<hbm>> -> memref<1x16x128xf32, #tpu.memory_space<hbm>>
        %dma_start3A_36 = tpu.memref_squeeze %dma_start3A_35 : memref<1x16x128xf32, #tpu.memory_space<hbm>> -> memref<16x128xf32, #tpu.memory_space<hbm>>
        %dma_start3A_37 = arith.constant 9984 : i32
        %dma_start3A_38 = arith.constant 0 : i32
        %dma_start3A_39 = tpu.memref_slice %arg6[%dma_start3A_37, %dma_start3A_38] : memref<10008x128xf32, #tpu.memory_space<vmem_shared>> -> memref<16x128xf32, #tpu.memory_space<vmem_shared>>
        tpu.enqueue_dma source(%dma_start3A_39 : memref<16x128xf32, #tpu.memory_space<vmem_shared>>) target(%dma_start3A_36 : memref<16x128xf32, #tpu.memory_space<hbm>>) target_semaphore(%run_scoped3A : memref<!tpu.dma_semaphore, #tpu.memory_space<semaphore_mem>>)
        %dma_wait3A = arith.constant 9984 : i32
        %dma_wait3A_40 = arith.constant 0 : i32
        %dma_wait3A_41 = tpu.memref_slice %arg5[%arg0, %dma_wait3A, %dma_wait3A_40] : memref<2x10000x128xf32, #tpu.memory_space<hbm>> -> memref<1x16x128xf32, #tpu.memory_space<hbm>>
        %dma_wait3A_42 = tpu.memref_squeeze %dma_wait3A_41 : memref<1x16x128xf32, #tpu.memory_space<hbm>> -> memref<16x128xf32, #tpu.memory_space<hbm>>
        %dma_wait3A_43 = arith.constant 9984 : i32
        %dma_wait3A_44 = arith.constant 0 : i32
        %dma_wait3A_45 = tpu.memref_slice %arg6[%dma_wait3A_43, %dma_wait3A_44] : memref<10008x128xf32, #tpu.memory_space<vmem_shared>> -> memref<16x128xf32, #tpu.memory_space<vmem_shared>>
        tpu.wait_dma2 semaphore(%run_scoped3A : memref<!tpu.dma_semaphore, #tpu.memory_space<semaphore_mem>>) src(%dma_wait3A_45 : memref<16x128xf32, #tpu.memory_space<vmem_shared>>) dst(%dma_wait3A_42 : memref<16x128xf32, #tpu.memory_space<hbm>>)
        tpu.yield
      }) : () -> ()
    } else {
    }
    return
  }
}

#map = affine_map<(d0, d1) -> (0, 0)>
#map1 = affine_map<(d0, d1) -> (0, 0, 0)>
module attributes {stable_mosaic.version = 14 : i64} {
  func.func @_edge_pass(%arg0: i32, %arg1: i32, %arg2: memref<10000x128xf32, #tpu.memory_space<hbm>>, %arg3: memref<32x80x128xi32, #tpu.memory_space<hbm>>, %arg4: memref<32x80x128xi32, #tpu.memory_space<hbm>>, %arg5: memref<10000x128xf32, #tpu.memory_space<hbm>>, %arg6: memref<2x10000x128xf32, #tpu.memory_space<hbm>>, %arg7: memref<10008x128xf32, #tpu.memory_space<vmem_shared>>, %arg8: memref<40x128xi32, #tpu.memory_space<vmem>>, %arg9: memref<40x128xi32, #tpu.memory_space<vmem>>, %arg10: memref<128x128xf32, #tpu.memory_space<vmem>>, %arg11: memref<128x128xf32, #tpu.memory_space<vmem>>, %arg12: memref<!tpu.dma_semaphore, #tpu.memory_space<semaphore_mem>>, %arg13: memref<!tpu.dma_semaphore, #tpu.memory_space<semaphore_mem>>, %arg14: memref<!tpu.dma_semaphore, #tpu.memory_space<semaphore_mem>>, %arg15: memref<!tpu.dma_semaphore, #tpu.memory_space<semaphore_mem>>) attributes {dimension_semantics = [#tpu.dimension_semantics<core_parallel>, #tpu.dimension_semantics<subcore_parallel>], iteration_bounds = array<i64: 2, 16>, scalar_prefetch = 0 : i64, scratch_operands = 9 : i64, tpu.core_type = #tpu.core_type<sc_vector_subcore>, window_params = [{transform_indices = #map}, {transform_indices = #map1}, {transform_indices = #map1}, {transform_indices = #map}, {transform_indices = #map1}]} {
    %mul3A = arith.constant 16 : i32
    %mul3A_0 = arith.muli %arg0, %mul3A : i32
    %add3A = arith.addi %mul3A_0, %arg1 : i32
    %mul3A_1 = arith.constant 624 : i32
    %mul3A_2 = arith.muli %arg1, %mul3A_1 : i32
    "tpu.region"() ({
      %run_scoped3A = tpu.sem_alloc : memref<!tpu.dma_semaphore, #tpu.memory_space<semaphore_mem>>
      %dma_start3A_48 = arith.constant 0 : i32
      %dma_start3A_49 = tpu.memref_slice %arg7[%mul3A_2, %dma_start3A_48] : memref<10008x128xf32, #tpu.memory_space<vmem_shared>> -> memref<624x128xf32, #tpu.memory_space<vmem_shared>>
      %dma_start3A_50 = arith.constant 0 : i32
      %dma_start3A_51 = tpu.memref_slice %arg5[%mul3A_2, %dma_start3A_50] : memref<10000x128xf32, #tpu.memory_space<hbm>> -> memref<624x128xf32, #tpu.memory_space<hbm>>
      tpu.enqueue_dma source(%dma_start3A_51 : memref<624x128xf32, #tpu.memory_space<hbm>>) target(%dma_start3A_49 : memref<624x128xf32, #tpu.memory_space<vmem_shared>>) target_semaphore(%run_scoped3A : memref<!tpu.dma_semaphore, #tpu.memory_space<semaphore_mem>>)
      %dma_wait3A_52 = arith.constant 0 : i32
      %dma_wait3A_53 = tpu.memref_slice %arg7[%mul3A_2, %dma_wait3A_52] : memref<10008x128xf32, #tpu.memory_space<vmem_shared>> -> memref<624x128xf32, #tpu.memory_space<vmem_shared>>
      %dma_wait3A_54 = arith.constant 0 : i32
      %dma_wait3A_55 = tpu.memref_slice %arg5[%mul3A_2, %dma_wait3A_54] : memref<10000x128xf32, #tpu.memory_space<hbm>> -> memref<624x128xf32, #tpu.memory_space<hbm>>
      tpu.wait_dma2 semaphore(%run_scoped3A : memref<!tpu.dma_semaphore, #tpu.memory_space<semaphore_mem>>) src(%dma_wait3A_55 : memref<624x128xf32, #tpu.memory_space<hbm>>) dst(%dma_wait3A_53 : memref<624x128xf32, #tpu.memory_space<vmem_shared>>)
      tpu.yield
    }) : () -> ()
    %eq3A = arith.constant 15 : i32
    %eq3A_3 = arith.cmpi eq, %arg1, %eq3A : i32
    %convert_element_type3A = arith.extui %eq3A_3 : i1 to i32
    %cond3A = arith.constant 0 : i32
    %cond3A_4 = arith.cmpi ne, %convert_element_type3A, %cond3A : i32
    scf.if %cond3A_4 {
      "tpu.region"() ({
        %run_scoped3A = tpu.sem_alloc : memref<!tpu.dma_semaphore, #tpu.memory_space<semaphore_mem>>
        %dma_start3A_48 = arith.constant 9984 : i32
        %dma_start3A_49 = arith.constant 0 : i32
        %dma_start3A_50 = tpu.memref_slice %arg7[%dma_start3A_48, %dma_start3A_49] : memref<10008x128xf32, #tpu.memory_space<vmem_shared>> -> memref<16x128xf32, #tpu.memory_space<vmem_shared>>
        %dma_start3A_51 = arith.constant 9984 : i32
        %dma_start3A_52 = arith.constant 0 : i32
        %dma_start3A_53 = tpu.memref_slice %arg5[%dma_start3A_51, %dma_start3A_52] : memref<10000x128xf32, #tpu.memory_space<hbm>> -> memref<16x128xf32, #tpu.memory_space<hbm>>
        tpu.enqueue_dma source(%dma_start3A_53 : memref<16x128xf32, #tpu.memory_space<hbm>>) target(%dma_start3A_50 : memref<16x128xf32, #tpu.memory_space<vmem_shared>>) target_semaphore(%run_scoped3A : memref<!tpu.dma_semaphore, #tpu.memory_space<semaphore_mem>>)
        %dma_wait3A_54 = arith.constant 9984 : i32
        %dma_wait3A_55 = arith.constant 0 : i32
        %dma_wait3A_56 = tpu.memref_slice %arg7[%dma_wait3A_54, %dma_wait3A_55] : memref<10008x128xf32, #tpu.memory_space<vmem_shared>> -> memref<16x128xf32, #tpu.memory_space<vmem_shared>>
        %dma_wait3A_57 = arith.constant 9984 : i32
        %dma_wait3A_58 = arith.constant 0 : i32
        %dma_wait3A_59 = tpu.memref_slice %arg5[%dma_wait3A_57, %dma_wait3A_58] : memref<10000x128xf32, #tpu.memory_space<hbm>> -> memref<16x128xf32, #tpu.memory_space<hbm>>
        tpu.wait_dma2 semaphore(%run_scoped3A : memref<!tpu.dma_semaphore, #tpu.memory_space<semaphore_mem>>) src(%dma_wait3A_59 : memref<16x128xf32, #tpu.memory_space<hbm>>) dst(%dma_wait3A_56 : memref<16x128xf32, #tpu.memory_space<vmem_shared>>)
        tpu.yield
      }) : () -> ()
    } else {
    }
    %barrier3A = arith.constant 0 : index
    tpu.barrier barrier_id(%barrier3A)
    "tpu.region"() ({
      %run_scoped3A = tpu.sem_alloc : memref<!tpu.dma_semaphore, #tpu.memory_space<semaphore_mem>>
      %dma_start3A_48 = arith.constant 0 : i32
      %dma_start3A_49 = arith.constant 0 : i32
      %dma_start3A_50 = tpu.memref_slice %arg3[%add3A, %dma_start3A_48, %dma_start3A_49] : memref<32x80x128xi32, #tpu.memory_space<hbm>> -> memref<1x40x128xi32, #tpu.memory_space<hbm>>
      %dma_start3A_51 = tpu.memref_squeeze %dma_start3A_50 : memref<1x40x128xi32, #tpu.memory_space<hbm>> -> memref<40x128xi32, #tpu.memory_space<hbm>>
      %dma_start3A_52 = arith.constant 0 : i32
      %dma_start3A_53 = arith.constant 0 : i32
      %dma_start3A_54 = tpu.memref_slice %arg3[%add3A, %dma_start3A_52, %dma_start3A_53] : memref<32x80x128xi32, #tpu.memory_space<hbm>> -> memref<1x40x128xi32, #tpu.memory_space<hbm>>
      %dma_start3A_55 = tpu.memref_squeeze %dma_start3A_54 : memref<1x40x128xi32, #tpu.memory_space<hbm>> -> memref<40x128xi32, #tpu.memory_space<hbm>>
      tpu.enqueue_dma source(%dma_start3A_55 : memref<40x128xi32, #tpu.memory_space<hbm>>) target(%arg8 : memref<40x128xi32, #tpu.memory_space<vmem>>) target_semaphore(%run_scoped3A : memref<!tpu.dma_semaphore, #tpu.memory_space<semaphore_mem>>)
      %dma_wait3A_56 = arith.constant 0 : i32
      %dma_wait3A_57 = arith.constant 0 : i32
      %dma_wait3A_58 = tpu.memref_slice %arg3[%add3A, %dma_wait3A_56, %dma_wait3A_57] : memref<32x80x128xi32, #tpu.memory_space<hbm>> -> memref<1x40x128xi32, #tpu.memory_space<hbm>>
      %dma_wait3A_59 = tpu.memref_squeeze %dma_wait3A_58 : memref<1x40x128xi32, #tpu.memory_space<hbm>> -> memref<40x128xi32, #tpu.memory_space<hbm>>
      %dma_wait3A_60 = arith.constant 0 : i32
      %dma_wait3A_61 = arith.constant 0 : i32
      %dma_wait3A_62 = tpu.memref_slice %arg3[%add3A, %dma_wait3A_60, %dma_wait3A_61] : memref<32x80x128xi32, #tpu.memory_space<hbm>> -> memref<1x40x128xi32, #tpu.memory_space<hbm>>
      %dma_wait3A_63 = tpu.memref_squeeze %dma_wait3A_62 : memref<1x40x128xi32, #tpu.memory_space<hbm>> -> memref<40x128xi32, #tpu.memory_space<hbm>>
      tpu.wait_dma2 semaphore(%run_scoped3A : memref<!tpu.dma_semaphore, #tpu.memory_space<semaphore_mem>>) src(%dma_wait3A_63 : memref<40x128xi32, #tpu.memory_space<hbm>>) dst(%arg8 : memref<40x128xi32, #tpu.memory_space<vmem>>)
      tpu.yield
    }) : () -> ()
    "tpu.region"() ({
      %run_scoped3A = tpu.sem_alloc : memref<!tpu.dma_semaphore, #tpu.memory_space<semaphore_mem>>
      %dma_start3A_48 = arith.constant 0 : i32
      %dma_start3A_49 = arith.constant 0 : i32
      %dma_start3A_50 = tpu.memref_slice %arg4[%add3A, %dma_start3A_48, %dma_start3A_49] : memref<32x80x128xi32, #tpu.memory_space<hbm>> -> memref<1x40x128xi32, #tpu.memory_space<hbm>>
      %dma_start3A_51 = tpu.memref_squeeze %dma_start3A_50 : memref<1x40x128xi32, #tpu.memory_space<hbm>> -> memref<40x128xi32, #tpu.memory_space<hbm>>
      %dma_start3A_52 = arith.constant 0 : i32
      %dma_start3A_53 = arith.constant 0 : i32
      %dma_start3A_54 = tpu.memref_slice %arg4[%add3A, %dma_start3A_52, %dma_start3A_53] : memref<32x80x128xi32, #tpu.memory_space<hbm>> -> memref<1x40x128xi32, #tpu.memory_space<hbm>>
      %dma_start3A_55 = tpu.memref_squeeze %dma_start3A_54 : memref<1x40x128xi32, #tpu.memory_space<hbm>> -> memref<40x128xi32, #tpu.memory_space<hbm>>
      tpu.enqueue_dma source(%dma_start3A_55 : memref<40x128xi32, #tpu.memory_space<hbm>>) target(%arg9 : memref<40x128xi32, #tpu.memory_space<vmem>>) target_semaphore(%run_scoped3A : memref<!tpu.dma_semaphore, #tpu.memory_space<semaphore_mem>>)
      %dma_wait3A_56 = arith.constant 0 : i32
      %dma_wait3A_57 = arith.constant 0 : i32
      %dma_wait3A_58 = tpu.memref_slice %arg4[%add3A, %dma_wait3A_56, %dma_wait3A_57] : memref<32x80x128xi32, #tpu.memory_space<hbm>> -> memref<1x40x128xi32, #tpu.memory_space<hbm>>
      %dma_wait3A_59 = tpu.memref_squeeze %dma_wait3A_58 : memref<1x40x128xi32, #tpu.memory_space<hbm>> -> memref<40x128xi32, #tpu.memory_space<hbm>>
      %dma_wait3A_60 = arith.constant 0 : i32
      %dma_wait3A_61 = arith.constant 0 : i32
      %dma_wait3A_62 = tpu.memref_slice %arg4[%add3A, %dma_wait3A_60, %dma_wait3A_61] : memref<32x80x128xi32, #tpu.memory_space<hbm>> -> memref<1x40x128xi32, #tpu.memory_space<hbm>>
      %dma_wait3A_63 = tpu.memref_squeeze %dma_wait3A_62 : memref<1x40x128xi32, #tpu.memory_space<hbm>> -> memref<40x128xi32, #tpu.memory_space<hbm>>
      tpu.wait_dma2 semaphore(%run_scoped3A : memref<!tpu.dma_semaphore, #tpu.memory_space<semaphore_mem>>) src(%dma_wait3A_63 : memref<40x128xi32, #tpu.memory_space<hbm>>) dst(%arg9 : memref<40x128xi32, #tpu.memory_space<vmem>>)
      tpu.yield
    }) : () -> ()
    %dma_start3A = arith.constant 0 : i32
    %dma_start3A_5 = arith.constant 0 : i32
    %dma_start3A_6 = tpu.memref_slice %arg8[%dma_start3A, %dma_start3A_5] : memref<40x128xi32, #tpu.memory_space<vmem>> -> memref<1x128xi32, #tpu.memory_space<vmem>>
    %dma_start3A_7 = tpu.memref_squeeze %dma_start3A_6 : memref<1x128xi32, #tpu.memory_space<vmem>> -> memref<128xi32, #tpu.memory_space<vmem>>
    %dma_start3A_8 = arith.constant 0 : i32
    %dma_start3A_9 = arith.constant 0 : i32
    %dma_start3A_10 = tpu.memref_slice %arg2[%dma_start3A_8, %dma_start3A_9] : memref<10000x128xf32, #tpu.memory_space<hbm>> -> memref<10000x128xf32, #tpu.memory_space<hbm>>
    tpu.enqueue_indirect_dma source(%dma_start3A_10 : memref<10000x128xf32, #tpu.memory_space<hbm>>) target(%arg10 : memref<128x128xf32, #tpu.memory_space<vmem>>) offsets(%dma_start3A_7 : memref<128xi32, #tpu.memory_space<vmem>>) semaphore(%arg12 : memref<!tpu.dma_semaphore, #tpu.memory_space<semaphore_mem>>)
    %scan3A = arith.constant 0 : i32
    %scan3A_11 = arith.constant 0 : i32
    %scan3A_12 = arith.constant 20 : i32
    %scan3A_13 = arith.addi %scan3A_11, %scan3A_12 : i32
    %scan3A_14 = arith.constant 1 : i32
    scf.for %scan3A_48 = %scan3A_11 to %scan3A_13 step %scan3A_14  : i32 {
      %mul3A_49 = arith.constant 2 : i32
      %mul3A_50 = arith.muli %mul3A_49, %scan3A_48 : i32
      %add3A_51 = arith.constant 1 : i32
      %add3A_52 = arith.addi %mul3A_50, %add3A_51 : i32
      %dma_wait3A_53 = arith.constant 0 : i32
      %dma_wait3A_54 = tpu.memref_slice %arg8[%mul3A_50, %dma_wait3A_53] : memref<40x128xi32, #tpu.memory_space<vmem>> -> memref<1x128xi32, #tpu.memory_space<vmem>>
      %dma_wait3A_55 = tpu.memref_squeeze %dma_wait3A_54 : memref<1x128xi32, #tpu.memory_space<vmem>> -> memref<128xi32, #tpu.memory_space<vmem>>
      %dma_wait3A_56 = arith.constant 0 : i32
      %dma_wait3A_57 = arith.constant 0 : i32
      %dma_wait3A_58 = tpu.memref_slice %arg2[%dma_wait3A_56, %dma_wait3A_57] : memref<10000x128xf32, #tpu.memory_space<hbm>> -> memref<10000x128xf32, #tpu.memory_space<hbm>>
      tpu.wait_indirect_dma semaphore(%arg12 : memref<!tpu.dma_semaphore, #tpu.memory_space<semaphore_mem>>) src(%dma_wait3A_58 : memref<10000x128xf32, #tpu.memory_space<hbm>>) dst(%arg10 : memref<128x128xf32, #tpu.memory_space<vmem>>)
      %ge3A = arith.constant 1 : i32
      %ge3A_59 = arith.cmpi sge, %scan3A_48, %ge3A : i32
      %convert_element_type3A_60 = arith.extui %ge3A_59 : i1 to i32
      %cond3A_61 = arith.constant 0 : i32
      %cond3A_62 = arith.cmpi ne, %convert_element_type3A_60, %cond3A_61 : i32
      scf.if %cond3A_62 {
        %sub3A = arith.constant 2 : i32
        %sub3A_97 = arith.subi %add3A_52, %sub3A : i32
        %dma_wait3A_98 = arith.constant 0 : i32
        %dma_wait3A_99 = tpu.memref_slice %arg9[%sub3A_97, %dma_wait3A_98] : memref<40x128xi32, #tpu.memory_space<vmem>> -> memref<1x128xi32, #tpu.memory_space<vmem>>
        %dma_wait3A_100 = tpu.memref_squeeze %dma_wait3A_99 : memref<1x128xi32, #tpu.memory_space<vmem>> -> memref<128xi32, #tpu.memory_space<vmem>>
        %dma_wait3A_101 = arith.constant 0 : i32
        %dma_wait3A_102 = arith.constant 0 : i32
        %dma_wait3A_103 = tpu.memref_slice %arg7[%dma_wait3A_101, %dma_wait3A_102] : memref<10008x128xf32, #tpu.memory_space<vmem_shared>> -> memref<10008x128xf32, #tpu.memory_space<vmem_shared>>
        tpu.wait_indirect_dma semaphore(%arg15 : memref<!tpu.dma_semaphore, #tpu.memory_space<semaphore_mem>>) src(%arg11 : memref<128x128xf32, #tpu.memory_space<vmem>>) dst(%dma_wait3A_103 : memref<10008x128xf32, #tpu.memory_space<vmem_shared>>)
      } else {
      }
      %dma_start3A_63 = arith.constant 0 : i32
      %dma_start3A_64 = tpu.memref_slice %arg8[%add3A_52, %dma_start3A_63] : memref<40x128xi32, #tpu.memory_space<vmem>> -> memref<1x128xi32, #tpu.memory_space<vmem>>
      %dma_start3A_65 = tpu.memref_squeeze %dma_start3A_64 : memref<1x128xi32, #tpu.memory_space<vmem>> -> memref<128xi32, #tpu.memory_space<vmem>>
      %dma_start3A_66 = arith.constant 0 : i32
      %dma_start3A_67 = arith.constant 0 : i32
      %dma_start3A_68 = tpu.memref_slice %arg2[%dma_start3A_66, %dma_start3A_67] : memref<10000x128xf32, #tpu.memory_space<hbm>> -> memref<10000x128xf32, #tpu.memory_space<hbm>>
      tpu.enqueue_indirect_dma source(%dma_start3A_68 : memref<10000x128xf32, #tpu.memory_space<hbm>>) target(%arg11 : memref<128x128xf32, #tpu.memory_space<vmem>>) offsets(%dma_start3A_65 : memref<128xi32, #tpu.memory_space<vmem>>) semaphore(%arg13 : memref<!tpu.dma_semaphore, #tpu.memory_space<semaphore_mem>>)
      %dma_start3A_69 = arith.constant 0 : i32
      %dma_start3A_70 = tpu.memref_slice %arg9[%mul3A_50, %dma_start3A_69] : memref<40x128xi32, #tpu.memory_space<vmem>> -> memref<1x128xi32, #tpu.memory_space<vmem>>
      %dma_start3A_71 = tpu.memref_squeeze %dma_start3A_70 : memref<1x128xi32, #tpu.memory_space<vmem>> -> memref<128xi32, #tpu.memory_space<vmem>>
      %dma_start3A_72 = arith.constant 0 : i32
      %dma_start3A_73 = arith.constant 0 : i32
      %dma_start3A_74 = tpu.memref_slice %arg7[%dma_start3A_72, %dma_start3A_73] : memref<10008x128xf32, #tpu.memory_space<vmem_shared>> -> memref<10008x128xf32, #tpu.memory_space<vmem_shared>>
      tpu.enqueue_indirect_dma source(%arg10 : memref<128x128xf32, #tpu.memory_space<vmem>>) target(%dma_start3A_74 : memref<10008x128xf32, #tpu.memory_space<vmem_shared>>) offsets(%dma_start3A_71 : memref<128xi32, #tpu.memory_space<vmem>>) semaphore(%arg14 : memref<!tpu.dma_semaphore, #tpu.memory_space<semaphore_mem>>) {add = true}
      %dma_wait3A_75 = arith.constant 0 : i32
      %dma_wait3A_76 = tpu.memref_slice %arg8[%add3A_52, %dma_wait3A_75] : memref<40x128xi32, #tpu.memory_space<vmem>> -> memref<1x128xi32, #tpu.memory_space<vmem>>
      %dma_wait3A_77 = tpu.memref_squeeze %dma_wait3A_76 : memref<1x128xi32, #tpu.memory_space<vmem>> -> memref<128xi32, #tpu.memory_space<vmem>>
      %dma_wait3A_78 = arith.constant 0 : i32
      %dma_wait3A_79 = arith.constant 0 : i32
      %dma_wait3A_80 = tpu.memref_slice %arg2[%dma_wait3A_78, %dma_wait3A_79] : memref<10000x128xf32, #tpu.memory_space<hbm>> -> memref<10000x128xf32, #tpu.memory_space<hbm>>
      tpu.wait_indirect_dma semaphore(%arg13 : memref<!tpu.dma_semaphore, #tpu.memory_space<semaphore_mem>>) src(%dma_wait3A_80 : memref<10000x128xf32, #tpu.memory_space<hbm>>) dst(%arg11 : memref<128x128xf32, #tpu.memory_space<vmem>>)
      %dma_wait3A_81 = arith.constant 0 : i32
      %dma_wait3A_82 = tpu.memref_slice %arg9[%mul3A_50, %dma_wait3A_81] : memref<40x128xi32, #tpu.memory_space<vmem>> -> memref<1x128xi32, #tpu.memory_space<vmem>>
      %dma_wait3A_83 = tpu.memref_squeeze %dma_wait3A_82 : memref<1x128xi32, #tpu.memory_space<vmem>> -> memref<128xi32, #tpu.memory_space<vmem>>
      %dma_wait3A_84 = arith.constant 0 : i32
      %dma_wait3A_85 = arith.constant 0 : i32
      %dma_wait3A_86 = tpu.memref_slice %arg7[%dma_wait3A_84, %dma_wait3A_85] : memref<10008x128xf32, #tpu.memory_space<vmem_shared>> -> memref<10008x128xf32, #tpu.memory_space<vmem_shared>>
      tpu.wait_indirect_dma semaphore(%arg14 : memref<!tpu.dma_semaphore, #tpu.memory_space<semaphore_mem>>) src(%arg10 : memref<128x128xf32, #tpu.memory_space<vmem>>) dst(%dma_wait3A_86 : memref<10008x128xf32, #tpu.memory_space<vmem_shared>>)
      %lt3A = arith.constant 19 : i32
      %lt3A_87 = arith.cmpi slt, %scan3A_48, %lt3A : i32
      %convert_element_type3A_88 = arith.extui %lt3A_87 : i1 to i32
      %cond3A_89 = arith.constant 0 : i32
      %cond3A_90 = arith.cmpi ne, %convert_element_type3A_88, %cond3A_89 : i32
      scf.if %cond3A_90 {
        %add3A_97 = arith.constant 2 : i32
        %add3A_98 = arith.addi %mul3A_50, %add3A_97 : i32
        %dma_start3A_99 = arith.constant 0 : i32
        %dma_start3A_100 = tpu.memref_slice %arg8[%add3A_98, %dma_start3A_99] : memref<40x128xi32, #tpu.memory_space<vmem>> -> memref<1x128xi32, #tpu.memory_space<vmem>>
        %dma_start3A_101 = tpu.memref_squeeze %dma_start3A_100 : memref<1x128xi32, #tpu.memory_space<vmem>> -> memref<128xi32, #tpu.memory_space<vmem>>
        %dma_start3A_102 = arith.constant 0 : i32
        %dma_start3A_103 = arith.constant 0 : i32
        %dma_start3A_104 = tpu.memref_slice %arg2[%dma_start3A_102, %dma_start3A_103] : memref<10000x128xf32, #tpu.memory_space<hbm>> -> memref<10000x128xf32, #tpu.memory_space<hbm>>
        tpu.enqueue_indirect_dma source(%dma_start3A_104 : memref<10000x128xf32, #tpu.memory_space<hbm>>) target(%arg10 : memref<128x128xf32, #tpu.memory_space<vmem>>) offsets(%dma_start3A_101 : memref<128xi32, #tpu.memory_space<vmem>>) semaphore(%arg12 : memref<!tpu.dma_semaphore, #tpu.memory_space<semaphore_mem>>)
      } else {
      }
      %dma_start3A_91 = arith.constant 0 : i32
      %dma_start3A_92 = tpu.memref_slice %arg9[%add3A_52, %dma_start3A_91] : memref<40x128xi32, #tpu.memory_space<vmem>> -> memref<1x128xi32, #tpu.memory_space<vmem>>
      %dma_start3A_93 = tpu.memref_squeeze %dma_start3A_92 : memref<1x128xi32, #tpu.memory_space<vmem>> -> memref<128xi32, #tpu.memory_space<vmem>>
      %dma_start3A_94 = arith.constant 0 : i32
      %dma_start3A_95 = arith.constant 0 : i32
      %dma_start3A_96 = tpu.memref_slice %arg7[%dma_start3A_94, %dma_start3A_95] : memref<10008x128xf32, #tpu.memory_space<vmem_shared>> -> memref<10008x128xf32, #tpu.memory_space<vmem_shared>>
      tpu.enqueue_indirect_dma source(%arg11 : memref<128x128xf32, #tpu.memory_space<vmem>>) target(%dma_start3A_96 : memref<10008x128xf32, #tpu.memory_space<vmem_shared>>) offsets(%dma_start3A_93 : memref<128xi32, #tpu.memory_space<vmem>>) semaphore(%arg15 : memref<!tpu.dma_semaphore, #tpu.memory_space<semaphore_mem>>) {add = true}
    }
    %scan3A_15 = arith.constant 20 : i32
    %dma_wait3A = arith.constant 39 : i32
    %dma_wait3A_16 = arith.constant 0 : i32
    %dma_wait3A_17 = tpu.memref_slice %arg9[%dma_wait3A, %dma_wait3A_16] : memref<40x128xi32, #tpu.memory_space<vmem>> -> memref<1x128xi32, #tpu.memory_space<vmem>>
    %dma_wait3A_18 = tpu.memref_squeeze %dma_wait3A_17 : memref<1x128xi32, #tpu.memory_space<vmem>> -> memref<128xi32, #tpu.memory_space<vmem>>
    %dma_wait3A_19 = arith.constant 0 : i32
    %dma_wait3A_20 = arith.constant 0 : i32
    %dma_wait3A_21 = tpu.memref_slice %arg7[%dma_wait3A_19, %dma_wait3A_20] : memref<10008x128xf32, #tpu.memory_space<vmem_shared>> -> memref<10008x128xf32, #tpu.memory_space<vmem_shared>>
    tpu.wait_indirect_dma semaphore(%arg15 : memref<!tpu.dma_semaphore, #tpu.memory_space<semaphore_mem>>) src(%arg11 : memref<128x128xf32, #tpu.memory_space<vmem>>) dst(%dma_wait3A_21 : memref<10008x128xf32, #tpu.memory_space<vmem_shared>>)
    "tpu.region"() ({
      %run_scoped3A = tpu.sem_alloc : memref<!tpu.dma_semaphore, #tpu.memory_space<semaphore_mem>>
      %dma_start3A_48 = arith.constant 40 : i32
      %dma_start3A_49 = arith.constant 0 : i32
      %dma_start3A_50 = tpu.memref_slice %arg3[%add3A, %dma_start3A_48, %dma_start3A_49] : memref<32x80x128xi32, #tpu.memory_space<hbm>> -> memref<1x40x128xi32, #tpu.memory_space<hbm>>
      %dma_start3A_51 = tpu.memref_squeeze %dma_start3A_50 : memref<1x40x128xi32, #tpu.memory_space<hbm>> -> memref<40x128xi32, #tpu.memory_space<hbm>>
      %dma_start3A_52 = arith.constant 40 : i32
      %dma_start3A_53 = arith.constant 0 : i32
      %dma_start3A_54 = tpu.memref_slice %arg3[%add3A, %dma_start3A_52, %dma_start3A_53] : memref<32x80x128xi32, #tpu.memory_space<hbm>> -> memref<1x40x128xi32, #tpu.memory_space<hbm>>
      %dma_start3A_55 = tpu.memref_squeeze %dma_start3A_54 : memref<1x40x128xi32, #tpu.memory_space<hbm>> -> memref<40x128xi32, #tpu.memory_space<hbm>>
      tpu.enqueue_dma source(%dma_start3A_55 : memref<40x128xi32, #tpu.memory_space<hbm>>) target(%arg8 : memref<40x128xi32, #tpu.memory_space<vmem>>) target_semaphore(%run_scoped3A : memref<!tpu.dma_semaphore, #tpu.memory_space<semaphore_mem>>)
      %dma_wait3A_56 = arith.constant 40 : i32
      %dma_wait3A_57 = arith.constant 0 : i32
      %dma_wait3A_58 = tpu.memref_slice %arg3[%add3A, %dma_wait3A_56, %dma_wait3A_57] : memref<32x80x128xi32, #tpu.memory_space<hbm>> -> memref<1x40x128xi32, #tpu.memory_space<hbm>>
      %dma_wait3A_59 = tpu.memref_squeeze %dma_wait3A_58 : memref<1x40x128xi32, #tpu.memory_space<hbm>> -> memref<40x128xi32, #tpu.memory_space<hbm>>
      %dma_wait3A_60 = arith.constant 40 : i32
      %dma_wait3A_61 = arith.constant 0 : i32
      %dma_wait3A_62 = tpu.memref_slice %arg3[%add3A, %dma_wait3A_60, %dma_wait3A_61] : memref<32x80x128xi32, #tpu.memory_space<hbm>> -> memref<1x40x128xi32, #tpu.memory_space<hbm>>
      %dma_wait3A_63 = tpu.memref_squeeze %dma_wait3A_62 : memref<1x40x128xi32, #tpu.memory_space<hbm>> -> memref<40x128xi32, #tpu.memory_space<hbm>>
      tpu.wait_dma2 semaphore(%run_scoped3A : memref<!tpu.dma_semaphore, #tpu.memory_space<semaphore_mem>>) src(%dma_wait3A_63 : memref<40x128xi32, #tpu.memory_space<hbm>>) dst(%arg8 : memref<40x128xi32, #tpu.memory_space<vmem>>)
      tpu.yield
    }) : () -> ()
    "tpu.region"() ({
      %run_scoped3A = tpu.sem_alloc : memref<!tpu.dma_semaphore, #tpu.memory_space<semaphore_mem>>
      %dma_start3A_48 = arith.constant 40 : i32
      %dma_start3A_49 = arith.constant 0 : i32
      %dma_start3A_50 = tpu.memref_slice %arg4[%add3A, %dma_start3A_48, %dma_start3A_49] : memref<32x80x128xi32, #tpu.memory_space<hbm>> -> memref<1x40x128xi32, #tpu.memory_space<hbm>>
      %dma_start3A_51 = tpu.memref_squeeze %dma_start3A_50 : memref<1x40x128xi32, #tpu.memory_space<hbm>> -> memref<40x128xi32, #tpu.memory_space<hbm>>
      %dma_start3A_52 = arith.constant 40 : i32
      %dma_start3A_53 = arith.constant 0 : i32
      %dma_start3A_54 = tpu.memref_slice %arg4[%add3A, %dma_start3A_52, %dma_start3A_53] : memref<32x80x128xi32, #tpu.memory_space<hbm>> -> memref<1x40x128xi32, #tpu.memory_space<hbm>>
      %dma_start3A_55 = tpu.memref_squeeze %dma_start3A_54 : memref<1x40x128xi32, #tpu.memory_space<hbm>> -> memref<40x128xi32, #tpu.memory_space<hbm>>
      tpu.enqueue_dma source(%dma_start3A_55 : memref<40x128xi32, #tpu.memory_space<hbm>>) target(%arg9 : memref<40x128xi32, #tpu.memory_space<vmem>>) target_semaphore(%run_scoped3A : memref<!tpu.dma_semaphore, #tpu.memory_space<semaphore_mem>>)
      %dma_wait3A_56 = arith.constant 40 : i32
      %dma_wait3A_57 = arith.constant 0 : i32
      %dma_wait3A_58 = tpu.memref_slice %arg4[%add3A, %dma_wait3A_56, %dma_wait3A_57] : memref<32x80x128xi32, #tpu.memory_space<hbm>> -> memref<1x40x128xi32, #tpu.memory_space<hbm>>
      %dma_wait3A_59 = tpu.memref_squeeze %dma_wait3A_58 : memref<1x40x128xi32, #tpu.memory_space<hbm>> -> memref<40x128xi32, #tpu.memory_space<hbm>>
      %dma_wait3A_60 = arith.constant 40 : i32
      %dma_wait3A_61 = arith.constant 0 : i32
      %dma_wait3A_62 = tpu.memref_slice %arg4[%add3A, %dma_wait3A_60, %dma_wait3A_61] : memref<32x80x128xi32, #tpu.memory_space<hbm>> -> memref<1x40x128xi32, #tpu.memory_space<hbm>>
      %dma_wait3A_63 = tpu.memref_squeeze %dma_wait3A_62 : memref<1x40x128xi32, #tpu.memory_space<hbm>> -> memref<40x128xi32, #tpu.memory_space<hbm>>
      tpu.wait_dma2 semaphore(%run_scoped3A : memref<!tpu.dma_semaphore, #tpu.memory_space<semaphore_mem>>) src(%dma_wait3A_63 : memref<40x128xi32, #tpu.memory_space<hbm>>) dst(%arg9 : memref<40x128xi32, #tpu.memory_space<vmem>>)
      tpu.yield
    }) : () -> ()
    %dma_start3A_22 = arith.constant 0 : i32
    %dma_start3A_23 = arith.constant 0 : i32
    %dma_start3A_24 = tpu.memref_slice %arg8[%dma_start3A_22, %dma_start3A_23] : memref<40x128xi32, #tpu.memory_space<vmem>> -> memref<1x128xi32, #tpu.memory_space<vmem>>
    %dma_start3A_25 = tpu.memref_squeeze %dma_start3A_24 : memref<1x128xi32, #tpu.memory_space<vmem>> -> memref<128xi32, #tpu.memory_space<vmem>>
    %dma_start3A_26 = arith.constant 0 : i32
    %dma_start3A_27 = arith.constant 0 : i32
    %dma_start3A_28 = tpu.memref_slice %arg2[%dma_start3A_26, %dma_start3A_27] : memref<10000x128xf32, #tpu.memory_space<hbm>> -> memref<10000x128xf32, #tpu.memory_space<hbm>>
    tpu.enqueue_indirect_dma source(%dma_start3A_28 : memref<10000x128xf32, #tpu.memory_space<hbm>>) target(%arg10 : memref<128x128xf32, #tpu.memory_space<vmem>>) offsets(%dma_start3A_25 : memref<128xi32, #tpu.memory_space<vmem>>) semaphore(%arg12 : memref<!tpu.dma_semaphore, #tpu.memory_space<semaphore_mem>>)
    %scan3A_29 = arith.constant 0 : i32
    %scan3A_30 = arith.constant 0 : i32
    %scan3A_31 = arith.constant 20 : i32
    %scan3A_32 = arith.addi %scan3A_30, %scan3A_31 : i32
    %scan3A_33 = arith.constant 1 : i32
    scf.for %scan3A_48 = %scan3A_30 to %scan3A_32 step %scan3A_33  : i32 {
      %mul3A_49 = arith.constant 2 : i32
      %mul3A_50 = arith.muli %mul3A_49, %scan3A_48 : i32
      %add3A_51 = arith.constant 1 : i32
      %add3A_52 = arith.addi %mul3A_50, %add3A_51 : i32
      %dma_wait3A_53 = arith.constant 0 : i32
      %dma_wait3A_54 = tpu.memref_slice %arg8[%mul3A_50, %dma_wait3A_53] : memref<40x128xi32, #tpu.memory_space<vmem>> -> memref<1x128xi32, #tpu.memory_space<vmem>>
      %dma_wait3A_55 = tpu.memref_squeeze %dma_wait3A_54 : memref<1x128xi32, #tpu.memory_space<vmem>> -> memref<128xi32, #tpu.memory_space<vmem>>
      %dma_wait3A_56 = arith.constant 0 : i32
      %dma_wait3A_57 = arith.constant 0 : i32
      %dma_wait3A_58 = tpu.memref_slice %arg2[%dma_wait3A_56, %dma_wait3A_57] : memref<10000x128xf32, #tpu.memory_space<hbm>> -> memref<10000x128xf32, #tpu.memory_space<hbm>>
      tpu.wait_indirect_dma semaphore(%arg12 : memref<!tpu.dma_semaphore, #tpu.memory_space<semaphore_mem>>) src(%dma_wait3A_58 : memref<10000x128xf32, #tpu.memory_space<hbm>>) dst(%arg10 : memref<128x128xf32, #tpu.memory_space<vmem>>)
      %ge3A = arith.constant 1 : i32
      %ge3A_59 = arith.cmpi sge, %scan3A_48, %ge3A : i32
      %convert_element_type3A_60 = arith.extui %ge3A_59 : i1 to i32
      %cond3A_61 = arith.constant 0 : i32
      %cond3A_62 = arith.cmpi ne, %convert_element_type3A_60, %cond3A_61 : i32
      scf.if %cond3A_62 {
        %sub3A = arith.constant 2 : i32
        %sub3A_97 = arith.subi %add3A_52, %sub3A : i32
        %dma_wait3A_98 = arith.constant 0 : i32
        %dma_wait3A_99 = tpu.memref_slice %arg9[%sub3A_97, %dma_wait3A_98] : memref<40x128xi32, #tpu.memory_space<vmem>> -> memref<1x128xi32, #tpu.memory_space<vmem>>
        %dma_wait3A_100 = tpu.memref_squeeze %dma_wait3A_99 : memref<1x128xi32, #tpu.memory_space<vmem>> -> memref<128xi32, #tpu.memory_space<vmem>>
        %dma_wait3A_101 = arith.constant 0 : i32
        %dma_wait3A_102 = arith.constant 0 : i32
        %dma_wait3A_103 = tpu.memref_slice %arg7[%dma_wait3A_101, %dma_wait3A_102] : memref<10008x128xf32, #tpu.memory_space<vmem_shared>> -> memref<10008x128xf32, #tpu.memory_space<vmem_shared>>
        tpu.wait_indirect_dma semaphore(%arg15 : memref<!tpu.dma_semaphore, #tpu.memory_space<semaphore_mem>>) src(%arg11 : memref<128x128xf32, #tpu.memory_space<vmem>>) dst(%dma_wait3A_103 : memref<10008x128xf32, #tpu.memory_space<vmem_shared>>)
      } else {
      }
      %dma_start3A_63 = arith.constant 0 : i32
      %dma_start3A_64 = tpu.memref_slice %arg8[%add3A_52, %dma_start3A_63] : memref<40x128xi32, #tpu.memory_space<vmem>> -> memref<1x128xi32, #tpu.memory_space<vmem>>
      %dma_start3A_65 = tpu.memref_squeeze %dma_start3A_64 : memref<1x128xi32, #tpu.memory_space<vmem>> -> memref<128xi32, #tpu.memory_space<vmem>>
      %dma_start3A_66 = arith.constant 0 : i32
      %dma_start3A_67 = arith.constant 0 : i32
      %dma_start3A_68 = tpu.memref_slice %arg2[%dma_start3A_66, %dma_start3A_67] : memref<10000x128xf32, #tpu.memory_space<hbm>> -> memref<10000x128xf32, #tpu.memory_space<hbm>>
      tpu.enqueue_indirect_dma source(%dma_start3A_68 : memref<10000x128xf32, #tpu.memory_space<hbm>>) target(%arg11 : memref<128x128xf32, #tpu.memory_space<vmem>>) offsets(%dma_start3A_65 : memref<128xi32, #tpu.memory_space<vmem>>) semaphore(%arg13 : memref<!tpu.dma_semaphore, #tpu.memory_space<semaphore_mem>>)
      %dma_start3A_69 = arith.constant 0 : i32
      %dma_start3A_70 = tpu.memref_slice %arg9[%mul3A_50, %dma_start3A_69] : memref<40x128xi32, #tpu.memory_space<vmem>> -> memref<1x128xi32, #tpu.memory_space<vmem>>
      %dma_start3A_71 = tpu.memref_squeeze %dma_start3A_70 : memref<1x128xi32, #tpu.memory_space<vmem>> -> memref<128xi32, #tpu.memory_space<vmem>>
      %dma_start3A_72 = arith.constant 0 : i32
      %dma_start3A_73 = arith.constant 0 : i32
      %dma_start3A_74 = tpu.memref_slice %arg7[%dma_start3A_72, %dma_start3A_73] : memref<10008x128xf32, #tpu.memory_space<vmem_shared>> -> memref<10008x128xf32, #tpu.memory_space<vmem_shared>>
      tpu.enqueue_indirect_dma source(%arg10 : memref<128x128xf32, #tpu.memory_space<vmem>>) target(%dma_start3A_74 : memref<10008x128xf32, #tpu.memory_space<vmem_shared>>) offsets(%dma_start3A_71 : memref<128xi32, #tpu.memory_space<vmem>>) semaphore(%arg14 : memref<!tpu.dma_semaphore, #tpu.memory_space<semaphore_mem>>) {add = true}
      %dma_wait3A_75 = arith.constant 0 : i32
      %dma_wait3A_76 = tpu.memref_slice %arg8[%add3A_52, %dma_wait3A_75] : memref<40x128xi32, #tpu.memory_space<vmem>> -> memref<1x128xi32, #tpu.memory_space<vmem>>
      %dma_wait3A_77 = tpu.memref_squeeze %dma_wait3A_76 : memref<1x128xi32, #tpu.memory_space<vmem>> -> memref<128xi32, #tpu.memory_space<vmem>>
      %dma_wait3A_78 = arith.constant 0 : i32
      %dma_wait3A_79 = arith.constant 0 : i32
      %dma_wait3A_80 = tpu.memref_slice %arg2[%dma_wait3A_78, %dma_wait3A_79] : memref<10000x128xf32, #tpu.memory_space<hbm>> -> memref<10000x128xf32, #tpu.memory_space<hbm>>
      tpu.wait_indirect_dma semaphore(%arg13 : memref<!tpu.dma_semaphore, #tpu.memory_space<semaphore_mem>>) src(%dma_wait3A_80 : memref<10000x128xf32, #tpu.memory_space<hbm>>) dst(%arg11 : memref<128x128xf32, #tpu.memory_space<vmem>>)
      %dma_wait3A_81 = arith.constant 0 : i32
      %dma_wait3A_82 = tpu.memref_slice %arg9[%mul3A_50, %dma_wait3A_81] : memref<40x128xi32, #tpu.memory_space<vmem>> -> memref<1x128xi32, #tpu.memory_space<vmem>>
      %dma_wait3A_83 = tpu.memref_squeeze %dma_wait3A_82 : memref<1x128xi32, #tpu.memory_space<vmem>> -> memref<128xi32, #tpu.memory_space<vmem>>
      %dma_wait3A_84 = arith.constant 0 : i32
      %dma_wait3A_85 = arith.constant 0 : i32
      %dma_wait3A_86 = tpu.memref_slice %arg7[%dma_wait3A_84, %dma_wait3A_85] : memref<10008x128xf32, #tpu.memory_space<vmem_shared>> -> memref<10008x128xf32, #tpu.memory_space<vmem_shared>>
      tpu.wait_indirect_dma semaphore(%arg14 : memref<!tpu.dma_semaphore, #tpu.memory_space<semaphore_mem>>) src(%arg10 : memref<128x128xf32, #tpu.memory_space<vmem>>) dst(%dma_wait3A_86 : memref<10008x128xf32, #tpu.memory_space<vmem_shared>>)
      %lt3A = arith.constant 19 : i32
      %lt3A_87 = arith.cmpi slt, %scan3A_48, %lt3A : i32
      %convert_element_type3A_88 = arith.extui %lt3A_87 : i1 to i32
      %cond3A_89 = arith.constant 0 : i32
      %cond3A_90 = arith.cmpi ne, %convert_element_type3A_88, %cond3A_89 : i32
      scf.if %cond3A_90 {
        %add3A_97 = arith.constant 2 : i32
        %add3A_98 = arith.addi %mul3A_50, %add3A_97 : i32
        %dma_start3A_99 = arith.constant 0 : i32
        %dma_start3A_100 = tpu.memref_slice %arg8[%add3A_98, %dma_start3A_99] : memref<40x128xi32, #tpu.memory_space<vmem>> -> memref<1x128xi32, #tpu.memory_space<vmem>>
        %dma_start3A_101 = tpu.memref_squeeze %dma_start3A_100 : memref<1x128xi32, #tpu.memory_space<vmem>> -> memref<128xi32, #tpu.memory_space<vmem>>
        %dma_start3A_102 = arith.constant 0 : i32
        %dma_start3A_103 = arith.constant 0 : i32
        %dma_start3A_104 = tpu.memref_slice %arg2[%dma_start3A_102, %dma_start3A_103] : memref<10000x128xf32, #tpu.memory_space<hbm>> -> memref<10000x128xf32, #tpu.memory_space<hbm>>
        tpu.enqueue_indirect_dma source(%dma_start3A_104 : memref<10000x128xf32, #tpu.memory_space<hbm>>) target(%arg10 : memref<128x128xf32, #tpu.memory_space<vmem>>) offsets(%dma_start3A_101 : memref<128xi32, #tpu.memory_space<vmem>>) semaphore(%arg12 : memref<!tpu.dma_semaphore, #tpu.memory_space<semaphore_mem>>)
      } else {
      }
      %dma_start3A_91 = arith.constant 0 : i32
      %dma_start3A_92 = tpu.memref_slice %arg9[%add3A_52, %dma_start3A_91] : memref<40x128xi32, #tpu.memory_space<vmem>> -> memref<1x128xi32, #tpu.memory_space<vmem>>
      %dma_start3A_93 = tpu.memref_squeeze %dma_start3A_92 : memref<1x128xi32, #tpu.memory_space<vmem>> -> memref<128xi32, #tpu.memory_space<vmem>>
      %dma_start3A_94 = arith.constant 0 : i32
      %dma_start3A_95 = arith.constant 0 : i32
      %dma_start3A_96 = tpu.memref_slice %arg7[%dma_start3A_94, %dma_start3A_95] : memref<10008x128xf32, #tpu.memory_space<vmem_shared>> -> memref<10008x128xf32, #tpu.memory_space<vmem_shared>>
      tpu.enqueue_indirect_dma source(%arg11 : memref<128x128xf32, #tpu.memory_space<vmem>>) target(%dma_start3A_96 : memref<10008x128xf32, #tpu.memory_space<vmem_shared>>) offsets(%dma_start3A_93 : memref<128xi32, #tpu.memory_space<vmem>>) semaphore(%arg15 : memref<!tpu.dma_semaphore, #tpu.memory_space<semaphore_mem>>) {add = true}
    }
    %scan3A_34 = arith.constant 20 : i32
    %dma_wait3A_35 = arith.constant 39 : i32
    %dma_wait3A_36 = arith.constant 0 : i32
    %dma_wait3A_37 = tpu.memref_slice %arg9[%dma_wait3A_35, %dma_wait3A_36] : memref<40x128xi32, #tpu.memory_space<vmem>> -> memref<1x128xi32, #tpu.memory_space<vmem>>
    %dma_wait3A_38 = tpu.memref_squeeze %dma_wait3A_37 : memref<1x128xi32, #tpu.memory_space<vmem>> -> memref<128xi32, #tpu.memory_space<vmem>>
    %dma_wait3A_39 = arith.constant 0 : i32
    %dma_wait3A_40 = arith.constant 0 : i32
    %dma_wait3A_41 = tpu.memref_slice %arg7[%dma_wait3A_39, %dma_wait3A_40] : memref<10008x128xf32, #tpu.memory_space<vmem_shared>> -> memref<10008x128xf32, #tpu.memory_space<vmem_shared>>
    tpu.wait_indirect_dma semaphore(%arg15 : memref<!tpu.dma_semaphore, #tpu.memory_space<semaphore_mem>>) src(%arg11 : memref<128x128xf32, #tpu.memory_space<vmem>>) dst(%dma_wait3A_41 : memref<10008x128xf32, #tpu.memory_space<vmem_shared>>)
    %barrier3A_42 = arith.constant 0 : index
    tpu.barrier barrier_id(%barrier3A_42)
    "tpu.region"() ({
      %run_scoped3A = tpu.sem_alloc : memref<!tpu.dma_semaphore, #tpu.memory_space<semaphore_mem>>
      %dma_start3A_48 = arith.constant 0 : i32
      %dma_start3A_49 = tpu.memref_slice %arg6[%arg0, %mul3A_2, %dma_start3A_48] : memref<2x10000x128xf32, #tpu.memory_space<hbm>> -> memref<1x624x128xf32, #tpu.memory_space<hbm>>
      %dma_start3A_50 = tpu.memref_squeeze %dma_start3A_49 : memref<1x624x128xf32, #tpu.memory_space<hbm>> -> memref<624x128xf32, #tpu.memory_space<hbm>>
      %dma_start3A_51 = arith.constant 0 : i32
      %dma_start3A_52 = tpu.memref_slice %arg7[%mul3A_2, %dma_start3A_51] : memref<10008x128xf32, #tpu.memory_space<vmem_shared>> -> memref<624x128xf32, #tpu.memory_space<vmem_shared>>
      tpu.enqueue_dma source(%dma_start3A_52 : memref<624x128xf32, #tpu.memory_space<vmem_shared>>) target(%dma_start3A_50 : memref<624x128xf32, #tpu.memory_space<hbm>>) target_semaphore(%run_scoped3A : memref<!tpu.dma_semaphore, #tpu.memory_space<semaphore_mem>>)
      %dma_wait3A_53 = arith.constant 0 : i32
      %dma_wait3A_54 = tpu.memref_slice %arg6[%arg0, %mul3A_2, %dma_wait3A_53] : memref<2x10000x128xf32, #tpu.memory_space<hbm>> -> memref<1x624x128xf32, #tpu.memory_space<hbm>>
      %dma_wait3A_55 = tpu.memref_squeeze %dma_wait3A_54 : memref<1x624x128xf32, #tpu.memory_space<hbm>> -> memref<624x128xf32, #tpu.memory_space<hbm>>
      %dma_wait3A_56 = arith.constant 0 : i32
      %dma_wait3A_57 = tpu.memref_slice %arg7[%mul3A_2, %dma_wait3A_56] : memref<10008x128xf32, #tpu.memory_space<vmem_shared>> -> memref<624x128xf32, #tpu.memory_space<vmem_shared>>
      tpu.wait_dma2 semaphore(%run_scoped3A : memref<!tpu.dma_semaphore, #tpu.memory_space<semaphore_mem>>) src(%dma_wait3A_57 : memref<624x128xf32, #tpu.memory_space<vmem_shared>>) dst(%dma_wait3A_55 : memref<624x128xf32, #tpu.memory_space<hbm>>)
      tpu.yield
    }) : () -> ()
    %eq3A_43 = arith.constant 15 : i32
    %eq3A_44 = arith.cmpi eq, %arg1, %eq3A_43 : i32
    %convert_element_type3A_45 = arith.extui %eq3A_44 : i1 to i32
    %cond3A_46 = arith.constant 0 : i32
    %cond3A_47 = arith.cmpi ne, %convert_element_type3A_45, %cond3A_46 : i32
    scf.if %cond3A_47 {
      "tpu.region"() ({
        %run_scoped3A = tpu.sem_alloc : memref<!tpu.dma_semaphore, #tpu.memory_space<semaphore_mem>>
        %dma_start3A_48 = arith.constant 9984 : i32
        %dma_start3A_49 = arith.constant 0 : i32
        %dma_start3A_50 = tpu.memref_slice %arg6[%arg0, %dma_start3A_48, %dma_start3A_49] : memref<2x10000x128xf32, #tpu.memory_space<hbm>> -> memref<1x16x128xf32, #tpu.memory_space<hbm>>
        %dma_start3A_51 = tpu.memref_squeeze %dma_start3A_50 : memref<1x16x128xf32, #tpu.memory_space<hbm>> -> memref<16x128xf32, #tpu.memory_space<hbm>>
        %dma_start3A_52 = arith.constant 9984 : i32
        %dma_start3A_53 = arith.constant 0 : i32
        %dma_start3A_54 = tpu.memref_slice %arg7[%dma_start3A_52, %dma_start3A_53] : memref<10008x128xf32, #tpu.memory_space<vmem_shared>> -> memref<16x128xf32, #tpu.memory_space<vmem_shared>>
        tpu.enqueue_dma source(%dma_start3A_54 : memref<16x128xf32, #tpu.memory_space<vmem_shared>>) target(%dma_start3A_51 : memref<16x128xf32, #tpu.memory_space<hbm>>) target_semaphore(%run_scoped3A : memref<!tpu.dma_semaphore, #tpu.memory_space<semaphore_mem>>)
        %dma_wait3A_55 = arith.constant 9984 : i32
        %dma_wait3A_56 = arith.constant 0 : i32
        %dma_wait3A_57 = tpu.memref_slice %arg6[%arg0, %dma_wait3A_55, %dma_wait3A_56] : memref<2x10000x128xf32, #tpu.memory_space<hbm>> -> memref<1x16x128xf32, #tpu.memory_space<hbm>>
        %dma_wait3A_58 = tpu.memref_squeeze %dma_wait3A_57 : memref<1x16x128xf32, #tpu.memory_space<hbm>> -> memref<16x128xf32, #tpu.memory_space<hbm>>
        %dma_wait3A_59 = arith.constant 9984 : i32
        %dma_wait3A_60 = arith.constant 0 : i32
        %dma_wait3A_61 = tpu.memref_slice %arg7[%dma_wait3A_59, %dma_wait3A_60] : memref<10008x128xf32, #tpu.memory_space<vmem_shared>> -> memref<16x128xf32, #tpu.memory_space<vmem_shared>>
        tpu.wait_dma2 semaphore(%run_scoped3A : memref<!tpu.dma_semaphore, #tpu.memory_space<semaphore_mem>>) src(%dma_wait3A_61 : memref<16x128xf32, #tpu.memory_space<vmem_shared>>) dst(%dma_wait3A_58 : memref<16x128xf32, #tpu.memory_space<hbm>>)
        tpu.yield
      }) : () -> ()
    } else {
    }
    return
  }
}

module attributes {stable_mosaic.version = 14 : i64} {
  func.func @_tc1_body(%arg0: i32, %arg1: memref<2000x128xf32, #tpu.memory_space<vmem>>, %arg2: memref<128x128xf32, #tpu.memory_space<vmem>>, %arg3: memref<1x128xf32, #tpu.memory_space<vmem>>, %arg4: memref<128x128xf32, #tpu.memory_space<vmem>>, %arg5: memref<2x2000x128xf32, #tpu.memory_space<vmem>>, %arg6: memref<2000x128xf32, #tpu.memory_space<vmem>>, %arg7: memref<2000x128xf32, #tpu.memory_space<vmem>>, %arg8: memref<2000x1xf32, #tpu.memory_space<vmem>>) attributes {dimension_semantics = [#tpu.dimension_semantics<arbitrary>], iteration_bounds = array<i64: 5>, scalar_prefetch = 0 : i64, scratch_operands = 0 : i64, tpu.core_type = #tpu.core_type<tc>, window_params = [{transform_indices = @transform_0, window_bounds = array<i64: 2000, 128>}, {pipeline_mode = #tpu.pipeline_mode<synchronous>, transform_indices = @transform_1, window_bounds = array<i64: 128, 128>}, {pipeline_mode = #tpu.pipeline_mode<synchronous>, transform_indices = @transform_2, window_bounds = array<i64: 1, 128>}, {pipeline_mode = #tpu.pipeline_mode<synchronous>, transform_indices = @transform_3, window_bounds = array<i64: 128, 128>}, {transform_indices = @transform_4, window_bounds = array<i64: 2, 2000, 128>}, {transform_indices = @transform_5, window_bounds = array<i64: 2000, 128>}, {transform_indices = @transform_6, window_bounds = array<i64: 2000, 128>}, {transform_indices = @transform_7, window_bounds = array<i64: 2000, 1>}]} {
    %get3A = arith.constant 0 : index
    %get3A_0 = arith.constant 0 : index
    %get3A_1 = vector.load %arg1[%get3A, %get3A_0] : memref<2000x128xf32, #tpu.memory_space<vmem>>, vector<2000x128xf32>
    %get3A_2 = arith.constant 0 : index
    %get3A_3 = arith.constant 0 : index
    %get3A_4 = vector.load %arg2[%get3A_2, %get3A_3] : memref<128x128xf32, #tpu.memory_space<vmem>>, vector<128x128xf32>
    %dot_general3A = arith.constant dense<0.000000e+00> : vector<2000x128xf32>
    %dot_general3A_5 = tpu.matmul %get3A_1, %get3A_4, %dot_general3A {dimension_numbers = #tpu.dot_dimension_numbers<[1], [0], [0], [1], [0, 0, 1, 1], [], []>, transpose_lhs_hint = false} : vector<2000x128xf32>, vector<128x128xf32>, vector<2000x128xf32> -> vector<2000x128xf32>
    %get3A_6 = arith.constant 0 : index
    %get3A_7 = arith.constant 0 : index
    %get3A_8 = vector.load %arg3[%get3A_6, %get3A_7] : memref<1x128xf32, #tpu.memory_space<vmem>>, vector<1x128xf32>
    %add3A = vector.broadcast %get3A_8 : vector<1x128xf32> to vector<2000x128xf32>
    %add3A_9 = arith.addf %dot_general3A_5, %add3A : vector<2000x128xf32>
    %swap3A = arith.constant 0 : index
    %swap3A_10 = arith.constant 0 : index
    %swap3A_11 = vector.load %arg6[%swap3A, %swap3A_10] : memref<2000x128xf32, #tpu.memory_space<vmem>>, vector<2000x128xf32>
    tpu.vector_store %arg6[%swap3A, %swap3A_10], %add3A_9 {strides = array<i32>} : memref<2000x128xf32, #tpu.memory_space<vmem>>, vector<2000x128xf32>,
    %get3A_12 = arith.constant 0 : index
    %get3A_13 = arith.constant 0 : index
    %get3A_14 = arith.constant 0 : index
    %get3A_15 = vector.load %arg5[%get3A_12, %get3A_13, %get3A_14] : memref<2x2000x128xf32, #tpu.memory_space<vmem>>, vector<2x2000x128xf32>
    %slice3A = vector.extract_strided_slice %get3A_15 {offsets = [0, 0, 0], sizes = [1, 2000, 1], strides = [1, 1, 1]} : vector<2x2000x128xf32> to vector<1x2000x1xf32>
    %squeeze3A = vector.shape_cast %slice3A : vector<1x2000x1xf32> to vector<2000x1xf32>
    %add3A_16 = arith.constant 1.000000e+00 : f32
    %add3A_17 = vector.broadcast %add3A_16 : f32 to vector<2000x1xf32>
    %add3A_18 = arith.addf %add3A_17, %squeeze3A : vector<2000x1xf32>
    %slice3A_19 = vector.extract_strided_slice %get3A_15 {offsets = [1, 0, 0], sizes = [1, 2000, 1], strides = [1, 1, 1]} : vector<2x2000x128xf32> to vector<1x2000x1xf32>
    %squeeze3A_20 = vector.shape_cast %slice3A_19 : vector<1x2000x1xf32> to vector<2000x1xf32>
    %add3A_21 = arith.addf %add3A_18, %squeeze3A_20 : vector<2000x1xf32>
    %rsqrt3A = math.rsqrt %add3A_21 : vector<2000x1xf32>
    %swap3A_22 = arith.constant 0 : index
    %swap3A_23 = arith.constant 0 : index
    %swap3A_24 = vector.load %arg8[%swap3A_22, %swap3A_23] : memref<2000x1xf32, #tpu.memory_space<vmem>>, vector<2000x1xf32>
    tpu.vector_store %arg8[%swap3A_22, %swap3A_23], %rsqrt3A {strides = array<i32>} : memref<2000x1xf32, #tpu.memory_space<vmem>>, vector<2000x1xf32>,
    %get3A_25 = arith.constant 0 : index
    %get3A_26 = arith.constant 0 : index
    %get3A_27 = vector.load %arg4[%get3A_25, %get3A_26] : memref<128x128xf32, #tpu.memory_space<vmem>>, vector<128x128xf32>
    %dot_general3A_28 = arith.constant dense<0.000000e+00> : vector<2000x128xf32>
    %dot_general3A_29 = tpu.matmul %get3A_1, %get3A_27, %dot_general3A_28 {dimension_numbers = #tpu.dot_dimension_numbers<[1], [0], [0], [1], [0, 0, 1, 1], [], []>, transpose_lhs_hint = false} : vector<2000x128xf32>, vector<128x128xf32>, vector<2000x128xf32> -> vector<2000x128xf32>
    %mul3A = vector.broadcast %rsqrt3A : vector<2000x1xf32> to vector<2000x128xf32>
    %mul3A_30 = arith.mulf %mul3A, %dot_general3A_29 : vector<2000x128xf32>
    %swap3A_31 = arith.constant 0 : index
    %swap3A_32 = arith.constant 0 : index
    %swap3A_33 = vector.load %arg7[%swap3A_31, %swap3A_32] : memref<2000x128xf32, #tpu.memory_space<vmem>>, vector<2000x128xf32>
    tpu.vector_store %arg7[%swap3A_31, %swap3A_32], %mul3A_30 {strides = array<i32>} : memref<2000x128xf32, #tpu.memory_space<vmem>>, vector<2000x128xf32>,
    return
  }
  func.func @transform_0(%arg0: i32) -> (i32, i32) {
    %c0_i32 = arith.constant 0 : i32
    %c0_i32_0 = arith.constant 0 : i32
    return %arg0, %c0_i32 : i32, i32
  }
  func.func @transform_1(%arg0: i32) -> (i32, i32) {
    %c0_i32 = arith.constant 0 : i32
    %c0_i32_0 = arith.constant 0 : i32
    %c0_i32_1 = arith.constant 0 : i32
    return %c0_i32, %c0_i32_0 : i32, i32
  }
  func.func @transform_2(%arg0: i32) -> (i32, i32) {
    %c0_i32 = arith.constant 0 : i32
    %c0_i32_0 = arith.constant 0 : i32
    %c0_i32_1 = arith.constant 0 : i32
    return %c0_i32, %c0_i32_0 : i32, i32
  }
  func.func @transform_3(%arg0: i32) -> (i32, i32) {
    %c0_i32 = arith.constant 0 : i32
    %c0_i32_0 = arith.constant 0 : i32
    %c0_i32_1 = arith.constant 0 : i32
    return %c0_i32, %c0_i32_0 : i32, i32
  }
  func.func @transform_4(%arg0: i32) -> (i32, i32, i32) {
    %c0_i32 = arith.constant 0 : i32
    %c0_i32_0 = arith.constant 0 : i32
    %c0_i32_1 = arith.constant 0 : i32
    return %c0_i32, %arg0, %c0_i32_0 : i32, i32, i32
  }
  func.func @transform_5(%arg0: i32) -> (i32, i32) {
    %c0_i32 = arith.constant 0 : i32
    %c0_i32_0 = arith.constant 0 : i32
    return %arg0, %c0_i32 : i32, i32
  }
  func.func @transform_6(%arg0: i32) -> (i32, i32) {
    %c0_i32 = arith.constant 0 : i32
    %c0_i32_0 = arith.constant 0 : i32
    return %arg0, %c0_i32 : i32, i32
  }
  func.func @transform_7(%arg0: i32) -> (i32, i32) {
    %c0_i32 = arith.constant 0 : i32
    %c0_i32_0 = arith.constant 0 : i32
    return %arg0, %c0_i32 : i32, i32
  }
}

module attributes {stable_mosaic.version = 14 : i64} {
  func.func @_tc2_body(%arg0: i32, %arg1: memref<2x2000x128xf32, #tpu.memory_space<vmem>>, %arg2: memref<2000x128xf32, #tpu.memory_space<vmem>>, %arg3: memref<2000x1xf32, #tpu.memory_space<vmem>>, %arg4: memref<1x128xf32, #tpu.memory_space<vmem>>, %arg5: memref<128x128xf32, #tpu.memory_space<vmem>>, %arg6: memref<2000x128xf32, #tpu.memory_space<vmem>>) attributes {dimension_semantics = [#tpu.dimension_semantics<arbitrary>], iteration_bounds = array<i64: 5>, scalar_prefetch = 0 : i64, scratch_operands = 0 : i64, tpu.core_type = #tpu.core_type<tc>, window_params = [{transform_indices = @transform_0, window_bounds = array<i64: 2, 2000, 128>}, {transform_indices = @transform_1, window_bounds = array<i64: 2000, 128>}, {transform_indices = @transform_2, window_bounds = array<i64: 2000, 1>}, {pipeline_mode = #tpu.pipeline_mode<synchronous>, transform_indices = @transform_3, window_bounds = array<i64: 1, 128>}, {pipeline_mode = #tpu.pipeline_mode<synchronous>, transform_indices = @transform_4, window_bounds = array<i64: 128, 128>}, {transform_indices = @transform_5, window_bounds = array<i64: 2000, 128>}]} {
    %get3A = arith.constant 0 : index
    %get3A_0 = arith.constant 0 : index
    %get3A_1 = vector.load %arg3[%get3A, %get3A_0] : memref<2000x1xf32, #tpu.memory_space<vmem>>, vector<2000x1xf32>
    %get3A_2 = arith.constant 0 : index
    %get3A_3 = arith.constant 0 : index
    %get3A_4 = arith.constant 0 : index
    %get3A_5 = vector.load %arg1[%get3A_2, %get3A_3, %get3A_4] : memref<2x2000x128xf32, #tpu.memory_space<vmem>>, vector<2x2000x128xf32>
    %slice3A = vector.extract_strided_slice %get3A_5 {offsets = [0, 0, 0], sizes = [1, 2000, 128], strides = [1, 1, 1]} : vector<2x2000x128xf32> to vector<1x2000x128xf32>
    %squeeze3A = vector.shape_cast %slice3A : vector<1x2000x128xf32> to vector<2000x128xf32>
    %slice3A_6 = vector.extract_strided_slice %get3A_5 {offsets = [1, 0, 0], sizes = [1, 2000, 128], strides = [1, 1, 1]} : vector<2x2000x128xf32> to vector<1x2000x128xf32>
    %squeeze3A_7 = vector.shape_cast %slice3A_6 : vector<1x2000x128xf32> to vector<2000x128xf32>
    %add3A = arith.addf %squeeze3A, %squeeze3A_7 : vector<2000x128xf32>
    %get3A_8 = arith.constant 0 : index
    %get3A_9 = arith.constant 0 : index
    %get3A_10 = vector.load %arg2[%get3A_8, %get3A_9] : memref<2000x128xf32, #tpu.memory_space<vmem>>, vector<2000x128xf32>
    %add3A_11 = arith.addf %add3A, %get3A_10 : vector<2000x128xf32>
    %mul3A = vector.broadcast %get3A_1 : vector<2000x1xf32> to vector<2000x128xf32>
    %mul3A_12 = arith.mulf %mul3A, %add3A_11 : vector<2000x128xf32>
    %get3A_13 = arith.constant 0 : index
    %get3A_14 = arith.constant 0 : index
    %get3A_15 = vector.load %arg4[%get3A_13, %get3A_14] : memref<1x128xf32, #tpu.memory_space<vmem>>, vector<1x128xf32>
    %add3A_16 = vector.broadcast %get3A_15 : vector<1x128xf32> to vector<2000x128xf32>
    %add3A_17 = arith.addf %mul3A_12, %add3A_16 : vector<2000x128xf32>
    %max3A = arith.constant 0.000000e+00 : f32
    %max3A_18 = vector.broadcast %max3A : f32 to vector<2000x128xf32>
    %max3A_19 = arith.maximumf %add3A_17, %max3A_18 : vector<2000x128xf32>
    %get3A_20 = arith.constant 0 : index
    %get3A_21 = arith.constant 0 : index
    %get3A_22 = vector.load %arg5[%get3A_20, %get3A_21] : memref<128x128xf32, #tpu.memory_space<vmem>>, vector<128x128xf32>
    %dot_general3A = arith.constant dense<0.000000e+00> : vector<2000x128xf32>
    %dot_general3A_23 = tpu.matmul %max3A_19, %get3A_22, %dot_general3A {dimension_numbers = #tpu.dot_dimension_numbers<[1], [0], [0], [1], [0, 0, 1, 1], [], []>, transpose_lhs_hint = false} : vector<2000x128xf32>, vector<128x128xf32>, vector<2000x128xf32> -> vector<2000x128xf32>
    %mul3A_24 = vector.broadcast %get3A_1 : vector<2000x1xf32> to vector<2000x128xf32>
    %mul3A_25 = arith.mulf %mul3A_24, %dot_general3A_23 : vector<2000x128xf32>
    %swap3A = arith.constant 0 : index
    %swap3A_26 = arith.constant 0 : index
    %swap3A_27 = vector.load %arg6[%swap3A, %swap3A_26] : memref<2000x128xf32, #tpu.memory_space<vmem>>, vector<2000x128xf32>
    tpu.vector_store %arg6[%swap3A, %swap3A_26], %mul3A_25 {strides = array<i32>} : memref<2000x128xf32, #tpu.memory_space<vmem>>, vector<2000x128xf32>,
    return
  }
  func.func @transform_0(%arg0: i32) -> (i32, i32, i32) {
    %c0_i32 = arith.constant 0 : i32
    %c0_i32_0 = arith.constant 0 : i32
    %c0_i32_1 = arith.constant 0 : i32
    return %c0_i32, %arg0, %c0_i32_0 : i32, i32, i32
  }
  func.func @transform_1(%arg0: i32) -> (i32, i32) {
    %c0_i32 = arith.constant 0 : i32
    %c0_i32_0 = arith.constant 0 : i32
    return %arg0, %c0_i32 : i32, i32
  }
  func.func @transform_2(%arg0: i32) -> (i32, i32) {
    %c0_i32 = arith.constant 0 : i32
    %c0_i32_0 = arith.constant 0 : i32
    return %arg0, %c0_i32 : i32, i32
  }
  func.func @transform_3(%arg0: i32) -> (i32, i32) {
    %c0_i32 = arith.constant 0 : i32
    %c0_i32_0 = arith.constant 0 : i32
    %c0_i32_1 = arith.constant 0 : i32
    return %c0_i32, %c0_i32_0 : i32, i32
  }
  func.func @transform_4(%arg0: i32) -> (i32, i32) {
    %c0_i32 = arith.constant 0 : i32
    %c0_i32_0 = arith.constant 0 : i32
    %c0_i32_1 = arith.constant 0 : i32
    return %c0_i32, %c0_i32_0 : i32, i32
  }
  func.func @transform_5(%arg0: i32) -> (i32, i32) {
    %c0_i32 = arith.constant 0 : i32
    %c0_i32_0 = arith.constant 0 : i32
    return %arg0, %c0_i32 : i32, i32
  }
}

module attributes {stable_mosaic.version = 14 : i64} {
  func.func @_tc3_body(%arg0: i32, %arg1: memref<2x2000x128xf32, #tpu.memory_space<vmem>>, %arg2: memref<2000x128xf32, #tpu.memory_space<vmem>>, %arg3: memref<2000x1xf32, #tpu.memory_space<vmem>>, %arg4: memref<2000x128xf32, #tpu.memory_space<vmem>>, %arg5: memref<1x128xf32, #tpu.memory_space<vmem>>, %arg6: memref<128x1xf32, #tpu.memory_space<vmem>>, %arg7: memref<1x1xf32, #tpu.memory_space<vmem>>, %arg8: memref<128x32xf32, #tpu.memory_space<vmem>>, %arg9: memref<1x32xf32, #tpu.memory_space<vmem>>, %arg10: memref<2000x128xf32, #tpu.memory_space<vmem>>, %arg11: memref<2000x1xf32, #tpu.memory_space<vmem>>, %arg12: memref<2000x32xf32, #tpu.memory_space<vmem>>) attributes {dimension_semantics = [#tpu.dimension_semantics<arbitrary>], iteration_bounds = array<i64: 5>, scalar_prefetch = 0 : i64, scratch_operands = 0 : i64, tpu.core_type = #tpu.core_type<tc>, window_params = [{transform_indices = @transform_0, window_bounds = array<i64: 2, 2000, 128>}, {transform_indices = @transform_1, window_bounds = array<i64: 2000, 128>}, {transform_indices = @transform_2, window_bounds = array<i64: 2000, 1>}, {transform_indices = @transform_3, window_bounds = array<i64: 2000, 128>}, {pipeline_mode = #tpu.pipeline_mode<synchronous>, transform_indices = @transform_4, window_bounds = array<i64: 1, 128>}, {pipeline_mode = #tpu.pipeline_mode<synchronous>, transform_indices = @transform_5, window_bounds = array<i64: 128, 1>}, {pipeline_mode = #tpu.pipeline_mode<synchronous>, transform_indices = @transform_6, window_bounds = array<i64: 1, 1>}, {pipeline_mode = #tpu.pipeline_mode<synchronous>, transform_indices = @transform_7, window_bounds = array<i64: 128, 32>}, {pipeline_mode = #tpu.pipeline_mode<synchronous>, transform_indices = @transform_8, window_bounds = array<i64: 1, 32>}, {transform_indices = @transform_9, window_bounds = array<i64: 2000, 128>}, {transform_indices = @transform_10, window_bounds = array<i64: 2000, 1>}, {transform_indices = @transform_11, window_bounds = array<i64: 2000, 32>}]} {
    %get3A = arith.constant 0 : index
    %get3A_0 = arith.constant 0 : index
    %get3A_1 = vector.load %arg3[%get3A, %get3A_0] : memref<2000x1xf32, #tpu.memory_space<vmem>>, vector<2000x1xf32>
    %get3A_2 = arith.constant 0 : index
    %get3A_3 = arith.constant 0 : index
    %get3A_4 = arith.constant 0 : index
    %get3A_5 = vector.load %arg1[%get3A_2, %get3A_3, %get3A_4] : memref<2x2000x128xf32, #tpu.memory_space<vmem>>, vector<2x2000x128xf32>
    %slice3A = vector.extract_strided_slice %get3A_5 {offsets = [0, 0, 0], sizes = [1, 2000, 128], strides = [1, 1, 1]} : vector<2x2000x128xf32> to vector<1x2000x128xf32>
    %squeeze3A = vector.shape_cast %slice3A : vector<1x2000x128xf32> to vector<2000x128xf32>
    %slice3A_6 = vector.extract_strided_slice %get3A_5 {offsets = [1, 0, 0], sizes = [1, 2000, 128], strides = [1, 1, 1]} : vector<2x2000x128xf32> to vector<1x2000x128xf32>
    %squeeze3A_7 = vector.shape_cast %slice3A_6 : vector<1x2000x128xf32> to vector<2000x128xf32>
    %add3A = arith.addf %squeeze3A, %squeeze3A_7 : vector<2000x128xf32>
    %get3A_8 = arith.constant 0 : index
    %get3A_9 = arith.constant 0 : index
    %get3A_10 = vector.load %arg2[%get3A_8, %get3A_9] : memref<2000x128xf32, #tpu.memory_space<vmem>>, vector<2000x128xf32>
    %add3A_11 = arith.addf %add3A, %get3A_10 : vector<2000x128xf32>
    %mul3A = vector.broadcast %get3A_1 : vector<2000x1xf32> to vector<2000x128xf32>
    %mul3A_12 = arith.mulf %mul3A, %add3A_11 : vector<2000x128xf32>
    %get3A_13 = arith.constant 0 : index
    %get3A_14 = arith.constant 0 : index
    %get3A_15 = vector.load %arg5[%get3A_13, %get3A_14] : memref<1x128xf32, #tpu.memory_space<vmem>>, vector<1x128xf32>
    %add3A_16 = vector.broadcast %get3A_15 : vector<1x128xf32> to vector<2000x128xf32>
    %add3A_17 = arith.addf %mul3A_12, %add3A_16 : vector<2000x128xf32>
    %get3A_18 = arith.constant 0 : index
    %get3A_19 = arith.constant 0 : index
    %get3A_20 = vector.load %arg4[%get3A_18, %get3A_19] : memref<2000x128xf32, #tpu.memory_space<vmem>>, vector<2000x128xf32>
    %add3A_21 = arith.addf %add3A_17, %get3A_20 : vector<2000x128xf32>
    %reduce_max3A = arith.constant dense<0xFF800000> : vector<2000xf32>
    %reduce_max3A_22 = vector.multi_reduction <maximumf>, %add3A_21, %reduce_max3A [1] : vector<2000x128xf32> to vector<2000xf32>
    %broadcast_in_dim3A = vector.shape_cast %reduce_max3A_22 : vector<2000xf32> to vector<2000x1xf32>
    %sub3A = vector.broadcast %broadcast_in_dim3A : vector<2000x1xf32> to vector<2000x128xf32>
    %sub3A_23 = arith.subf %add3A_21, %sub3A : vector<2000x128xf32>
    %exp3A = math.exp %sub3A_23 : vector<2000x128xf32>
    %reduce_sum3A = arith.constant dense<0.000000e+00> : vector<2000xf32>
    %reduce_sum3A_24 = vector.multi_reduction <add>, %exp3A, %reduce_sum3A [1] : vector<2000x128xf32> to vector<2000xf32>
    %broadcast_in_dim3A_25 = vector.shape_cast %reduce_sum3A_24 : vector<2000xf32> to vector<2000x1xf32>
    %log3A = math.log %broadcast_in_dim3A_25 : vector<2000x1xf32>
    %sub3A_26 = vector.broadcast %log3A : vector<2000x1xf32> to vector<2000x128xf32>
    %sub3A_27 = arith.subf %sub3A_23, %sub3A_26 : vector<2000x128xf32>
    %swap3A = arith.constant 0 : index
    %swap3A_28 = arith.constant 0 : index
    %swap3A_29 = vector.load %arg10[%swap3A, %swap3A_28] : memref<2000x128xf32, #tpu.memory_space<vmem>>, vector<2000x128xf32>
    tpu.vector_store %arg10[%swap3A, %swap3A_28], %sub3A_27 {strides = array<i32>} : memref<2000x128xf32, #tpu.memory_space<vmem>>, vector<2000x128xf32>,
    %get3A_30 = arith.constant 0 : index
    %get3A_31 = arith.constant 0 : index
    %get3A_32 = vector.load %arg6[%get3A_30, %get3A_31] : memref<128x1xf32, #tpu.memory_space<vmem>>, vector<128x1xf32>
    %dot_general3A = arith.constant dense<0.000000e+00> : vector<2000x1xf32>
    %dot_general3A_33 = tpu.matmul %add3A_21, %get3A_32, %dot_general3A {dimension_numbers = #tpu.dot_dimension_numbers<[1], [0], [0], [1], [0, 0, 1, 1], [], []>, transpose_lhs_hint = false} : vector<2000x128xf32>, vector<128x1xf32>, vector<2000x1xf32> -> vector<2000x1xf32>
    %get3A_34 = arith.constant 0 : index
    %get3A_35 = arith.constant 0 : index
    %get3A_36 = vector.load %arg7[%get3A_34, %get3A_35] : memref<1x1xf32, #tpu.memory_space<vmem>>, vector<1x1xf32>
    %add3A_37 = vector.broadcast %get3A_36 : vector<1x1xf32> to vector<2000x1xf32>
    %add3A_38 = arith.addf %dot_general3A_33, %add3A_37 : vector<2000x1xf32>
    %swap3A_39 = arith.constant 0 : index
    %swap3A_40 = arith.constant 0 : index
    %swap3A_41 = vector.load %arg11[%swap3A_39, %swap3A_40] : memref<2000x1xf32, #tpu.memory_space<vmem>>, vector<2000x1xf32>
    tpu.vector_store %arg11[%swap3A_39, %swap3A_40], %add3A_38 {strides = array<i32>} : memref<2000x1xf32, #tpu.memory_space<vmem>>, vector<2000x1xf32>,
    %get3A_42 = arith.constant 0 : index
    %get3A_43 = arith.constant 0 : index
    %get3A_44 = vector.load %arg8[%get3A_42, %get3A_43] : memref<128x32xf32, #tpu.memory_space<vmem>>, vector<128x32xf32>
    %dot_general3A_45 = arith.constant dense<0.000000e+00> : vector<2000x32xf32>
    %dot_general3A_46 = tpu.matmul %add3A_21, %get3A_44, %dot_general3A_45 {dimension_numbers = #tpu.dot_dimension_numbers<[1], [0], [0], [1], [0, 0, 1, 1], [], []>, transpose_lhs_hint = false} : vector<2000x128xf32>, vector<128x32xf32>, vector<2000x32xf32> -> vector<2000x32xf32>
    %get3A_47 = arith.constant 0 : index
    %get3A_48 = arith.constant 0 : index
    %get3A_49 = vector.load %arg9[%get3A_47, %get3A_48] : memref<1x32xf32, #tpu.memory_space<vmem>>, vector<1x32xf32>
    %add3A_50 = vector.broadcast %get3A_49 : vector<1x32xf32> to vector<2000x32xf32>
    %add3A_51 = arith.addf %dot_general3A_46, %add3A_50 : vector<2000x32xf32>
    %swap3A_52 = arith.constant 0 : index
    %swap3A_53 = arith.constant 0 : index
    %swap3A_54 = vector.load %arg12[%swap3A_52, %swap3A_53] : memref<2000x32xf32, #tpu.memory_space<vmem>>, vector<2000x32xf32>
    tpu.vector_store %arg12[%swap3A_52, %swap3A_53], %add3A_51 {strides = array<i32>} : memref<2000x32xf32, #tpu.memory_space<vmem>>, vector<2000x32xf32>,
    return
  }
  func.func @transform_0(%arg0: i32) -> (i32, i32, i32) {
    %c0_i32 = arith.constant 0 : i32
    %c0_i32_0 = arith.constant 0 : i32
    %c0_i32_1 = arith.constant 0 : i32
    return %c0_i32, %arg0, %c0_i32_0 : i32, i32, i32
  }
  func.func @transform_1(%arg0: i32) -> (i32, i32) {
    %c0_i32 = arith.constant 0 : i32
    %c0_i32_0 = arith.constant 0 : i32
    return %arg0, %c0_i32 : i32, i32
  }
  func.func @transform_2(%arg0: i32) -> (i32, i32) {
    %c0_i32 = arith.constant 0 : i32
    %c0_i32_0 = arith.constant 0 : i32
    return %arg0, %c0_i32 : i32, i32
  }
  func.func @transform_3(%arg0: i32) -> (i32, i32) {
    %c0_i32 = arith.constant 0 : i32
    %c0_i32_0 = arith.constant 0 : i32
    return %arg0, %c0_i32 : i32, i32
  }
  func.func @transform_4(%arg0: i32) -> (i32, i32) {
    %c0_i32 = arith.constant 0 : i32
    %c0_i32_0 = arith.constant 0 : i32
    %c0_i32_1 = arith.constant 0 : i32
    return %c0_i32, %c0_i32_0 : i32, i32
  }
  func.func @transform_5(%arg0: i32) -> (i32, i32) {
    %c0_i32 = arith.constant 0 : i32
    %c0_i32_0 = arith.constant 0 : i32
    %c0_i32_1 = arith.constant 0 : i32
    return %c0_i32, %c0_i32_0 : i32, i32
  }
  func.func @transform_6(%arg0: i32) -> (i32, i32) {
    %c0_i32 = arith.constant 0 : i32
    %c0_i32_0 = arith.constant 0 : i32
    %c0_i32_1 = arith.constant 0 : i32
    return %c0_i32, %c0_i32_0 : i32, i32
  }
  func.func @transform_7(%arg0: i32) -> (i32, i32) {
    %c0_i32 = arith.constant 0 : i32
    %c0_i32_0 = arith.constant 0 : i32
    %c0_i32_1 = arith.constant 0 : i32
    return %c0_i32, %c0_i32_0 : i32, i32
  }
  func.func @transform_8(%arg0: i32) -> (i32, i32) {
    %c0_i32 = arith.constant 0 : i32
    %c0_i32_0 = arith.constant 0 : i32
    %c0_i32_1 = arith.constant 0 : i32
    return %c0_i32, %c0_i32_0 : i32, i32
  }
  func.func @transform_9(%arg0: i32) -> (i32, i32) {
    %c0_i32 = arith.constant 0 : i32
    %c0_i32_0 = arith.constant 0 : i32
    return %arg0, %c0_i32 : i32, i32
  }
  func.func @transform_10(%arg0: i32) -> (i32, i32) {
    %c0_i32 = arith.constant 0 : i32
    %c0_i32_0 = arith.constant 0 : i32
    return %arg0, %c0_i32 : i32, i32
  }
  func.func @transform_11(%arg0: i32) -> (i32, i32) {
    %c0_i32 = arith.constant 0 : i32
    %c0_i32_0 = arith.constant 0 : i32
    return %arg0, %c0_i32 : i32, i32
  }
}

</mosaic_0001>

<sc_bundles>
// kernel: kernel.11.cloned.1.call-start
scs
__scs_entry_jumppad:
0x0: {  	(pc) =	sbr.rel $0x88, $3  }
0x1: {  	(tag) =	ssettag $0x0;
	lr =	simm.s32 $0x1  }
0x2: {  	[smem:$0x3F95] =	sst lr;
	_ =	strace $0xD0000000  }
0x3: {  	_ = 	snop  }
0x4: {  	_ = 	snop  }
0x5: {  	_ = 	snop  }
0x6: {  	_ = 	snop  }
0x7: {  	_ = 	snop  }
__scs_overlays_trampoline_lowered:
0x8: {  	[smem:$0x3FA4] =	sst s0  }
0x9: {  	[smem:$0x3FA5] =	sst s1  }
0xa: {  	[smem:$0x3FA6] =	sst s2  }
0xb: {  	[smem:$0x3FA7] =	sst s3  }
0xc: {  	[smem:$0x3FA8] =	sst s4  }
0xd: {  	[smem:$0x3FA9] =	sst s5  }
0xe: {  	[smem:$0x3FAA] =	sst s6  }
0xf: {  	[smem:$0x3FAB] =	sst s7  }
0x10: {  	[smem:$0x3FAC] =	sst s8  }
0x11: {  	[smem:$0x3FAD] =	sst s9;
	s0 =	simm.s32 @!p0 $0x0  }
0x12: {  	s1 =	sld [smem:$0x3F93];
	s0 =	simm.s32 @p0 $0x1  }
0x13: {  	[smem:$0x3FAE] =	sst s0;
	s0 =	simm.s32 @!p1 $0x0  }
0x14: {  	s2 =	sld [smem:$0x3F92];
	s0 =	simm.s32 @p1 $0x1  }
0x15: {  	[smem:$0x3FAF] =	sst s0;
	s0 =	simm.s32 @!p2 $0x0  }
0x16: {  	s3 =	sld [smem:$0x3FDB];
	s0 =	simm.s32 @p2 $0x1  }
0x17: {  	s4 =	simm.s32 $0x1BF5;
	[smem:$0x3FB1] =	sst s0  }
0x18: {  	s0 =	sld [smem:$0x3F94];
	_ =	swait.ge [sflag:s4], $0x0  }
0x19: {  	s7 =	sld [smem:$0x3F95]  }
0x1a: {  	s8 =	sadd.s32 $0xFFFFE003, lr  }
0x1b: {  	s9 =	sadd.s32 $0xFFFFFEF7, lr;
	s5 =	simm.s32 $0xFFFFFFFF;
	p2 =	slt.u32 s8, $0xFFFFF086  }
0x1c: {  	p1 =	slt.u32 s9, $0xF7A;
	s5 =	simm.s32 @!p2 $0x0  }
0x1d: {  	s5 =	simm.s32 @p1 $0x1;
	p0 =	seq.s32 s7, s2  }
0x1e: {  	s7 =	smul.u32 @!p0 $0xF7A, s2;
	p2 =	seq.s32 @!p0 s5, $0x0  }
0x1f: {  	s9 =	smul.u32 $0xF7A, s1;
	s8 =	simm.s32 @!p0 $0x1BF5;
	p2 =	por !p2, p0  }
0x20: {  	[sflag:s8] =	ssyncset.s32 @!p0 $0xFFFFF086;
	s6 =	sadd.s32 @!p0 s3, s7;
	s7 =	simm.s32 @!p0 $0x108  }
0x21: {  	s3 =	sadd.s32 s3, s9;
	s6 =	sadd.s32 @!p0 $0x88, s6;
	s7 =	simm.s32 @p2 $0x1082  }
0x22: {  	[simem:s7], [sflag:s8] =	dma.local @!p0 [hbm:s6], $0xF7A  }
0x23: {  	s9 =	sor.u32 $0xD0000000, s2;
	s6 =	simm.s32 $0x108;
	_ =	swait.ge @!p0 [sflag:s8], $0x0  }
0x24: {  	s3 =	sadd.s32 $0x88, s3;
	s6 =	simm.s32 @!p1 $0x1082;
	[sflag:s4] =	ssyncset.s32 $0xFFFFF086  }
0x25: {  	[simem:s6], [sflag:s4] =	dma.local [hbm:s3], $0xF7A  }
0x26: {  	[smem:$0x3F95] =	sst s1;
	(tag) =	ssettag s2;
	_ =	strace s9  }
0x27: {  	s1 =	sld [smem:$0x3FA5]  }
0x28: {  	s2 =	sld [smem:$0x3FA6]  }
0x29: {  	s4 =	sld [smem:$0x3FA8]  }
0x2a: {  	p0 =	seq.s32 s5, $0x0;
	s5 =	sld [smem:$0x3FA9]  }
0x2b: {  	s6 =	sld [smem:$0x3FAA]  }
0x2c: {  	s7 =	sld [smem:$0x3FAB]  }
0x2d: {  	s3 =	simm.s32 $0x108;
	s8 =	sld [smem:$0x3FAC]  }
0x2e: {  	s3 =	simm.s32 @!p0 $0x1082;
	s9 =	sld [smem:$0x3FAD]  }
0x2f: {  	lr =	sadd.s32 s0, s3;
	s0 =	sld [smem:$0x3FA4]  }
0x30: {  	s3 =	sld [smem:$0x3FA7]  }
0x31: {  	[smem:$0x3FB0] =	sst s10  }
0x32: {  	s10 =	sld [smem:$0x3FAE];
	_ =	sdelay $0x3  }
0x33: {  	p0 =	seq.s32 s10, $0x1;
	s10 =	sld [smem:$0x3FB0];
	_ =	sdelay $0x3  }
0x34: {  	[smem:$0x3FB0] =	sst s10  }
0x35: {  	s10 =	sld [smem:$0x3FAF];
	_ =	sdelay $0x3  }
0x36: {  	p1 =	seq.s32 s10, $0x1;
	s10 =	sld [smem:$0x3FB0];
	_ =	sdelay $0x3  }
0x37: {  	[smem:$0x3FB0] =	sst s10  }
0x38: {  	s10 =	sld [smem:$0x3FB1]  }
0x39: {  	_ = 	snop;
	(pc) =	sbr.ind lr, $3  }
0x3a: {  	_ = 	snop  }
0x3b: {  	_ = 	snop  }
0x3c: {  	p2 =	seq.s32 s10, $0x1;
	s10 =	sld [smem:$0x3FB0]  }
0x3d: {  	_ =	shalt  }
0x3e: {  	_ =	shalt  }
0x3f: {  	_ =	shalt  }
0x40: {  	_ =	shalt  }
0x41: {  	_ =	shalt  }
0x42: {  	_ =	shalt  }
0x43: {  	_ =	shalt  }
0x44: {  	_ =	shalt  }
0x45: {  	_ =	shalt  }
0x46: {  	_ =	shalt  }
0x47: {  	_ =	shalt  }
0x48: {  	_ =	shalt  }
0x49: {  	_ =	shalt  }
0x4a: {  	_ =	shalt  }
0x4b: {  	_ =	shalt  }
0x4c: {  	_ =	shalt  }
0x4d: {  	_ =	shalt  }
0x4e: {  	_ =	shalt  }
0x4f: {  	_ =	shalt  }
0x50: {  	_ =	shalt  }
0x51: {  	_ =	shalt  }
0x52: {  	_ =	shalt  }
0x53: {  	_ =	shalt  }
0x54: {  	_ =	shalt  }
0x55: {  	_ =	shalt  }
0x56: {  	_ =	shalt  }
0x57: {  	_ =	shalt  }
0x58: {  	_ =	shalt  }
0x59: {  	_ =	shalt  }
0x5a: {  	_ =	shalt  }
0x5b: {  	_ =	shalt  }
0x5c: {  	_ =	shalt  }
0x5d: {  	_ =	shalt  }
0x5e: {  	_ =	shalt  }
0x5f: {  	_ =	shalt  }
0x60: {  	_ =	shalt  }
0x61: {  	_ =	shalt  }
0x62: {  	_ =	shalt  }
0x63: {  	_ =	shalt  }
0x64: {  	_ =	shalt  }
0x65: {  	_ =	shalt  }
0x66: {  	_ =	shalt  }
0x67: {  	_ =	shalt  }
0x68: {  	_ =	shalt  }
0x69: {  	_ =	shalt  }
0x6a: {  	_ =	shalt  }
0x6b: {  	_ =	shalt  }
0x6c: {  	_ =	shalt  }
0x6d: {  	_ =	shalt  }
0x6e: {  	_ =	shalt  }
0x6f: {  	_ =	shalt  }
0x70: {  	_ =	shalt  }
0x71: {  	_ =	shalt  }
0x72: {  	_ =	shalt  }
0x73: {  	_ =	shalt  }
0x74: {  	_ =	shalt  }
0x75: {  	_ =	shalt  }
0x76: {  	_ =	shalt  }
0x77: {  	_ =	shalt  }
0x78: {  	_ =	shalt  }
0x79: {  	_ =	shalt  }
0x7a: {  	_ =	shalt  }
0x7b: {  	_ =	shalt  }
0x7c: {  	_ =	shalt  }
0x7d: {  	_ =	shalt  }
0x7e: {  	_ =	shalt  }
0x7f: {  	_ =	shalt  }
0x80: {  	_ =	shalt  }
0x81: {  	_ =	shalt  }
0x82: {  	_ =	shalt  }
0x83: {  	_ =	shalt  }
0x84: {  	_ =	shalt  }
0x85: {  	_ =	shalt  }
0x86: {  	_ =	shalt  }
0x87: {  	_ =	shalt  }
.Lfunc_end0:
.L_simem_size_0:
called_computation.1_lowered:
.L_overlay_start_0:
0x88: {  	s2 =	sld [smem:$0x3FD9]  }
0x89: {  	s3 =	sld [smem:$0x3FFE];
	_ =	sdelay $0x1  }
0x8a: {  	s1 =	srdreg.scid  }
0x8b: {  	s0 =	sand.u32 $0x1, s1  }
0x8c: {  	s14 =	sshll.u32 s0, $0xA;
	s2 =	sadd.s32 s3, s2  }
0x8d: {  	s2 =	sadd.s32 s2, s14  }
0x8e: {  	[smem:$0x3FBC] =	sst s2  }
0x8f: {  	_ = 	snop  }
0x90: {  	s2 =	sld [smem:$0x3FD0];
	_ =	sdelay $0x2  }
0x91: {  	s15 =	simm.s32 $0xA;
	s4 =	simm.s32 $0x10  }
0x92: {  	[smem:s4], [sflag:s15] =	dma.local [hbm:s2], $0x1  }
0x93: {  	_ =	swait.eq [sflag:s15], $0x1  }
0x94: {  	[sflag:s15] =	ssyncset.done $0x0  }
0x95: {  	[sflag:s15] =	ssyncadd.s32 $0xFFFFFFFF  }
0x96: {  	s16 =	sld [smem:$0x10];
	(tm) =	ssettm $0x1  }
0x97: {  	s17 =	sld [smem:$0x3FFB];
	_ =	sdelay $0x3  }
0x98: {  	_ =	strace s17  }
0x99: {  	s3 =	sld [smem:$0x3FFC];
	_ =	sdelay $0x3  }
0x9a: {  	_ =	strace s3  }
0x9b: {  	s3 =	sld [smem:$0x3FFD];
	_ =	sdelay $0x3  }
0x9c: {  	_ =	strace s3  }
0x9d: {  	_ =	strace $0x8FFFFFFF  }
0x9e: {  	s18 =	sld [smem:$0x3FDB];
	_ =	sdelay $0x1  }
0x9f: {  	s19 =	simm.s32 $_scs_section_size  }
0xa0: {  	s5 =	simm.s32 $_size__tile_overlayer_lowered;
	s6 =	simm.s32 $_tile_overlayer_lowered  }
0xa1: {  	s22 =	simm.s32 $0x1BFF;
	s21 =	sshll.u32 s6, $0x1;
	s3 =	sadd.s32 s19, s18  }
0xa2: {  	s7 =	simm.s32 $0x0;
	s20 =	sshll.u32 s5, $0x1;
	s5 =	sadd.s32 s21, s3  }
0xa3: {  	[timem:s7], [sflag:s22] =	dma.local [hbm:s5], s20  }
0xa4: {  	_ =	swait.ge [sflag:s22], s20  }
0xa5: {  	s4 =	ssub.s32 $0x0, s20;
	[sflag:s22] =	ssyncset.done $0x0  }
0xa6: {  	[sflag:s22] =	ssyncadd.s32 s4;
	_ =	sdelay $0x1  }
0xa7: {  	s23 =	simm.s32 $0x1B8B  }
0xa8: {  	_ =	swait.ge [sflag:s23], $0x1  }
0xa9: {  	[sflag:s23] =	ssyncset.done $0x0  }
0xaa: {  	s25 =	simm.s32 $0x1B8E;
	s24 =	sld [smem:$0x3FFE];
	[sflag:s23] =	ssyncadd.s32 $0xFFFFFFFF  }
0xab: {  	s26 =	simm.s32 $execute0_lowered;
	[smem:$0x3FD2] =	sst s25  }
0xac: {  	s5 =	sshll.u32 s26, $0x1;
	_ =	strace $0x80000049;
	[dreg:$0x1] =	wrdreg $0xFFFFFFFF  }
0xad: {  	s28 =	simm.s32 $_size_execute0_lowered;
	s3 =	sadd.s32 s3, s5;
	[dreg:$0x0] =	wrdreg $0x0  }
0xae: {  	s5 =	sshll.u32 s28, $0x1;
	[dreg:$0x2] =	wrdreg s3  }
0xaf: {  	[dreg:$0x3] =	wrdreg s5  }
0xb0: {  	[dreg:$0x4] =	wrdreg $0xC0  }
0xb1: {  	_ =	task [dreg:s7], $0x5FFFF  }
0xb2: {  	[dreg:$0x1] =	wrdreg $0xFFFFFFFF  }
0xb3: {  	[dreg:$0x0] =	wrdreg $0x60  }
0xb4: {  	[dreg:$0x2] =	wrdreg s24  }
0xb5: {  	[dreg:$0x3] =	wrdreg s16  }
0xb6: {  	[dreg:$0x4] =	wrdreg $0x0  }
0xb7: {  	[dreg:$0x5] =	wrdreg $0x9  }
0xb8: {  	_ =	task.clear_ibuf [dreg:s7], $0x6FFFF;
	_ =	strace $0x90000049  }
0xb9: {  	s29 =	simm.s32 $0x9;
	_ =	strace $0x8000004B  }
0xba: {  	_ =	swait.ge [sflag:s29], $0x1  }
0xbb: {  	[sflag:s29] =	ssyncadd.s32 $0xFFFFFFFF  }
0xbc: {  	_ =	strace $0x9000004B  }
0xbd: {  	_ =	sfence  }
0xbe: {  	s30 =	sld [smem:$0x0];
	_ =	sdelay $0x2  }
0xbf: {  	s31 =	sshll.u32 s1, $0xD;
	s1 =	sshrl.u32 s1, $0x2  }
0xc0: {  	s3 =	sand.u32 $0x4000, s31;
	s1 =	sadd.s32 s1, s30  }
0xc1: {  	s0 =	sor.u32 s3, s0;
	s1 =	sshll.u32 s1, $0x11  }
0xc2: {  	s0 =	sor.u32 s1, s0  }
0xc3: {  	s0 =	sadd.s32 $0x8F2B, s0  }
0xc4: {  	[sflag:s0] =	ssyncadd.remote.s32 $0x1  }
0xc5: {  	_ =	sfence.sel $0xFFFF  }
0xc6: {  	[dreg:$0x0] =	wrdreg $0xFFFFFFFF;
	(pc) =	sbr.abs _section_cstart, $3  }
0xc7: {  	[dreg:$0x1] =	wrdreg $0xFFFFFFFF  }
0xc8: {  	_ =	task.clear_ibuf [dreg:s7], $0x2FFFF;
	_ =	strace $0x9FFFFFFF  }
0xc9: {  	(tm) =	ssettm $0x7FFFFFFF  }
tec
execute0_lowered:
.L_overlay_start_1:
0x0: {  	(tag) =	ssettag $0x1  }
0x1: {  	s0 =	rddreg [dreg:$0x0]  }
0x2: {  	s3 =	rddreg [dreg:$0x1]  }
0x3: {  	s1 =	rddreg [dreg:$0x2];
	s2 =	simm.s32 $0x0;
	s6 =	srdreg.scid  }
0x4: {  	s16 =	stileid.u32;
	s18 =	simm.s32 $0x138C0;
	s28 =	simm.s32 $0x139C0  }
0x5: {  	s29 =	simm.s32 $0x14D40;
	s30 =	simm.s32 $0x4;
	s31 =	simm.s32 $0x0  }
0x6: {  	[smem:$0x7FF] =	sst s2;
	s4 =	sadd.s32 $0xCC00, s0;
	s5 =	sadd.s32 $0x5AE00, s0  }
0x7: {  	s11 =	sadd.s32 $0x2C00, s0;
	s7 =	sand.u32 $0x1, s6;
	s8 =	smul.u32 $0x4E000, s16  }
0x8: {  	s0 =	sadd.s32 $0x8C000, s0;
	s12 =	smul.u32 $0x13800, s16;
	s21 =	sshll.u32 s16, $0x6  }
0x9: {  	s17 =	sadd.s32 $0x138000, s1;
	p0 =	sne.s32 s16, $0xF;
	_ =	strace $0x8000004A  }
0xa: {  	s6 =	ssub.s32 $0x2, s7;
	s10 =	sshll.u32 s7, $0x4;
	s24 =	smul.u32 $0x138800, s7  }
0xb: {  	s7 =	sadd.s32 $0x27000, s3;
	s17 =	sshrl.u32 @!p0 s17, $0x3;
	s9 =	sshrl.u32 s6, $0x1  }
0xc: {  	s19 =	sor.u32 s16, s10;
	s8 =	sshrl.u32 s8, $0x2;
	s20 =	sshrl.u32 s12, $0x3  }
0xd: {  	s16 =	simm.s32 $0x5;
	s14 =	ssub.s32 s6, s9;
	s13 =	smul.u32 $0x2800, s19  }
0xe: {  	s15 =	sadd.s32 s8, s1;
	s22 =	sadd.s32 s3, s20;
	s6 =	sor.u32 $0x1C05, s21  }
0xf: {  	s12 =	sadd.s32 s12, s24;
	s19 =	simm.s32 $0x14CC0;
	s20 =	simm.s32 $0x80  }
0x10: {  	s21 =	simm.s32 $0x160C0;
	[dreg:$0x4] =	wrdreg s22;
	s26 =	sshrl.u32 s12, $0x3  }
0x11: {  	s14 =	smax.u32 s14, $0x1;
	s15 =	sshrl.u32 s15, $0x3;
	s22 =	simm.s32 $0x1  }
.Ltmp0:
0x12: {  	s23 =	sshrl.u32 s13, $0x3;
	s13 =	sshrl.u32 s24, $0x3;
	(pc) =	sbr.rel .LBB2_1-.Ltmp0, $4  }
0x13: {  	s12 =	sadd.s32 s0, s26;
	s24 =	simm.s32 $0x1A0C0;
	s26 =	simm.s32 $0x3  }
0x14: {  	s8 =	sadd.s32 s5, s23;
	s9 =	sadd.s32 s11, s23;
	s25 =	sadd.s32 $0x280, s23  }
0x15: {  	s13 =	sadd.s32 s0, s13;
	s23 =	simm.s32 $0x13940;
	s10 =	sadd.s32 s5, s25  }
0x16: {  	s11 =	sadd.s32 s11, s25;
	s13 =	sadd.s32 $0x27000, s13;
	s25 =	simm.s32 $0x2  }
.LBB2_7:
0x17: {  	[spmem:s1] =	stream.indirect.scatter.add.f32 [tilespmem:s24], [sflag:$0x4], $0x80, s5, s20, $0xb8;
	[tilespmem:$0x1E0C0] =	vst v63  }
0x18: {  	_ =	swait.ge [sflag:s30], $0x4000  }
0x19: {  	[sflag:s30] =	ssyncset.done $0x0  }
0x1a: {  	[sflag:s30] =	ssyncadd.s32 $0xFFFFC000  }
0x1b: {  	[bflag:$0x0] =	sbarrier.arrive $0xFFFF  }
0x1c: {  	[hbm:s12], [sflag:s6] =	dma.local [spmem:s15], $0x2700  }
0x1d: {  	s31 =	sadd.s32 $0x1, s31;
	_ =	swait.ge [sflag:s16], $0x2700  }
0x1e: {  	p1 =	sne.s32 s31, s14;
	[sflag:s16] =	ssyncset.done $0x0  }
.Ltmp1:
0x1f: {  	s0 =	simm.s32 @!p0 $0x5;
	[sflag:s16] =	ssyncadd.s32 $0xFFFFD900;
	(pc) =	sbr.rel @!p1 .LBB2_8-.Ltmp1, $4  }
0x20: {  	[hbm:s13], [sflag:s6] =	dma.local @!p0 [spmem:s17], $0x100  }
0x21: {  	_ =	swait.ge @!p0 [sflag:s0], $0x100  }
0x22: {  	[sflag:s0] =	ssyncset.done @!p0 $0x0  }
0x23: {  	[sflag:s0] =	ssyncadd.s32 @!p0 $0xFFFFFF00  }
.LBB2_1:
0x24: {  	s0 =	rddreg [dreg:$0x4]  }
0x25: {  	[spmem:s15], [sflag:s6] =	dma.local [hbm:s0], $0x2700  }
0x26: {  	_ =	swait.ge [sflag:s16], $0x2700  }
0x27: {  	[sflag:s16] =	ssyncset.done $0x0  }
0x28: {  	s0 =	simm.s32 @!p0 $0x5;
	[sflag:s16] =	ssyncadd.s32 $0xFFFFD900  }
0x29: {  	[spmem:s17], [sflag:s6] =	dma.local @!p0 [hbm:s7], $0x100  }
0x2a: {  	_ =	swait.ge @!p0 [sflag:s0], $0x100  }
0x2b: {  	[sflag:s0] =	ssyncset.done @!p0 $0x0  }
0x2c: {  	[sflag:s0] =	ssyncadd.s32 @!p0 $0xFFFFFF00  }
0x2d: {  	[bflag:$0x0] =	sbarrier.arrive $0xFFFF  }
0x2e: {  	[tilespmem:s18], [sflag:$0x5] =	stream.linear.gather [hbm4b:s8+s2], $0x1400, $0x38;
	[tilespmem:$0x1E0C0] =	vst v63  }
0x2f: {  	_ =	swait.ge [sflag:s16], $0x1400  }
0x30: {  	[sflag:s16] =	ssyncset.done $0x0  }
0x31: {  	[sflag:s16] =	ssyncadd.s32 $0xFFFFEC00  }
0x32: {  	[tilespmem:s19], [sflag:$0x5] =	stream.linear.gather [hbm4b:s9+s2], $0x1400, $0x38;
	[tilespmem:$0x1E0C0] =	vst v63  }
0x33: {  	_ =	swait.ge [sflag:s16], $0x1400  }
0x34: {  	[sflag:s16] =	ssyncset.done $0x0  }
0x35: {  	[sflag:s16] =	ssyncadd.s32 $0xFFFFEC00  }
0x36: {  	[tilespmem:s21], [sflag:$0x1] =	stream.indirect.gather [hbm4b:s4+s20], $0x80, s18, s20, $0xb8;
	[tilespmem:$0x1E0C0] =	vst v63  }
0x37: {  	_ =	swait.ge [sflag:s22], $0x4000  }
0x38: {  	[sflag:s22] =	ssyncset.done $0x0  }
0x39: {  	[sflag:s22] =	ssyncadd.s32 $0xFFFFC000  }
0x3a: {  	[tilespmem:s24], [sflag:$0x2] =	stream.indirect.gather [hbm4b:s4+s20], $0x80, s23, s20, $0xb8;
	[tilespmem:$0x1E0C0] =	vst v63  }
0x3b: {  	_ = 	snop  }
0x3c: {  	[spmem:s1] =	stream.indirect.scatter.add.f32 [tilespmem:s21], [sflag:$0x3], $0x80, s19, s20, $0xb8;
	[tilespmem:$0x1E0C0] =	vst v63  }
0x3d: {  	_ =	swait.ge [sflag:s25], $0x4000  }
0x3e: {  	[sflag:s25] =	ssyncset.done $0x0  }
0x3f: {  	[sflag:s25] =	ssyncadd.s32 $0xFFFFC000  }
0x40: {  	_ =	swait.ge [sflag:s26], $0x4000  }
0x41: {  	[sflag:s26] =	ssyncset.done $0x0  }
0x42: {  	[sflag:s26] =	ssyncadd.s32 $0xFFFFC000  }
0x43: {  	[tilespmem:s21], [sflag:$0x1] =	stream.indirect.gather [hbm4b:s4+s20], $0x80, s28, s20, $0xb8;
	[tilespmem:$0x1E0C0] =	vst v63  }
0x44: {  	s0 =	simm.s32 $0xFFFFB800  }
0x45: {  	[spmem:s1] =	stream.indirect.scatter.add.f32 [tilespmem:s24], [sflag:$0x4], $0x80, s29, s20, $0xb8;
	[tilespmem:$0x1E0C0] =	vst v63  }
.LBB2_2:
0x46: {  	_ =	swait.ge [sflag:s22], $0x4000  }
0x47: {  	[sflag:s22] =	ssyncset.done $0x0  }
0x48: {  	[sflag:s22] =	ssyncadd.s32 $0xFFFFC000  }
0x49: {  	_ =	swait.ge [sflag:s30], $0x4000  }
0x4a: {  	s3 =	sshra.s32 s0, $0x2;
	[sflag:s30] =	ssyncset.done $0x0  }
0x4b: {  	s5 =	sadd.s32 $0x14C40, s3;
	[sflag:s30] =	ssyncadd.s32 $0xFFFFC000  }
0x4c: {  	[tilespmem:s24], [sflag:$0x2] =	stream.indirect.gather [hbm4b:s4+s20], $0x80, s5, s20, $0xb8;
	[tilespmem:$0x1E0C0] =	vst v63  }
0x4d: {  	s5 =	sadd.s32 $0x15FC0, s3  }
0x4e: {  	[spmem:s1] =	stream.indirect.scatter.add.f32 [tilespmem:s21], [sflag:$0x3], $0x80, s5, s20, $0xb8;
	[tilespmem:$0x1E0C0] =	vst v63  }
0x4f: {  	p1 =	seq.s32 s0, $0x0;
	_ =	swait.ge [sflag:s25], $0x4000  }
.Ltmp2:
0x50: {  	[sflag:s25] =	ssyncset.done $0x0;
	(pc) =	sbr.rel @p1 .LBB2_4-.Ltmp2, $4  }
0x51: {  	[sflag:s25] =	ssyncadd.s32 $0xFFFFC000  }
0x52: {  	_ =	swait.ge [sflag:s26], $0x4000  }
0x53: {  	[sflag:s26] =	ssyncset.done $0x0  }
0x54: {  	s5 =	sadd.s32 $0x16040, s3;
	[sflag:s26] =	ssyncadd.s32 $0xFFFFC000  }
.Ltmp3:
0x55: {  	(pc) =	sbr.rel .LBB2_2-.Ltmp3, $4  }
0x56: {  	s3 =	sadd.s32 $0x14CC0, s3  }
0x57: {  	[tilespmem:s21], [sflag:$0x1] =	stream.indirect.gather [hbm4b:s4+s20], $0x80, s3, s20, $0xb8;
	[tilespmem:$0x1E0C0] =	vst v63  }
0x58: {  	s0 =	sadd.s32 $0x400, s0  }
0x59: {  	[spmem:s1] =	stream.indirect.scatter.add.f32 [tilespmem:s24], [sflag:$0x4], $0x80, s5, s20, $0xb8;
	[tilespmem:$0x1E0C0] =	vst v63  }
.LBB2_4:
0x5a: {  	[spmem:s1] =	stream.indirect.scatter.add.f32 [tilespmem:s24], [sflag:$0x4], $0x80, s5, s20, $0xb8;
	[tilespmem:$0x1E0C0] =	vst v63  }
0x5b: {  	_ =	swait.ge [sflag:s30], $0x4000  }
0x5c: {  	[sflag:s30] =	ssyncset.done $0x0  }
0x5d: {  	[sflag:s30] =	ssyncadd.s32 $0xFFFFC000  }
0x5e: {  	[tilespmem:s18], [sflag:$0x5] =	stream.linear.gather [hbm4b:s10+s2], $0x1400, $0x38;
	[tilespmem:$0x1E0C0] =	vst v63  }
0x5f: {  	_ =	swait.ge [sflag:s16], $0x1400  }
0x60: {  	[sflag:s16] =	ssyncset.done $0x0  }
0x61: {  	[sflag:s16] =	ssyncadd.s32 $0xFFFFEC00  }
0x62: {  	[tilespmem:s19], [sflag:$0x5] =	stream.linear.gather [hbm4b:s11+s2], $0x1400, $0x38;
	[tilespmem:$0x1E0C0] =	vst v63  }
0x63: {  	_ =	swait.ge [sflag:s16], $0x1400  }
0x64: {  	[sflag:s16] =	ssyncset.done $0x0  }
0x65: {  	[sflag:s16] =	ssyncadd.s32 $0xFFFFEC00  }
0x66: {  	[tilespmem:s21], [sflag:$0x1] =	stream.indirect.gather [hbm4b:s4+s20], $0x80, s18, s20, $0xb8;
	[tilespmem:$0x1E0C0] =	vst v63  }
0x67: {  	_ =	swait.ge [sflag:s22], $0x4000  }
0x68: {  	[sflag:s22] =	ssyncset.done $0x0  }
0x69: {  	[sflag:s22] =	ssyncadd.s32 $0xFFFFC000  }
0x6a: {  	[tilespmem:s24], [sflag:$0x2] =	stream.indirect.gather [hbm4b:s4+s20], $0x80, s23, s20, $0xb8;
	[tilespmem:$0x1E0C0] =	vst v63  }
0x6b: {  	_ = 	snop  }
0x6c: {  	[spmem:s1] =	stream.indirect.scatter.add.f32 [tilespmem:s21], [sflag:$0x3], $0x80, s19, s20, $0xb8;
	[tilespmem:$0x1E0C0] =	vst v63  }
0x6d: {  	_ =	swait.ge [sflag:s25], $0x4000  }
0x6e: {  	[sflag:s25] =	ssyncset.done $0x0  }
0x6f: {  	[sflag:s25] =	ssyncadd.s32 $0xFFFFC000  }
0x70: {  	_ =	swait.ge [sflag:s26], $0x4000  }
0x71: {  	[sflag:s26] =	ssyncset.done $0x0  }
0x72: {  	[sflag:s26] =	ssyncadd.s32 $0xFFFFC000  }
0x73: {  	[tilespmem:s21], [sflag:$0x1] =	stream.indirect.gather [hbm4b:s4+s20], $0x80, s28, s20, $0xb8;
	[tilespmem:$0x1E0C0] =	vst v63  }
0x74: {  	s0 =	simm.s32 $0xFFFFB800  }
0x75: {  	[spmem:s1] =	stream.indirect.scatter.add.f32 [tilespmem:s24], [sflag:$0x4], $0x80, s29, s20, $0xb8;
	[tilespmem:$0x1E0C0] =	vst v63  }
.LBB2_5:
0x76: {  	_ =	swait.ge [sflag:s22], $0x4000  }
0x77: {  	[sflag:s22] =	ssyncset.done $0x0  }
0x78: {  	[sflag:s22] =	ssyncadd.s32 $0xFFFFC000  }
0x79: {  	_ =	swait.ge [sflag:s30], $0x4000  }
0x7a: {  	s3 =	sshra.s32 s0, $0x2;
	[sflag:s30] =	ssyncset.done $0x0  }
0x7b: {  	s5 =	sadd.s32 $0x14C40, s3;
	[sflag:s30] =	ssyncadd.s32 $0xFFFFC000  }
0x7c: {  	[tilespmem:s24], [sflag:$0x2] =	stream.indirect.gather [hbm4b:s4+s20], $0x80, s5, s20, $0xb8;
	[tilespmem:$0x1E0C0] =	vst v63  }
0x7d: {  	s5 =	sadd.s32 $0x15FC0, s3  }
0x7e: {  	[spmem:s1] =	stream.indirect.scatter.add.f32 [tilespmem:s21], [sflag:$0x3], $0x80, s5, s20, $0xb8;
	[tilespmem:$0x1E0C0] =	vst v63  }
0x7f: {  	p1 =	seq.s32 s0, $0x0;
	_ =	swait.ge [sflag:s25], $0x4000  }
.Ltmp4:
0x80: {  	[sflag:s25] =	ssyncset.done $0x0;
	(pc) =	sbr.rel @p1 .LBB2_7-.Ltmp4, $4  }
0x81: {  	[sflag:s25] =	ssyncadd.s32 $0xFFFFC000  }
0x82: {  	_ =	swait.ge [sflag:s26], $0x4000  }
0x83: {  	[sflag:s26] =	ssyncset.done $0x0  }
0x84: {  	s5 =	sadd.s32 $0x16040, s3;
	[sflag:s26] =	ssyncadd.s32 $0xFFFFC000  }
.Ltmp5:
0x85: {  	(pc) =	sbr.rel .LBB2_5-.Ltmp5, $4  }
0x86: {  	s3 =	sadd.s32 $0x14CC0, s3  }
0x87: {  	[tilespmem:s21], [sflag:$0x1] =	stream.indirect.gather [hbm4b:s4+s20], $0x80, s3, s20, $0xb8;
	[tilespmem:$0x1E0C0] =	vst v63  }
0x88: {  	s0 =	sadd.s32 $0x400, s0  }
0x89: {  	[spmem:s1] =	stream.indirect.scatter.add.f32 [tilespmem:s24], [sflag:$0x4], $0x80, s5, s20, $0xb8;
	[tilespmem:$0x1E0C0] =	vst v63  }
.LBB2_8:
0x8a: {  	_ =	sfence.sel $0x180000  }
0x8b: {  	[bflag:$0x0] =	sbarrier.arrive $0xFFFF  }
0x8c: {  	_ =	strace $0x9000004A  }
0x8d: {  	s0 =	stileid.u32;
	[bflag:$0x2] =	sbarrier.arrive $0xFFFF  }
0x8e: {  	p0 =	sne.s32 s0, $0x0;
	s0 =	rddreg [dreg:$0x3]  }
0x8f: {  	s0 =	sadd.s32 @!p0 $0x100000, s0  }
0x90: {  	[sflag:s0] =	ssyncadd.tile.s32 @!p0 $0x1;
	_ =	shalt  }
.Lfunc_end2:
_tile_overlayer_lowered:
.L_overlay_start_2:
0x91: {  	(tag) =	ssettag $0x2  }
0x92: {  	s0 =	rddreg [dreg:$0x0];
	s2 =	stileid.u32  }
0x93: {  	s1 =	rddreg [dreg:$0x1];
	p0 =	sne.s32 s2, $0x0  }
0x94: {  	s3 =	rddreg [dreg:$0x2];
	[bflag:$0x3] =	sbarrier.arrive $0xFFFF;
	s2 =	simm.s32 @!p0 $0x1C05  }
0x95: {  	[timem:s3], [sflag:s2] =	dma.local @!p0 [hbm:s0], s1  }
0x96: {  	s0 =	simm.s32 @!p0 $0x5  }
0x97: {  	_ =	swait.ge @!p0 [sflag:s0], s1  }
0x98: {  	s1 =	ssub.s32 @!p0 $0x0, s1;
	[sflag:s0] =	ssyncset.done @!p0 $0x0  }
0x99: {  	[sflag:s0] =	ssyncadd.s32 @!p0 s1  }
0x9a: {  	[bflag:$0x3] =	sbarrier.arrive $0xFFFF  }
0x9b: {  	_ =	shalt  }

// kernel: kernel.14.cloned.1.call-start
scs
__scs_entry_jumppad:
0x0: {  	(pc) =	sbr.rel $0x88, $3  }
0x1: {  	(tag) =	ssettag $0x0;
	lr =	simm.s32 $0x1  }
0x2: {  	[smem:$0x3F95] =	sst lr;
	_ =	strace $0xD0000000  }
0x3: {  	_ = 	snop  }
0x4: {  	_ = 	snop  }
0x5: {  	_ = 	snop  }
0x6: {  	_ = 	snop  }
0x7: {  	_ = 	snop  }
__scs_overlays_trampoline_lowered:
0x8: {  	[smem:$0x3FA4] =	sst s0  }
0x9: {  	[smem:$0x3FA5] =	sst s1  }
0xa: {  	[smem:$0x3FA6] =	sst s2  }
0xb: {  	[smem:$0x3FA7] =	sst s3  }
0xc: {  	[smem:$0x3FA8] =	sst s4  }
0xd: {  	[smem:$0x3FA9] =	sst s5  }
0xe: {  	[smem:$0x3FAA] =	sst s6  }
0xf: {  	[smem:$0x3FAB] =	sst s7  }
0x10: {  	[smem:$0x3FAC] =	sst s8  }
0x11: {  	[smem:$0x3FAD] =	sst s9;
	s0 =	simm.s32 @!p0 $0x0  }
0x12: {  	s1 =	sld [smem:$0x3F93];
	s0 =	simm.s32 @p0 $0x1  }
0x13: {  	[smem:$0x3FAE] =	sst s0;
	s0 =	simm.s32 @!p1 $0x0  }
0x14: {  	s2 =	sld [smem:$0x3F92];
	s0 =	simm.s32 @p1 $0x1  }
0x15: {  	[smem:$0x3FAF] =	sst s0;
	s0 =	simm.s32 @!p2 $0x0  }
0x16: {  	s3 =	sld [smem:$0x3FDB];
	s0 =	simm.s32 @p2 $0x1  }
0x17: {  	s4 =	simm.s32 $0x1BF5;
	[smem:$0x3FB1] =	sst s0  }
0x18: {  	s0 =	sld [smem:$0x3F94];
	_ =	swait.ge [sflag:s4], $0x0  }
0x19: {  	s7 =	sld [smem:$0x3F95]  }
0x1a: {  	s8 =	sadd.s32 $0xFFFFE003, lr  }
0x1b: {  	s9 =	sadd.s32 $0xFFFFFEF7, lr;
	s5 =	simm.s32 $0xFFFFFFFF;
	p2 =	slt.u32 s8, $0xFFFFF086  }
0x1c: {  	p1 =	slt.u32 s9, $0xF7A;
	s5 =	simm.s32 @!p2 $0x0  }
0x1d: {  	s5 =	simm.s32 @p1 $0x1;
	p0 =	seq.s32 s7, s2  }
0x1e: {  	s7 =	smul.u32 @!p0 $0xF7A, s2;
	p2 =	seq.s32 @!p0 s5, $0x0  }
0x1f: {  	s9 =	smul.u32 $0xF7A, s1;
	s8 =	simm.s32 @!p0 $0x1BF5;
	p2 =	por !p2, p0  }
0x20: {  	[sflag:s8] =	ssyncset.s32 @!p0 $0xFFFFF086;
	s6 =	sadd.s32 @!p0 s3, s7;
	s7 =	simm.s32 @!p0 $0x108  }
0x21: {  	s3 =	sadd.s32 s3, s9;
	s6 =	sadd.s32 @!p0 $0x88, s6;
	s7 =	simm.s32 @p2 $0x1082  }
0x22: {  	[simem:s7], [sflag:s8] =	dma.local @!p0 [hbm:s6], $0xF7A  }
0x23: {  	s9 =	sor.u32 $0xD0000000, s2;
	s6 =	simm.s32 $0x108;
	_ =	swait.ge @!p0 [sflag:s8], $0x0  }
0x24: {  	s3 =	sadd.s32 $0x88, s3;
	s6 =	simm.s32 @!p1 $0x1082;
	[sflag:s4] =	ssyncset.s32 $0xFFFFF086  }
0x25: {  	[simem:s6], [sflag:s4] =	dma.local [hbm:s3], $0xF7A  }
0x26: {  	[smem:$0x3F95] =	sst s1;
	(tag) =	ssettag s2;
	_ =	strace s9  }
0x27: {  	s1 =	sld [smem:$0x3FA5]  }
0x28: {  	s2 =	sld [smem:$0x3FA6]  }
0x29: {  	s4 =	sld [smem:$0x3FA8]  }
0x2a: {  	p0 =	seq.s32 s5, $0x0;
	s5 =	sld [smem:$0x3FA9]  }
0x2b: {  	s6 =	sld [smem:$0x3FAA]  }
0x2c: {  	s7 =	sld [smem:$0x3FAB]  }
0x2d: {  	s3 =	simm.s32 $0x108;
	s8 =	sld [smem:$0x3FAC]  }
0x2e: {  	s3 =	simm.s32 @!p0 $0x1082;
	s9 =	sld [smem:$0x3FAD]  }
0x2f: {  	lr =	sadd.s32 s0, s3;
	s0 =	sld [smem:$0x3FA4]  }
0x30: {  	s3 =	sld [smem:$0x3FA7]  }
0x31: {  	[smem:$0x3FB0] =	sst s10  }
0x32: {  	s10 =	sld [smem:$0x3FAE];
	_ =	sdelay $0x3  }
0x33: {  	p0 =	seq.s32 s10, $0x1;
	s10 =	sld [smem:$0x3FB0];
	_ =	sdelay $0x3  }
0x34: {  	[smem:$0x3FB0] =	sst s10  }
0x35: {  	s10 =	sld [smem:$0x3FAF];
	_ =	sdelay $0x3  }
0x36: {  	p1 =	seq.s32 s10, $0x1;
	s10 =	sld [smem:$0x3FB0];
	_ =	sdelay $0x3  }
0x37: {  	[smem:$0x3FB0] =	sst s10  }
0x38: {  	s10 =	sld [smem:$0x3FB1]  }
0x39: {  	_ = 	snop;
	(pc) =	sbr.ind lr, $3  }
0x3a: {  	_ = 	snop  }
0x3b: {  	_ = 	snop  }
0x3c: {  	p2 =	seq.s32 s10, $0x1;
	s10 =	sld [smem:$0x3FB0]  }
0x3d: {  	_ =	shalt  }
0x3e: {  	_ =	shalt  }
0x3f: {  	_ =	shalt  }
0x40: {  	_ =	shalt  }
0x41: {  	_ =	shalt  }
0x42: {  	_ =	shalt  }
0x43: {  	_ =	shalt  }
0x44: {  	_ =	shalt  }
0x45: {  	_ =	shalt  }
0x46: {  	_ =	shalt  }
0x47: {  	_ =	shalt  }
0x48: {  	_ =	shalt  }
0x49: {  	_ =	shalt  }
0x4a: {  	_ =	shalt  }
0x4b: {  	_ =	shalt  }
0x4c: {  	_ =	shalt  }
0x4d: {  	_ =	shalt  }
0x4e: {  	_ =	shalt  }
0x4f: {  	_ =	shalt  }
0x50: {  	_ =	shalt  }
0x51: {  	_ =	shalt  }
0x52: {  	_ =	shalt  }
0x53: {  	_ =	shalt  }
0x54: {  	_ =	shalt  }
0x55: {  	_ =	shalt  }
0x56: {  	_ =	shalt  }
0x57: {  	_ =	shalt  }
0x58: {  	_ =	shalt  }
0x59: {  	_ =	shalt  }
0x5a: {  	_ =	shalt  }
0x5b: {  	_ =	shalt  }
0x5c: {  	_ =	shalt  }
0x5d: {  	_ =	shalt  }
0x5e: {  	_ =	shalt  }
0x5f: {  	_ =	shalt  }
0x60: {  	_ =	shalt  }
0x61: {  	_ =	shalt  }
0x62: {  	_ =	shalt  }
0x63: {  	_ =	shalt  }
0x64: {  	_ =	shalt  }
0x65: {  	_ =	shalt  }
0x66: {  	_ =	shalt  }
0x67: {  	_ =	shalt  }
0x68: {  	_ =	shalt  }
0x69: {  	_ =	shalt  }
0x6a: {  	_ =	shalt  }
0x6b: {  	_ =	shalt  }
0x6c: {  	_ =	shalt  }
0x6d: {  	_ =	shalt  }
0x6e: {  	_ =	shalt  }
0x6f: {  	_ =	shalt  }
0x70: {  	_ =	shalt  }
0x71: {  	_ =	shalt  }
0x72: {  	_ =	shalt  }
0x73: {  	_ =	shalt  }
0x74: {  	_ =	shalt  }
0x75: {  	_ =	shalt  }
0x76: {  	_ =	shalt  }
0x77: {  	_ =	shalt  }
0x78: {  	_ =	shalt  }
0x79: {  	_ =	shalt  }
0x7a: {  	_ =	shalt  }
0x7b: {  	_ =	shalt  }
0x7c: {  	_ =	shalt  }
0x7d: {  	_ =	shalt  }
0x7e: {  	_ =	shalt  }
0x7f: {  	_ =	shalt  }
0x80: {  	_ =	shalt  }
0x81: {  	_ =	shalt  }
0x82: {  	_ =	shalt  }
0x83: {  	_ =	shalt  }
0x84: {  	_ =	shalt  }
0x85: {  	_ =	shalt  }
0x86: {  	_ =	shalt  }
0x87: {  	_ =	shalt  }
.Lfunc_end0:
.L_simem_size_0:
called_computation.2_lowered:
.L_overlay_start_0:
0x88: {  	s2 =	sld [smem:$0x3FD9]  }
0x89: {  	s3 =	sld [smem:$0x3FFE];
	_ =	sdelay $0x1  }
0x8a: {  	s1 =	srdreg.scid  }
0x8b: {  	s0 =	sand.u32 $0x1, s1  }
0x8c: {  	s14 =	sshll.u32 s0, $0xA;
	s2 =	sadd.s32 s3, s2  }
0x8d: {  	s2 =	sadd.s32 s2, s14  }
0x8e: {  	[smem:$0x3FBC] =	sst s2  }
0x8f: {  	_ = 	snop  }
0x90: {  	s2 =	sld [smem:$0x3FD0];
	_ =	sdelay $0x2  }
0x91: {  	s15 =	simm.s32 $0xA;
	s4 =	simm.s32 $0x10  }
0x92: {  	[smem:s4], [sflag:s15] =	dma.local [hbm:s2], $0x1  }
0x93: {  	_ =	swait.eq [sflag:s15], $0x1  }
0x94: {  	[sflag:s15] =	ssyncset.done $0x0  }
0x95: {  	[sflag:s15] =	ssyncadd.s32 $0xFFFFFFFF  }
0x96: {  	s16 =	sld [smem:$0x10];
	(tm) =	ssettm $0x1  }
0x97: {  	s17 =	sld [smem:$0x3FFB];
	_ =	sdelay $0x3  }
0x98: {  	_ =	strace s17  }
0x99: {  	s3 =	sld [smem:$0x3FFC];
	_ =	sdelay $0x3  }
0x9a: {  	_ =	strace s3  }
0x9b: {  	s3 =	sld [smem:$0x3FFD];
	_ =	sdelay $0x3  }
0x9c: {  	_ =	strace s3  }
0x9d: {  	_ =	strace $0x8FFFFFFF  }
0x9e: {  	s18 =	sld [smem:$0x3FDB];
	_ =	sdelay $0x1  }
0x9f: {  	s19 =	simm.s32 $_scs_section_size  }
0xa0: {  	s5 =	simm.s32 $_size__tile_overlayer_lowered;
	s6 =	simm.s32 $_tile_overlayer_lowered  }
0xa1: {  	s22 =	simm.s32 $0x1BFF;
	s21 =	sshll.u32 s6, $0x1;
	s3 =	sadd.s32 s19, s18  }
0xa2: {  	s7 =	simm.s32 $0x0;
	s20 =	sshll.u32 s5, $0x1;
	s5 =	sadd.s32 s21, s3  }
0xa3: {  	[timem:s7], [sflag:s22] =	dma.local [hbm:s5], s20  }
0xa4: {  	_ =	swait.ge [sflag:s22], s20  }
0xa5: {  	s4 =	ssub.s32 $0x0, s20;
	[sflag:s22] =	ssyncset.done $0x0  }
0xa6: {  	[sflag:s22] =	ssyncadd.s32 s4;
	_ =	sdelay $0x1  }
0xa7: {  	s23 =	simm.s32 $0x1B8B  }
0xa8: {  	_ =	swait.ge [sflag:s23], $0x1  }
0xa9: {  	[sflag:s23] =	ssyncset.done $0x0  }
0xaa: {  	s25 =	simm.s32 $0x1B8E;
	s24 =	sld [smem:$0x3FFE];
	[sflag:s23] =	ssyncadd.s32 $0xFFFFFFFF  }
0xab: {  	s26 =	simm.s32 $execute0_lowered;
	[smem:$0x3FD2] =	sst s25  }
0xac: {  	s5 =	sshll.u32 s26, $0x1;
	_ =	strace $0x8000004C;
	[dreg:$0x1] =	wrdreg $0xFFFFFFFF  }
0xad: {  	s28 =	simm.s32 $_size_execute0_lowered;
	s3 =	sadd.s32 s3, s5;
	[dreg:$0x0] =	wrdreg $0x0  }
0xae: {  	s5 =	sshll.u32 s28, $0x1;
	[dreg:$0x2] =	wrdreg s3  }
0xaf: {  	[dreg:$0x3] =	wrdreg s5  }
0xb0: {  	[dreg:$0x4] =	wrdreg $0xC0  }
0xb1: {  	_ =	task [dreg:s7], $0x5FFFF  }
0xb2: {  	[dreg:$0x1] =	wrdreg $0xFFFFFFFF  }
0xb3: {  	[dreg:$0x0] =	wrdreg $0x60  }
0xb4: {  	[dreg:$0x2] =	wrdreg s24  }
0xb5: {  	[dreg:$0x3] =	wrdreg s16  }
0xb6: {  	[dreg:$0x4] =	wrdreg $0x0  }
0xb7: {  	[dreg:$0x5] =	wrdreg $0x9  }
0xb8: {  	_ =	task.clear_ibuf [dreg:s7], $0x6FFFF;
	_ =	strace $0x9000004C  }
0xb9: {  	s29 =	simm.s32 $0x9;
	_ =	strace $0x8000004E  }
0xba: {  	_ =	swait.ge [sflag:s29], $0x1  }
0xbb: {  	[sflag:s29] =	ssyncadd.s32 $0xFFFFFFFF  }
0xbc: {  	_ =	strace $0x9000004E  }
0xbd: {  	_ =	sfence  }
0xbe: {  	s30 =	sld [smem:$0x0];
	_ =	sdelay $0x2  }
0xbf: {  	s31 =	sshll.u32 s1, $0xD;
	s1 =	sshrl.u32 s1, $0x2  }
0xc0: {  	s3 =	sand.u32 $0x4000, s31;
	s1 =	sadd.s32 s1, s30  }
0xc1: {  	s0 =	sor.u32 s3, s0;
	s1 =	sshll.u32 s1, $0x11  }
0xc2: {  	s0 =	sor.u32 s1, s0  }
0xc3: {  	s0 =	sadd.s32 $0x8F2B, s0  }
0xc4: {  	[sflag:s0] =	ssyncadd.remote.s32 $0x1  }
0xc5: {  	_ =	sfence.sel $0xFFFF  }
0xc6: {  	[dreg:$0x0] =	wrdreg $0xFFFFFFFF;
	(pc) =	sbr.abs _section_cstart, $3  }
0xc7: {  	[dreg:$0x1] =	wrdreg $0xFFFFFFFF  }
0xc8: {  	_ =	task.clear_ibuf [dreg:s7], $0x2FFFF;
	_ =	strace $0x9FFFFFFF  }
0xc9: {  	(tm) =	ssettm $0x7FFFFFFF  }
tec
execute0_lowered:
.L_overlay_start_1:
0x0: {  	(tag) =	ssettag $0x1  }
0x1: {  	s0 =	rddreg [dreg:$0x0]  }
0x2: {  	s3 =	rddreg [dreg:$0x1]  }
0x3: {  	s1 =	rddreg [dreg:$0x2];
	s2 =	simm.s32 $0x0;
	s6 =	srdreg.scid  }
0x4: {  	s16 =	stileid.u32;
	s18 =	simm.s32 $0x138C0;
	s28 =	simm.s32 $0x139C0  }
0x5: {  	s29 =	simm.s32 $0x14D40;
	s30 =	simm.s32 $0x4;
	s31 =	simm.s32 $0x0  }
0x6: {  	[smem:$0x7FF] =	sst s2;
	s4 =	sadd.s32 $0xCC00, s0;
	s5 =	sadd.s32 $0x5AE00, s0  }
0x7: {  	s11 =	sadd.s32 $0x2C00, s0;
	s7 =	sand.u32 $0x1, s6;
	s8 =	smul.u32 $0x4E000, s16  }
0x8: {  	s0 =	sadd.s32 $0x8C000, s0;
	s12 =	smul.u32 $0x13800, s16;
	s21 =	sshll.u32 s16, $0x6  }
0x9: {  	s17 =	sadd.s32 $0x138000, s1;
	p0 =	sne.s32 s16, $0xF;
	_ =	strace $0x8000004D  }
0xa: {  	s6 =	ssub.s32 $0x2, s7;
	s10 =	sshll.u32 s7, $0x4;
	s24 =	smul.u32 $0x138800, s7  }
0xb: {  	s7 =	sadd.s32 $0x27000, s3;
	s17 =	sshrl.u32 @!p0 s17, $0x3;
	s9 =	sshrl.u32 s6, $0x1  }
0xc: {  	s19 =	sor.u32 s16, s10;
	s8 =	sshrl.u32 s8, $0x2;
	s20 =	sshrl.u32 s12, $0x3  }
0xd: {  	s16 =	simm.s32 $0x5;
	s14 =	ssub.s32 s6, s9;
	s13 =	smul.u32 $0x2800, s19  }
0xe: {  	s15 =	sadd.s32 s8, s1;
	s22 =	sadd.s32 s3, s20;
	s6 =	sor.u32 $0x1C05, s21  }
0xf: {  	s12 =	sadd.s32 s12, s24;
	s19 =	simm.s32 $0x14CC0;
	s20 =	simm.s32 $0x80  }
0x10: {  	s21 =	simm.s32 $0x160C0;
	[dreg:$0x4] =	wrdreg s22;
	s26 =	sshrl.u32 s12, $0x3  }
0x11: {  	s14 =	smax.u32 s14, $0x1;
	s15 =	sshrl.u32 s15, $0x3;
	s22 =	simm.s32 $0x1  }
.Ltmp0:
0x12: {  	s23 =	sshrl.u32 s13, $0x3;
	s13 =	sshrl.u32 s24, $0x3;
	(pc) =	sbr.rel .LBB2_1-.Ltmp0, $4  }
0x13: {  	s12 =	sadd.s32 s0, s26;
	s24 =	simm.s32 $0x1A0C0;
	s26 =	simm.s32 $0x3  }
0x14: {  	s8 =	sadd.s32 s5, s23;
	s9 =	sadd.s32 s11, s23;
	s25 =	sadd.s32 $0x280, s23  }
0x15: {  	s13 =	sadd.s32 s0, s13;
	s23 =	simm.s32 $0x13940;
	s10 =	sadd.s32 s5, s25  }
0x16: {  	s11 =	sadd.s32 s11, s25;
	s13 =	sadd.s32 $0x27000, s13;
	s25 =	simm.s32 $0x2  }
.LBB2_7:
0x17: {  	[spmem:s1] =	stream.indirect.scatter.add.f32 [tilespmem:s24], [sflag:$0x4], $0x80, s5, s20, $0xb8;
	[tilespmem:$0x1E0C0] =	vst v63  }
0x18: {  	_ =	swait.ge [sflag:s30], $0x4000  }
0x19: {  	[sflag:s30] =	ssyncset.done $0x0  }
0x1a: {  	[sflag:s30] =	ssyncadd.s32 $0xFFFFC000  }
0x1b: {  	[bflag:$0x0] =	sbarrier.arrive $0xFFFF  }
0x1c: {  	[hbm:s12], [sflag:s6] =	dma.local [spmem:s15], $0x2700  }
0x1d: {  	s31 =	sadd.s32 $0x1, s31;
	_ =	swait.ge [sflag:s16], $0x2700  }
0x1e: {  	p1 =	sne.s32 s31, s14;
	[sflag:s16] =	ssyncset.done $0x0  }
.Ltmp1:
0x1f: {  	s0 =	simm.s32 @!p0 $0x5;
	[sflag:s16] =	ssyncadd.s32 $0xFFFFD900;
	(pc) =	sbr.rel @!p1 .LBB2_8-.Ltmp1, $4  }
0x20: {  	[hbm:s13], [sflag:s6] =	dma.local @!p0 [spmem:s17], $0x100  }
0x21: {  	_ =	swait.ge @!p0 [sflag:s0], $0x100  }
0x22: {  	[sflag:s0] =	ssyncset.done @!p0 $0x0  }
0x23: {  	[sflag:s0] =	ssyncadd.s32 @!p0 $0xFFFFFF00  }
.LBB2_1:
0x24: {  	s0 =	rddreg [dreg:$0x4]  }
0x25: {  	[spmem:s15], [sflag:s6] =	dma.local [hbm:s0], $0x2700  }
0x26: {  	_ =	swait.ge [sflag:s16], $0x2700  }
0x27: {  	[sflag:s16] =	ssyncset.done $0x0  }
0x28: {  	s0 =	simm.s32 @!p0 $0x5;
	[sflag:s16] =	ssyncadd.s32 $0xFFFFD900  }
0x29: {  	[spmem:s17], [sflag:s6] =	dma.local @!p0 [hbm:s7], $0x100  }
0x2a: {  	_ =	swait.ge @!p0 [sflag:s0], $0x100  }
0x2b: {  	[sflag:s0] =	ssyncset.done @!p0 $0x0  }
0x2c: {  	[sflag:s0] =	ssyncadd.s32 @!p0 $0xFFFFFF00  }
0x2d: {  	[bflag:$0x0] =	sbarrier.arrive $0xFFFF  }
0x2e: {  	[tilespmem:s18], [sflag:$0x5] =	stream.linear.gather [hbm4b:s8+s2], $0x1400, $0x38;
	[tilespmem:$0x1E0C0] =	vst v63  }
0x2f: {  	_ =	swait.ge [sflag:s16], $0x1400  }
0x30: {  	[sflag:s16] =	ssyncset.done $0x0  }
0x31: {  	[sflag:s16] =	ssyncadd.s32 $0xFFFFEC00  }
0x32: {  	[tilespmem:s19], [sflag:$0x5] =	stream.linear.gather [hbm4b:s9+s2], $0x1400, $0x38;
	[tilespmem:$0x1E0C0] =	vst v63  }
0x33: {  	_ =	swait.ge [sflag:s16], $0x1400  }
0x34: {  	[sflag:s16] =	ssyncset.done $0x0  }
0x35: {  	[sflag:s16] =	ssyncadd.s32 $0xFFFFEC00  }
0x36: {  	[tilespmem:s21], [sflag:$0x1] =	stream.indirect.gather [hbm4b:s4+s20], $0x80, s18, s20, $0xb8;
	[tilespmem:$0x1E0C0] =	vst v63  }
0x37: {  	_ =	swait.ge [sflag:s22], $0x4000  }
0x38: {  	[sflag:s22] =	ssyncset.done $0x0  }
0x39: {  	[sflag:s22] =	ssyncadd.s32 $0xFFFFC000  }
0x3a: {  	[tilespmem:s24], [sflag:$0x2] =	stream.indirect.gather [hbm4b:s4+s20], $0x80, s23, s20, $0xb8;
	[tilespmem:$0x1E0C0] =	vst v63  }
0x3b: {  	_ = 	snop  }
0x3c: {  	[spmem:s1] =	stream.indirect.scatter.add.f32 [tilespmem:s21], [sflag:$0x3], $0x80, s19, s20, $0xb8;
	[tilespmem:$0x1E0C0] =	vst v63  }
0x3d: {  	_ =	swait.ge [sflag:s25], $0x4000  }
0x3e: {  	[sflag:s25] =	ssyncset.done $0x0  }
0x3f: {  	[sflag:s25] =	ssyncadd.s32 $0xFFFFC000  }
0x40: {  	_ =	swait.ge [sflag:s26], $0x4000  }
0x41: {  	[sflag:s26] =	ssyncset.done $0x0  }
0x42: {  	[sflag:s26] =	ssyncadd.s32 $0xFFFFC000  }
0x43: {  	[tilespmem:s21], [sflag:$0x1] =	stream.indirect.gather [hbm4b:s4+s20], $0x80, s28, s20, $0xb8;
	[tilespmem:$0x1E0C0] =	vst v63  }
0x44: {  	s0 =	simm.s32 $0xFFFFB800  }
0x45: {  	[spmem:s1] =	stream.indirect.scatter.add.f32 [tilespmem:s24], [sflag:$0x4], $0x80, s29, s20, $0xb8;
	[tilespmem:$0x1E0C0] =	vst v63  }
.LBB2_2:
0x46: {  	_ =	swait.ge [sflag:s22], $0x4000  }
0x47: {  	[sflag:s22] =	ssyncset.done $0x0  }
0x48: {  	[sflag:s22] =	ssyncadd.s32 $0xFFFFC000  }
0x49: {  	_ =	swait.ge [sflag:s30], $0x4000  }
0x4a: {  	s3 =	sshra.s32 s0, $0x2;
	[sflag:s30] =	ssyncset.done $0x0  }
0x4b: {  	s5 =	sadd.s32 $0x14C40, s3;
	[sflag:s30] =	ssyncadd.s32 $0xFFFFC000  }
0x4c: {  	[tilespmem:s24], [sflag:$0x2] =	stream.indirect.gather [hbm4b:s4+s20], $0x80, s5, s20, $0xb8;
	[tilespmem:$0x1E0C0] =	vst v63  }
0x4d: {  	s5 =	sadd.s32 $0x15FC0, s3  }
0x4e: {  	[spmem:s1] =	stream.indirect.scatter.add.f32 [tilespmem:s21], [sflag:$0x3], $0x80, s5, s20, $0xb8;
	[tilespmem:$0x1E0C0] =	vst v63  }
0x4f: {  	p1 =	seq.s32 s0, $0x0;
	_ =	swait.ge [sflag:s25], $0x4000  }
.Ltmp2:
0x50: {  	[sflag:s25] =	ssyncset.done $0x0;
	(pc) =	sbr.rel @p1 .LBB2_4-.Ltmp2, $4  }
0x51: {  	[sflag:s25] =	ssyncadd.s32 $0xFFFFC000  }
0x52: {  	_ =	swait.ge [sflag:s26], $0x4000  }
0x53: {  	[sflag:s26] =	ssyncset.done $0x0  }
0x54: {  	s5 =	sadd.s32 $0x16040, s3;
	[sflag:s26] =	ssyncadd.s32 $0xFFFFC000  }
.Ltmp3:
0x55: {  	(pc) =	sbr.rel .LBB2_2-.Ltmp3, $4  }
0x56: {  	s3 =	sadd.s32 $0x14CC0, s3  }
0x57: {  	[tilespmem:s21], [sflag:$0x1] =	stream.indirect.gather [hbm4b:s4+s20], $0x80, s3, s20, $0xb8;
	[tilespmem:$0x1E0C0] =	vst v63  }
0x58: {  	s0 =	sadd.s32 $0x400, s0  }
0x59: {  	[spmem:s1] =	stream.indirect.scatter.add.f32 [tilespmem:s24], [sflag:$0x4], $0x80, s5, s20, $0xb8;
	[tilespmem:$0x1E0C0] =	vst v63  }
.LBB2_4:
0x5a: {  	[spmem:s1] =	stream.indirect.scatter.add.f32 [tilespmem:s24], [sflag:$0x4], $0x80, s5, s20, $0xb8;
	[tilespmem:$0x1E0C0] =	vst v63  }
0x5b: {  	_ =	swait.ge [sflag:s30], $0x4000  }
0x5c: {  	[sflag:s30] =	ssyncset.done $0x0  }
0x5d: {  	[sflag:s30] =	ssyncadd.s32 $0xFFFFC000  }
0x5e: {  	[tilespmem:s18], [sflag:$0x5] =	stream.linear.gather [hbm4b:s10+s2], $0x1400, $0x38;
	[tilespmem:$0x1E0C0] =	vst v63  }
0x5f: {  	_ =	swait.ge [sflag:s16], $0x1400  }
0x60: {  	[sflag:s16] =	ssyncset.done $0x0  }
0x61: {  	[sflag:s16] =	ssyncadd.s32 $0xFFFFEC00  }
0x62: {  	[tilespmem:s19], [sflag:$0x5] =	stream.linear.gather [hbm4b:s11+s2], $0x1400, $0x38;
	[tilespmem:$0x1E0C0] =	vst v63  }
0x63: {  	_ =	swait.ge [sflag:s16], $0x1400  }
0x64: {  	[sflag:s16] =	ssyncset.done $0x0  }
0x65: {  	[sflag:s16] =	ssyncadd.s32 $0xFFFFEC00  }
0x66: {  	[tilespmem:s21], [sflag:$0x1] =	stream.indirect.gather [hbm4b:s4+s20], $0x80, s18, s20, $0xb8;
	[tilespmem:$0x1E0C0] =	vst v63  }
0x67: {  	_ =	swait.ge [sflag:s22], $0x4000  }
0x68: {  	[sflag:s22] =	ssyncset.done $0x0  }
0x69: {  	[sflag:s22] =	ssyncadd.s32 $0xFFFFC000  }
0x6a: {  	[tilespmem:s24], [sflag:$0x2] =	stream.indirect.gather [hbm4b:s4+s20], $0x80, s23, s20, $0xb8;
	[tilespmem:$0x1E0C0] =	vst v63  }
0x6b: {  	_ = 	snop  }
0x6c: {  	[spmem:s1] =	stream.indirect.scatter.add.f32 [tilespmem:s21], [sflag:$0x3], $0x80, s19, s20, $0xb8;
	[tilespmem:$0x1E0C0] =	vst v63  }
0x6d: {  	_ =	swait.ge [sflag:s25], $0x4000  }
0x6e: {  	[sflag:s25] =	ssyncset.done $0x0  }
0x6f: {  	[sflag:s25] =	ssyncadd.s32 $0xFFFFC000  }
0x70: {  	_ =	swait.ge [sflag:s26], $0x4000  }
0x71: {  	[sflag:s26] =	ssyncset.done $0x0  }
0x72: {  	[sflag:s26] =	ssyncadd.s32 $0xFFFFC000  }
0x73: {  	[tilespmem:s21], [sflag:$0x1] =	stream.indirect.gather [hbm4b:s4+s20], $0x80, s28, s20, $0xb8;
	[tilespmem:$0x1E0C0] =	vst v63  }
0x74: {  	s0 =	simm.s32 $0xFFFFB800  }
0x75: {  	[spmem:s1] =	stream.indirect.scatter.add.f32 [tilespmem:s24], [sflag:$0x4], $0x80, s29, s20, $0xb8;
	[tilespmem:$0x1E0C0] =	vst v63  }
.LBB2_5:
0x76: {  	_ =	swait.ge [sflag:s22], $0x4000  }
0x77: {  	[sflag:s22] =	ssyncset.done $0x0  }
0x78: {  	[sflag:s22] =	ssyncadd.s32 $0xFFFFC000  }
0x79: {  	_ =	swait.ge [sflag:s30], $0x4000  }
0x7a: {  	s3 =	sshra.s32 s0, $0x2;
	[sflag:s30] =	ssyncset.done $0x0  }
0x7b: {  	s5 =	sadd.s32 $0x14C40, s3;
	[sflag:s30] =	ssyncadd.s32 $0xFFFFC000  }
0x7c: {  	[tilespmem:s24], [sflag:$0x2] =	stream.indirect.gather [hbm4b:s4+s20], $0x80, s5, s20, $0xb8;
	[tilespmem:$0x1E0C0] =	vst v63  }
0x7d: {  	s5 =	sadd.s32 $0x15FC0, s3  }
0x7e: {  	[spmem:s1] =	stream.indirect.scatter.add.f32 [tilespmem:s21], [sflag:$0x3], $0x80, s5, s20, $0xb8;
	[tilespmem:$0x1E0C0] =	vst v63  }
0x7f: {  	p1 =	seq.s32 s0, $0x0;
	_ =	swait.ge [sflag:s25], $0x4000  }
.Ltmp4:
0x80: {  	[sflag:s25] =	ssyncset.done $0x0;
	(pc) =	sbr.rel @p1 .LBB2_7-.Ltmp4, $4  }
0x81: {  	[sflag:s25] =	ssyncadd.s32 $0xFFFFC000  }
0x82: {  	_ =	swait.ge [sflag:s26], $0x4000  }
0x83: {  	[sflag:s26] =	ssyncset.done $0x0  }
0x84: {  	s5 =	sadd.s32 $0x16040, s3;
	[sflag:s26] =	ssyncadd.s32 $0xFFFFC000  }
.Ltmp5:
0x85: {  	(pc) =	sbr.rel .LBB2_5-.Ltmp5, $4  }
0x86: {  	s3 =	sadd.s32 $0x14CC0, s3  }
0x87: {  	[tilespmem:s21], [sflag:$0x1] =	stream.indirect.gather [hbm4b:s4+s20], $0x80, s3, s20, $0xb8;
	[tilespmem:$0x1E0C0] =	vst v63  }
0x88: {  	s0 =	sadd.s32 $0x400, s0  }
0x89: {  	[spmem:s1] =	stream.indirect.scatter.add.f32 [tilespmem:s24], [sflag:$0x4], $0x80, s5, s20, $0xb8;
	[tilespmem:$0x1E0C0] =	vst v63  }
.LBB2_8:
0x8a: {  	_ =	sfence.sel $0x180000  }
0x8b: {  	[bflag:$0x0] =	sbarrier.arrive $0xFFFF  }
0x8c: {  	_ =	strace $0x9000004D  }
0x8d: {  	s0 =	stileid.u32;
	[bflag:$0x2] =	sbarrier.arrive $0xFFFF  }
0x8e: {  	p0 =	sne.s32 s0, $0x0;
	s0 =	rddreg [dreg:$0x3]  }
0x8f: {  	s0 =	sadd.s32 @!p0 $0x100000, s0  }
0x90: {  	[sflag:s0] =	ssyncadd.tile.s32 @!p0 $0x1;
	_ =	shalt  }
.Lfunc_end2:
_tile_overlayer_lowered:
.L_overlay_start_2:
0x91: {  	(tag) =	ssettag $0x2  }
0x92: {  	s0 =	rddreg [dreg:$0x0];
	s2 =	stileid.u32  }
0x93: {  	s1 =	rddreg [dreg:$0x1];
	p0 =	sne.s32 s2, $0x0  }
0x94: {  	s3 =	rddreg [dreg:$0x2];
	[bflag:$0x3] =	sbarrier.arrive $0xFFFF;
	s2 =	simm.s32 @!p0 $0x1C05  }
0x95: {  	[timem:s3], [sflag:s2] =	dma.local @!p0 [hbm:s0], s1  }
0x96: {  	s0 =	simm.s32 @!p0 $0x5  }
0x97: {  	_ =	swait.ge @!p0 [sflag:s0], s1  }
0x98: {  	s1 =	ssub.s32 @!p0 $0x0, s1;
	[sflag:s0] =	ssyncset.done @!p0 $0x0  }
0x99: {  	[sflag:s0] =	ssyncadd.s32 @!p0 s1  }
0x9a: {  	[bflag:$0x3] =	sbarrier.arrive $0xFFFF  }
0x9b: {  	_ =	shalt  }

// kernel: kernel.8.cloned.1.call-start
scs
__scs_entry_jumppad:
0x0: {  	(pc) =	sbr.rel $0x88, $3  }
0x1: {  	(tag) =	ssettag $0x0;
	lr =	simm.s32 $0x1  }
0x2: {  	[smem:$0x3F95] =	sst lr;
	_ =	strace $0xD0000000  }
0x3: {  	_ = 	snop  }
0x4: {  	_ = 	snop  }
0x5: {  	_ = 	snop  }
0x6: {  	_ = 	snop  }
0x7: {  	_ = 	snop  }
__scs_overlays_trampoline_lowered:
0x8: {  	[smem:$0x3FA4] =	sst s0  }
0x9: {  	[smem:$0x3FA5] =	sst s1  }
0xa: {  	[smem:$0x3FA6] =	sst s2  }
0xb: {  	[smem:$0x3FA7] =	sst s3  }
0xc: {  	[smem:$0x3FA8] =	sst s4  }
0xd: {  	[smem:$0x3FA9] =	sst s5  }
0xe: {  	[smem:$0x3FAA] =	sst s6  }
0xf: {  	[smem:$0x3FAB] =	sst s7  }
0x10: {  	[smem:$0x3FAC] =	sst s8  }
0x11: {  	[smem:$0x3FAD] =	sst s9;
	s0 =	simm.s32 @!p0 $0x0  }
0x12: {  	s1 =	sld [smem:$0x3F93];
	s0 =	simm.s32 @p0 $0x1  }
0x13: {  	[smem:$0x3FAE] =	sst s0;
	s0 =	simm.s32 @!p1 $0x0  }
0x14: {  	s2 =	sld [smem:$0x3F92];
	s0 =	simm.s32 @p1 $0x1  }
0x15: {  	[smem:$0x3FAF] =	sst s0;
	s0 =	simm.s32 @!p2 $0x0  }
0x16: {  	s3 =	sld [smem:$0x3FDB];
	s0 =	simm.s32 @p2 $0x1  }
0x17: {  	s4 =	simm.s32 $0x1BF5;
	[smem:$0x3FB1] =	sst s0  }
0x18: {  	s0 =	sld [smem:$0x3F94];
	_ =	swait.ge [sflag:s4], $0x0  }
0x19: {  	s7 =	sld [smem:$0x3F95]  }
0x1a: {  	s8 =	sadd.s32 $0xFFFFE003, lr  }
0x1b: {  	s9 =	sadd.s32 $0xFFFFFEF7, lr;
	s5 =	simm.s32 $0xFFFFFFFF;
	p2 =	slt.u32 s8, $0xFFFFF086  }
0x1c: {  	p1 =	slt.u32 s9, $0xF7A;
	s5 =	simm.s32 @!p2 $0x0  }
0x1d: {  	s5 =	simm.s32 @p1 $0x1;
	p0 =	seq.s32 s7, s2  }
0x1e: {  	s7 =	smul.u32 @!p0 $0xF7A, s2;
	p2 =	seq.s32 @!p0 s5, $0x0  }
0x1f: {  	s9 =	smul.u32 $0xF7A, s1;
	s8 =	simm.s32 @!p0 $0x1BF5;
	p2 =	por !p2, p0  }
0x20: {  	[sflag:s8] =	ssyncset.s32 @!p0 $0xFFFFF086;
	s6 =	sadd.s32 @!p0 s3, s7;
	s7 =	simm.s32 @!p0 $0x108  }
0x21: {  	s3 =	sadd.s32 s3, s9;
	s6 =	sadd.s32 @!p0 $0x88, s6;
	s7 =	simm.s32 @p2 $0x1082  }
0x22: {  	[simem:s7], [sflag:s8] =	dma.local @!p0 [hbm:s6], $0xF7A  }
0x23: {  	s9 =	sor.u32 $0xD0000000, s2;
	s6 =	simm.s32 $0x108;
	_ =	swait.ge @!p0 [sflag:s8], $0x0  }
0x24: {  	s3 =	sadd.s32 $0x88, s3;
	s6 =	simm.s32 @!p1 $0x1082;
	[sflag:s4] =	ssyncset.s32 $0xFFFFF086  }
0x25: {  	[simem:s6], [sflag:s4] =	dma.local [hbm:s3], $0xF7A  }
0x26: {  	[smem:$0x3F95] =	sst s1;
	(tag) =	ssettag s2;
	_ =	strace s9  }
0x27: {  	s1 =	sld [smem:$0x3FA5]  }
0x28: {  	s2 =	sld [smem:$0x3FA6]  }
0x29: {  	s4 =	sld [smem:$0x3FA8]  }
0x2a: {  	p0 =	seq.s32 s5, $0x0;
	s5 =	sld [smem:$0x3FA9]  }
0x2b: {  	s6 =	sld [smem:$0x3FAA]  }
0x2c: {  	s7 =	sld [smem:$0x3FAB]  }
0x2d: {  	s3 =	simm.s32 $0x108;
	s8 =	sld [smem:$0x3FAC]  }
0x2e: {  	s3 =	simm.s32 @!p0 $0x1082;
	s9 =	sld [smem:$0x3FAD]  }
0x2f: {  	lr =	sadd.s32 s0, s3;
	s0 =	sld [smem:$0x3FA4]  }
0x30: {  	s3 =	sld [smem:$0x3FA7]  }
0x31: {  	[smem:$0x3FB0] =	sst s10  }
0x32: {  	s10 =	sld [smem:$0x3FAE];
	_ =	sdelay $0x3  }
0x33: {  	p0 =	seq.s32 s10, $0x1;
	s10 =	sld [smem:$0x3FB0];
	_ =	sdelay $0x3  }
0x34: {  	[smem:$0x3FB0] =	sst s10  }
0x35: {  	s10 =	sld [smem:$0x3FAF];
	_ =	sdelay $0x3  }
0x36: {  	p1 =	seq.s32 s10, $0x1;
	s10 =	sld [smem:$0x3FB0];
	_ =	sdelay $0x3  }
0x37: {  	[smem:$0x3FB0] =	sst s10  }
0x38: {  	s10 =	sld [smem:$0x3FB1]  }
0x39: {  	_ = 	snop;
	(pc) =	sbr.ind lr, $3  }
0x3a: {  	_ = 	snop  }
0x3b: {  	_ = 	snop  }
0x3c: {  	p2 =	seq.s32 s10, $0x1;
	s10 =	sld [smem:$0x3FB0]  }
0x3d: {  	_ =	shalt  }
0x3e: {  	_ =	shalt  }
0x3f: {  	_ =	shalt  }
0x40: {  	_ =	shalt  }
0x41: {  	_ =	shalt  }
0x42: {  	_ =	shalt  }
0x43: {  	_ =	shalt  }
0x44: {  	_ =	shalt  }
0x45: {  	_ =	shalt  }
0x46: {  	_ =	shalt  }
0x47: {  	_ =	shalt  }
0x48: {  	_ =	shalt  }
0x49: {  	_ =	shalt  }
0x4a: {  	_ =	shalt  }
0x4b: {  	_ =	shalt  }
0x4c: {  	_ =	shalt  }
0x4d: {  	_ =	shalt  }
0x4e: {  	_ =	shalt  }
0x4f: {  	_ =	shalt  }
0x50: {  	_ =	shalt  }
0x51: {  	_ =	shalt  }
0x52: {  	_ =	shalt  }
0x53: {  	_ =	shalt  }
0x54: {  	_ =	shalt  }
0x55: {  	_ =	shalt  }
0x56: {  	_ =	shalt  }
0x57: {  	_ =	shalt  }
0x58: {  	_ =	shalt  }
0x59: {  	_ =	shalt  }
0x5a: {  	_ =	shalt  }
0x5b: {  	_ =	shalt  }
0x5c: {  	_ =	shalt  }
0x5d: {  	_ =	shalt  }
0x5e: {  	_ =	shalt  }
0x5f: {  	_ =	shalt  }
0x60: {  	_ =	shalt  }
0x61: {  	_ =	shalt  }
0x62: {  	_ =	shalt  }
0x63: {  	_ =	shalt  }
0x64: {  	_ =	shalt  }
0x65: {  	_ =	shalt  }
0x66: {  	_ =	shalt  }
0x67: {  	_ =	shalt  }
0x68: {  	_ =	shalt  }
0x69: {  	_ =	shalt  }
0x6a: {  	_ =	shalt  }
0x6b: {  	_ =	shalt  }
0x6c: {  	_ =	shalt  }
0x6d: {  	_ =	shalt  }
0x6e: {  	_ =	shalt  }
0x6f: {  	_ =	shalt  }
0x70: {  	_ =	shalt  }
0x71: {  	_ =	shalt  }
0x72: {  	_ =	shalt  }
0x73: {  	_ =	shalt  }
0x74: {  	_ =	shalt  }
0x75: {  	_ =	shalt  }
0x76: {  	_ =	shalt  }
0x77: {  	_ =	shalt  }
0x78: {  	_ =	shalt  }
0x79: {  	_ =	shalt  }
0x7a: {  	_ =	shalt  }
0x7b: {  	_ =	shalt  }
0x7c: {  	_ =	shalt  }
0x7d: {  	_ =	shalt  }
0x7e: {  	_ =	shalt  }
0x7f: {  	_ =	shalt  }
0x80: {  	_ =	shalt  }
0x81: {  	_ =	shalt  }
0x82: {  	_ =	shalt  }
0x83: {  	_ =	shalt  }
0x84: {  	_ =	shalt  }
0x85: {  	_ =	shalt  }
0x86: {  	_ =	shalt  }
0x87: {  	_ =	shalt  }
.Lfunc_end0:
.L_simem_size_0:
called_computation_lowered:
.L_overlay_start_0:
0x88: {  	s2 =	sld [smem:$0x3FD9]  }
0x89: {  	s3 =	sld [smem:$0x3FFE];
	_ =	sdelay $0x1  }
0x8a: {  	s1 =	srdreg.scid  }
0x8b: {  	s0 =	sand.u32 $0x1, s1  }
0x8c: {  	s14 =	sshll.u32 s0, $0xA;
	s2 =	sadd.s32 s3, s2  }
0x8d: {  	s2 =	sadd.s32 s2, s14  }
0x8e: {  	[smem:$0x3FBC] =	sst s2  }
0x8f: {  	_ = 	snop  }
0x90: {  	s2 =	sld [smem:$0x3FD0];
	_ =	sdelay $0x2  }
0x91: {  	s15 =	simm.s32 $0xA;
	s4 =	simm.s32 $0x10  }
0x92: {  	[smem:s4], [sflag:s15] =	dma.local [hbm:s2], $0x1  }
0x93: {  	_ =	swait.eq [sflag:s15], $0x1  }
0x94: {  	[sflag:s15] =	ssyncset.done $0x0  }
0x95: {  	s16 =	sld [smem:$0x10];
	[sflag:s15] =	ssyncadd.s32 $0xFFFFFFFF  }
0x96: {  	s17 =	sld [smem:$0x12];
	(tm) =	ssettm $0x1  }
0x97: {  	s18 =	sld [smem:$0x3FFB];
	_ =	sdelay $0x3  }
0x98: {  	_ =	strace s18  }
0x99: {  	s4 =	sld [smem:$0x3FFC];
	_ =	sdelay $0x3  }
0x9a: {  	_ =	strace s4  }
0x9b: {  	s4 =	sld [smem:$0x3FFD];
	_ =	sdelay $0x3  }
0x9c: {  	_ =	strace s4  }
0x9d: {  	_ =	strace $0x8FFFFFFF  }
0x9e: {  	s19 =	sld [smem:$0x3FDB];
	_ =	sdelay $0x1  }
0x9f: {  	s5 =	simm.s32 $_scs_section_size  }
0xa0: {  	s6 =	simm.s32 $_size__tile_overlayer_lowered;
	s7 =	simm.s32 $_tile_overlayer_lowered  }
0xa1: {  	s22 =	simm.s32 $0x1BFF;
	s21 =	sshll.u32 s7, $0x1;
	s4 =	sadd.s32 s5, s19  }
0xa2: {  	s8 =	simm.s32 $0x0;
	s20 =	sshll.u32 s6, $0x1;
	s6 =	sadd.s32 s21, s4  }
0xa3: {  	[timem:s8], [sflag:s22] =	dma.local [hbm:s6], s20  }
0xa4: {  	_ =	swait.ge [sflag:s22], s20  }
0xa5: {  	s5 =	ssub.s32 $0x0, s20;
	[sflag:s22] =	ssyncset.done $0x0  }
0xa6: {  	[sflag:s22] =	ssyncadd.s32 s5;
	_ =	sdelay $0x1  }
0xa7: {  	s23 =	simm.s32 $0x1B8B  }
0xa8: {  	_ =	swait.ge [sflag:s23], $0x1  }
0xa9: {  	[sflag:s23] =	ssyncset.done $0x0  }
0xaa: {  	s25 =	simm.s32 $0x1B8E;
	s24 =	sld [smem:$0x3FFE];
	[sflag:s23] =	ssyncadd.s32 $0xFFFFFFFF  }
0xab: {  	s26 =	simm.s32 $execute0_lowered;
	[smem:$0x3FD2] =	sst s25  }
0xac: {  	s6 =	sshll.u32 s26, $0x1;
	_ =	strace $0x80000046;
	[dreg:$0x1] =	wrdreg $0xFFFFFFFF  }
0xad: {  	s28 =	simm.s32 $_size_execute0_lowered;
	s4 =	sadd.s32 s4, s6;
	[dreg:$0x0] =	wrdreg $0x0  }
0xae: {  	s6 =	sshll.u32 s28, $0x1;
	[dreg:$0x2] =	wrdreg s4  }
0xaf: {  	[dreg:$0x3] =	wrdreg s6  }
0xb0: {  	[dreg:$0x4] =	wrdreg $0xC0  }
0xb1: {  	_ =	task [dreg:s8], $0x5FFFF  }
0xb2: {  	[dreg:$0x1] =	wrdreg $0xFFFFFFFF  }
0xb3: {  	[dreg:$0x0] =	wrdreg $0x60  }
0xb4: {  	[dreg:$0x2] =	wrdreg s24  }
0xb5: {  	[dreg:$0x3] =	wrdreg s17  }
0xb6: {  	[dreg:$0x4] =	wrdreg s16  }
0xb7: {  	[dreg:$0x5] =	wrdreg $0x0  }
0xb8: {  	[dreg:$0x6] =	wrdreg $0x9  }
0xb9: {  	_ =	task.clear_ibuf [dreg:s8], $0x7FFFF;
	_ =	strace $0x90000046  }
0xba: {  	s29 =	simm.s32 $0x9;
	_ =	strace $0x80000048  }
0xbb: {  	_ =	swait.ge [sflag:s29], $0x1  }
0xbc: {  	[sflag:s29] =	ssyncadd.s32 $0xFFFFFFFF  }
0xbd: {  	_ =	strace $0x90000048  }
0xbe: {  	_ =	sfence  }
0xbf: {  	s30 =	sld [smem:$0x0];
	_ =	sdelay $0x2  }
0xc0: {  	s31 =	sshll.u32 s1, $0xD;
	s1 =	sshrl.u32 s1, $0x2  }
0xc1: {  	s3 =	sand.u32 $0x4000, s31;
	s1 =	sadd.s32 s1, s30  }
0xc2: {  	s0 =	sor.u32 s3, s0;
	s1 =	sshll.u32 s1, $0x11  }
0xc3: {  	s0 =	sor.u32 s1, s0  }
0xc4: {  	s0 =	sadd.s32 $0x8F2B, s0  }
0xc5: {  	[sflag:s0] =	ssyncadd.remote.s32 $0x1  }
0xc6: {  	_ =	sfence.sel $0xFFFF  }
0xc7: {  	[dreg:$0x0] =	wrdreg $0xFFFFFFFF;
	(pc) =	sbr.abs _section_cstart, $3  }
0xc8: {  	[dreg:$0x1] =	wrdreg $0xFFFFFFFF  }
0xc9: {  	_ =	task.clear_ibuf [dreg:s8], $0x2FFFF;
	_ =	strace $0x9FFFFFFF  }
0xca: {  	(tm) =	ssettm $0x7FFFFFFF  }
0xcb: {  	_ =	shalt  }
tec
execute0_lowered:
.L_overlay_start_1:
0x0: {  	(tag) =	ssettag $0x1  }
0x1: {  	s0 =	rddreg [dreg:$0x0];
	s1 =	srdreg.scid  }
0x2: {  	s2 =	rddreg [dreg:$0x2];
	s11 =	stileid.u32  }
0x3: {  	s3 =	rddreg [dreg:$0x3];
	s14 =	simm.s32 $0x2;
	s16 =	simm.s32 $0x14CC0  }
0x4: {  	s17 =	simm.s32 $0x138C0;
	s18 =	simm.s32 $0x80;
	s12 =	simm.s32 $0x143C0  }
0x5: {  	s19 =	simm.s32 $0x14440;
	s28 =	simm.s32 $0x14840;
	s29 =	simm.s32 $0x148C0  }
0x6: {  	s30 =	simm.s32 $0x14940;
	s31 =	simm.s32 $0x149C0;
	s6 =	smul.u32 $0x4E000, s11  }
0x7: {  	s1 =	sand.u32 $0x1, s1;
	s8 =	smul.u32 $0x13800, s11;
	s22 =	sshll.u32 s11, $0x6  }
0x8: {  	s10 =	sadd.s32 $0x138000, s3;
	p0 =	sne.s32 s11, $0xF;
	s4 =	sshll.u32 s1, $0x4  }
0x9: {  	s7 =	ssub.s32 $0x2, s1;
	s1 =	smul.u32 $0x138800, s1;
	s15 =	sshrl.u32 @!p0 s10, $0x3  }
0xa: {  	s5 =	sor.u32 s11, s4;
	s4 =	simm.s32 $0x0;
	s9 =	sshrl.u32 s7, $0x1  }
0xb: {  	s6 =	sshrl.u32 s6, $0x2;
	s21 =	sshrl.u32 s8, $0x3;
	s11 =	simm.s32 $0x13940  }
0xc: {  	s5 =	smul.u32 $0x2800, s5;
	[smem:$0x7FF] =	sst s4;
	s7 =	ssub.s32 s7, s9  }
0xd: {  	s20 =	sadd.s32 s6, s3;
	s6 =	sadd.s32 s2, s21;
	s2 =	sadd.s32 $0x27000, s2  }
0xe: {  	s24 =	sadd.s32 s8, s1;
	s1 =	sshrl.u32 s1, $0x3;
	s21 =	simm.s32 $0x14540  }
0xf: {  	s8 =	simm.s32 $0x1;
	_ =	strace $0x80000047;
	[dreg:$0x5] =	wrdreg s6  }
0x10: {  	s9 =	simm.s32 $0x0;
	s6 =	sor.u32 $0x1C02, s22;
	[dreg:$0x6] =	wrdreg s2  }
0x11: {  	s2 =	sshrl.u32 s24, $0x3;
	s26 =	smax.u32 s7, $0x1;
	s13 =	sshrl.u32 s20, $0x3  }
0x12: {  	s20 =	simm.s32 $0x144C0;
	s22 =	simm.s32 $0x145C0;
	s5 =	sshrl.u32 s5, $0x3  }
0x13: {  	s24 =	simm.s32 $0x146C0;
	s7 =	simm.s32 $0x14C40;
	s5 =	sadd.s32 s5, s0  }
0x14: {  	[dreg:$0xb] =	wrdreg s26;
	s26 =	simm.s32 $0x147C0;
	s23 =	sadd.s32 $0x2C00, s5  }
0x15: {  	s0 =	sadd.s32 $0xCC00, s0;
	s5 =	sadd.s32 $0x2E80, s5;
	[dreg:$0x7] =	wrdreg s23  }
0x16: {  	s1 =	sadd.s32 s0, s1;
	s0 =	sadd.s32 s0, s2;
	[dreg:$0x8] =	wrdreg s5  }
0x17: {  	s2 =	simm.s32 $0x14A40;
	[dreg:$0x9] =	wrdreg s0;
	s25 =	sadd.s32 $0x27000, s1  }
0x18: {  	s23 =	simm.s32 $0x14640;
	s0 =	simm.s32 $0x14AC0;
	s1 =	simm.s32 $0x14B40  }
0x19: {  	s5 =	simm.s32 $0x14BC0;
	[dreg:$0xa] =	wrdreg s25;
	s25 =	simm.s32 $0x14740  }
.LBB2_1:
0x1a: {  	s10 =	rddreg [dreg:$0x5]  }
0x1b: {  	[spmem:s13], [sflag:s6] =	dma.local [hbm:s10], $0x2700  }
0x1c: {  	_ =	swait.ge [sflag:s14], $0x2700  }
0x1d: {  	[sflag:s14] =	ssyncset.done $0x0  }
0x1e: {  	s10 =	rddreg [dreg:$0x6];
	[sflag:s14] =	ssyncadd.s32 $0xFFFFD900  }
0x1f: {  	[spmem:s15], [sflag:s6] =	dma.local @!p0 [hbm:s10], $0x100  }
0x20: {  	s10 =	simm.s32 @!p0 $0x2  }
0x21: {  	_ =	swait.ge @!p0 [sflag:s10], $0x100  }
0x22: {  	[sflag:s10] =	ssyncset.done @!p0 $0x0  }
0x23: {  	[sflag:s10] =	ssyncadd.s32 @!p0 $0xFFFFFF00  }
0x24: {  	s10 =	rddreg [dreg:$0x1]  }
0x25: {  	[tilespmem:s16], [sflag:$0x2] =	stream.linear.gather [hbm4b:s10+s4], $0x4000, $0x38;
	[tilespmem:$0x18CC0] =	vst v63  }
0x26: {  	_ =	swait.ge [sflag:s14], $0x4000  }
0x27: {  	[sflag:s14] =	ssyncset.done $0x0  }
0x28: {  	[sflag:s14] =	ssyncadd.s32 $0xFFFFC000  }
0x29: {  	[bflag:$0x0] =	sbarrier.arrive $0xFFFF  }
0x2a: {  	s10 =	rddreg [dreg:$0x7]  }
0x2b: {  	[tilespmem:s17], [sflag:$0x2] =	stream.linear.gather [hbm4b:s10+s4], $0x1400, $0x38;
	[tilespmem:$0x18CC0] =	vst v63  }
0x2c: {  	_ =	swait.ge [sflag:s14], $0x1400  }
0x2d: {  	[sflag:s14] =	ssyncset.done $0x0  }
0x2e: {  	[sflag:s14] =	ssyncadd.s32 $0xFFFFEC00  }
0x2f: {  	[spmem:s3] =	stream.indirect.scatter.add.f32 [tilespmem:s16], [sflag:$0x1], $0x80, s17, s18, $0xb8;
	[tilespmem:$0x18CC0] =	vst v63  }
0x30: {  	_ = 	snop  }
0x31: {  	[spmem:s3] =	stream.indirect.scatter.add.f32 [tilespmem:s16], [sflag:$0x1], $0x80, s11, s18, $0xb8;
	[tilespmem:$0x18CC0] =	vst v63  }
0x32: {  	s10 =	simm.s32 $0x139C0  }
0x33: {  	[spmem:s3] =	stream.indirect.scatter.add.f32 [tilespmem:s16], [sflag:$0x1], $0x80, s10, s18, $0xb8;
	[tilespmem:$0x18CC0] =	vst v63  }
0x34: {  	s10 =	simm.s32 $0x13A40  }
0x35: {  	[spmem:s3] =	stream.indirect.scatter.add.f32 [tilespmem:s16], [sflag:$0x1], $0x80, s10, s18, $0xb8;
	[tilespmem:$0x18CC0] =	vst v63  }
0x36: {  	s10 =	simm.s32 $0x13AC0  }
0x37: {  	[spmem:s3] =	stream.indirect.scatter.add.f32 [tilespmem:s16], [sflag:$0x1], $0x80, s10, s18, $0xb8;
	[tilespmem:$0x18CC0] =	vst v63  }
0x38: {  	s10 =	simm.s32 $0x13B40  }
0x39: {  	[spmem:s3] =	stream.indirect.scatter.add.f32 [tilespmem:s16], [sflag:$0x1], $0x80, s10, s18, $0xb8;
	[tilespmem:$0x18CC0] =	vst v63  }
0x3a: {  	s10 =	simm.s32 $0x13BC0  }
0x3b: {  	[spmem:s3] =	stream.indirect.scatter.add.f32 [tilespmem:s16], [sflag:$0x1], $0x80, s10, s18, $0xb8;
	[tilespmem:$0x18CC0] =	vst v63  }
0x3c: {  	s10 =	simm.s32 $0x13C40  }
0x3d: {  	[spmem:s3] =	stream.indirect.scatter.add.f32 [tilespmem:s16], [sflag:$0x1], $0x80, s10, s18, $0xb8;
	[tilespmem:$0x18CC0] =	vst v63  }
0x3e: {  	s10 =	simm.s32 $0x13CC0  }
0x3f: {  	[spmem:s3] =	stream.indirect.scatter.add.f32 [tilespmem:s16], [sflag:$0x1], $0x80, s10, s18, $0xb8;
	[tilespmem:$0x18CC0] =	vst v63  }
0x40: {  	s10 =	simm.s32 $0x13D40  }
0x41: {  	[spmem:s3] =	stream.indirect.scatter.add.f32 [tilespmem:s16], [sflag:$0x1], $0x80, s10, s18, $0xb8;
	[tilespmem:$0x18CC0] =	vst v63  }
0x42: {  	s10 =	simm.s32 $0x13DC0  }
0x43: {  	[spmem:s3] =	stream.indirect.scatter.add.f32 [tilespmem:s16], [sflag:$0x1], $0x80, s10, s18, $0xb8;
	[tilespmem:$0x18CC0] =	vst v63  }
0x44: {  	s10 =	simm.s32 $0x13E40  }
0x45: {  	[spmem:s3] =	stream.indirect.scatter.add.f32 [tilespmem:s16], [sflag:$0x1], $0x80, s10, s18, $0xb8;
	[tilespmem:$0x18CC0] =	vst v63  }
0x46: {  	s10 =	simm.s32 $0x13EC0  }
0x47: {  	[spmem:s3] =	stream.indirect.scatter.add.f32 [tilespmem:s16], [sflag:$0x1], $0x80, s10, s18, $0xb8;
	[tilespmem:$0x18CC0] =	vst v63  }
0x48: {  	s10 =	simm.s32 $0x13F40  }
0x49: {  	[spmem:s3] =	stream.indirect.scatter.add.f32 [tilespmem:s16], [sflag:$0x1], $0x80, s10, s18, $0xb8;
	[tilespmem:$0x18CC0] =	vst v63  }
0x4a: {  	s10 =	simm.s32 $0x13FC0  }
0x4b: {  	[spmem:s3] =	stream.indirect.scatter.add.f32 [tilespmem:s16], [sflag:$0x1], $0x80, s10, s18, $0xb8;
	[tilespmem:$0x18CC0] =	vst v63  }
0x4c: {  	s10 =	simm.s32 $0x14040  }
0x4d: {  	[spmem:s3] =	stream.indirect.scatter.add.f32 [tilespmem:s16], [sflag:$0x1], $0x80, s10, s18, $0xb8;
	[tilespmem:$0x18CC0] =	vst v63  }
0x4e: {  	s10 =	simm.s32 $0x140C0  }
0x4f: {  	[spmem:s3] =	stream.indirect.scatter.add.f32 [tilespmem:s16], [sflag:$0x1], $0x80, s10, s18, $0xb8;
	[tilespmem:$0x18CC0] =	vst v63  }
0x50: {  	s10 =	simm.s32 $0x14140  }
0x51: {  	[spmem:s3] =	stream.indirect.scatter.add.f32 [tilespmem:s16], [sflag:$0x1], $0x80, s10, s18, $0xb8;
	[tilespmem:$0x18CC0] =	vst v63  }
0x52: {  	s10 =	simm.s32 $0x141C0  }
0x53: {  	[spmem:s3] =	stream.indirect.scatter.add.f32 [tilespmem:s16], [sflag:$0x1], $0x80, s10, s18, $0xb8;
	[tilespmem:$0x18CC0] =	vst v63  }
0x54: {  	s10 =	simm.s32 $0x14240  }
0x55: {  	[spmem:s3] =	stream.indirect.scatter.add.f32 [tilespmem:s16], [sflag:$0x1], $0x80, s10, s18, $0xb8;
	[tilespmem:$0x18CC0] =	vst v63  }
0x56: {  	s10 =	simm.s32 $0x142C0  }
0x57: {  	[spmem:s3] =	stream.indirect.scatter.add.f32 [tilespmem:s16], [sflag:$0x1], $0x80, s10, s18, $0xb8;
	[tilespmem:$0x18CC0] =	vst v63  }
0x58: {  	s10 =	simm.s32 $0x14340  }
0x59: {  	[spmem:s3] =	stream.indirect.scatter.add.f32 [tilespmem:s16], [sflag:$0x1], $0x80, s10, s18, $0xb8;
	[tilespmem:$0x18CC0] =	vst v63  }
0x5a: {  	_ = 	snop  }
0x5b: {  	[spmem:s3] =	stream.indirect.scatter.add.f32 [tilespmem:s16], [sflag:$0x1], $0x80, s12, s18, $0xb8;
	[tilespmem:$0x18CC0] =	vst v63  }
0x5c: {  	_ = 	snop  }
0x5d: {  	[spmem:s3] =	stream.indirect.scatter.add.f32 [tilespmem:s16], [sflag:$0x1], $0x80, s19, s18, $0xb8;
	[tilespmem:$0x18CC0] =	vst v63  }
0x5e: {  	_ = 	snop  }
0x5f: {  	[spmem:s3] =	stream.indirect.scatter.add.f32 [tilespmem:s16], [sflag:$0x1], $0x80, s20, s18, $0xb8;
	[tilespmem:$0x18CC0] =	vst v63  }
0x60: {  	_ = 	snop  }
0x61: {  	[spmem:s3] =	stream.indirect.scatter.add.f32 [tilespmem:s16], [sflag:$0x1], $0x80, s21, s18, $0xb8;
	[tilespmem:$0x18CC0] =	vst v63  }
0x62: {  	_ = 	snop  }
0x63: {  	[spmem:s3] =	stream.indirect.scatter.add.f32 [tilespmem:s16], [sflag:$0x1], $0x80, s22, s18, $0xb8;
	[tilespmem:$0x18CC0] =	vst v63  }
0x64: {  	_ = 	snop  }
0x65: {  	[spmem:s3] =	stream.indirect.scatter.add.f32 [tilespmem:s16], [sflag:$0x1], $0x80, s23, s18, $0xb8;
	[tilespmem:$0x18CC0] =	vst v63  }
0x66: {  	_ = 	snop  }
0x67: {  	[spmem:s3] =	stream.indirect.scatter.add.f32 [tilespmem:s16], [sflag:$0x1], $0x80, s24, s18, $0xb8;
	[tilespmem:$0x18CC0] =	vst v63  }
0x68: {  	_ = 	snop  }
0x69: {  	[spmem:s3] =	stream.indirect.scatter.add.f32 [tilespmem:s16], [sflag:$0x1], $0x80, s25, s18, $0xb8;
	[tilespmem:$0x18CC0] =	vst v63  }
0x6a: {  	_ = 	snop  }
0x6b: {  	[spmem:s3] =	stream.indirect.scatter.add.f32 [tilespmem:s16], [sflag:$0x1], $0x80, s26, s18, $0xb8;
	[tilespmem:$0x18CC0] =	vst v63  }
0x6c: {  	_ = 	snop  }
0x6d: {  	[spmem:s3] =	stream.indirect.scatter.add.f32 [tilespmem:s16], [sflag:$0x1], $0x80, s28, s18, $0xb8;
	[tilespmem:$0x18CC0] =	vst v63  }
0x6e: {  	_ = 	snop  }
0x6f: {  	[spmem:s3] =	stream.indirect.scatter.add.f32 [tilespmem:s16], [sflag:$0x1], $0x80, s29, s18, $0xb8;
	[tilespmem:$0x18CC0] =	vst v63  }
0x70: {  	_ = 	snop  }
0x71: {  	[spmem:s3] =	stream.indirect.scatter.add.f32 [tilespmem:s16], [sflag:$0x1], $0x80, s30, s18, $0xb8;
	[tilespmem:$0x18CC0] =	vst v63  }
0x72: {  	_ = 	snop  }
0x73: {  	[spmem:s3] =	stream.indirect.scatter.add.f32 [tilespmem:s16], [sflag:$0x1], $0x80, s31, s18, $0xb8;
	[tilespmem:$0x18CC0] =	vst v63  }
0x74: {  	_ = 	snop  }
0x75: {  	[spmem:s3] =	stream.indirect.scatter.add.f32 [tilespmem:s16], [sflag:$0x1], $0x80, s2, s18, $0xb8;
	[tilespmem:$0x18CC0] =	vst v63  }
0x76: {  	_ = 	snop  }
0x77: {  	[spmem:s3] =	stream.indirect.scatter.add.f32 [tilespmem:s16], [sflag:$0x1], $0x80, s0, s18, $0xb8;
	[tilespmem:$0x18CC0] =	vst v63  }
0x78: {  	_ = 	snop  }
0x79: {  	[spmem:s3] =	stream.indirect.scatter.add.f32 [tilespmem:s16], [sflag:$0x1], $0x80, s1, s18, $0xb8;
	[tilespmem:$0x18CC0] =	vst v63  }
0x7a: {  	_ = 	snop  }
0x7b: {  	[spmem:s3] =	stream.indirect.scatter.add.f32 [tilespmem:s16], [sflag:$0x1], $0x80, s5, s18, $0xb8;
	[tilespmem:$0x18CC0] =	vst v63  }
0x7c: {  	_ = 	snop  }
0x7d: {  	[spmem:s3] =	stream.indirect.scatter.add.f32 [tilespmem:s16], [sflag:$0x1], $0x80, s7, s18, $0xb8;
	[tilespmem:$0x18CC0] =	vst v63  }
0x7e: {  	_ =	swait.ge [sflag:s8], $0x4000  }
0x7f: {  	s10 =	simm.s32 $0x27;
	[sflag:s8] =	ssyncset.done $0x0  }
.LBB2_2:
0x80: {  	p1 =	sne.s32 s10, $0x1;
	s10 =	sadd.s32 $0xFFFFFFFF, s10;
	[sflag:s8] =	ssyncadd.s32 $0xFFFFC000  }
.Ltmp0:
0x81: {  	(pc) =	sbr.rel @p1 .LBB2_2-.Ltmp0, $3  }
0x82: {  	_ =	sdelay $0x1  }
0x83: {  	_ =	swait.ge [sflag:s8], $0x4000  }
0x84: {  	[sflag:s8] =	ssyncset.done $0x0  }
0x85: {  	[sflag:s8] =	ssyncadd.s32 $0xFFFFC000;
	s10 =	rddreg [dreg:$0x8]  }
0x86: {  	[tilespmem:s17], [sflag:$0x2] =	stream.linear.gather [hbm4b:s10+s4], $0x1400, $0x38;
	[tilespmem:$0x18CC0] =	vst v63  }
0x87: {  	_ =	swait.ge [sflag:s14], $0x1400  }
0x88: {  	[sflag:s14] =	ssyncset.done $0x0  }
0x89: {  	[sflag:s14] =	ssyncadd.s32 $0xFFFFEC00  }
0x8a: {  	[spmem:s3] =	stream.indirect.scatter.add.f32 [tilespmem:s16], [sflag:$0x1], $0x80, s17, s18, $0xb8;
	[tilespmem:$0x18CC0] =	vst v63  }
0x8b: {  	_ = 	snop  }
0x8c: {  	[spmem:s3] =	stream.indirect.scatter.add.f32 [tilespmem:s16], [sflag:$0x1], $0x80, s11, s18, $0xb8;
	[tilespmem:$0x18CC0] =	vst v63  }
0x8d: {  	s11 =	simm.s32 $0x139C0  }
0x8e: {  	[spmem:s3] =	stream.indirect.scatter.add.f32 [tilespmem:s16], [sflag:$0x1], $0x80, s11, s18, $0xb8;
	[tilespmem:$0x18CC0] =	vst v63  }
0x8f: {  	s11 =	simm.s32 $0x13A40  }
0x90: {  	[spmem:s3] =	stream.indirect.scatter.add.f32 [tilespmem:s16], [sflag:$0x1], $0x80, s11, s18, $0xb8;
	[tilespmem:$0x18CC0] =	vst v63  }
0x91: {  	s11 =	simm.s32 $0x13AC0  }
0x92: {  	[spmem:s3] =	stream.indirect.scatter.add.f32 [tilespmem:s16], [sflag:$0x1], $0x80, s11, s18, $0xb8;
	[tilespmem:$0x18CC0] =	vst v63  }
0x93: {  	s11 =	simm.s32 $0x13B40  }
0x94: {  	[spmem:s3] =	stream.indirect.scatter.add.f32 [tilespmem:s16], [sflag:$0x1], $0x80, s11, s18, $0xb8;
	[tilespmem:$0x18CC0] =	vst v63  }
0x95: {  	s11 =	simm.s32 $0x13BC0  }
0x96: {  	[spmem:s3] =	stream.indirect.scatter.add.f32 [tilespmem:s16], [sflag:$0x1], $0x80, s11, s18, $0xb8;
	[tilespmem:$0x18CC0] =	vst v63  }
0x97: {  	s11 =	simm.s32 $0x13C40  }
0x98: {  	[spmem:s3] =	stream.indirect.scatter.add.f32 [tilespmem:s16], [sflag:$0x1], $0x80, s11, s18, $0xb8;
	[tilespmem:$0x18CC0] =	vst v63  }
0x99: {  	s11 =	simm.s32 $0x13CC0  }
0x9a: {  	[spmem:s3] =	stream.indirect.scatter.add.f32 [tilespmem:s16], [sflag:$0x1], $0x80, s11, s18, $0xb8;
	[tilespmem:$0x18CC0] =	vst v63  }
0x9b: {  	s11 =	simm.s32 $0x13D40  }
0x9c: {  	[spmem:s3] =	stream.indirect.scatter.add.f32 [tilespmem:s16], [sflag:$0x1], $0x80, s11, s18, $0xb8;
	[tilespmem:$0x18CC0] =	vst v63  }
0x9d: {  	s11 =	simm.s32 $0x13DC0  }
0x9e: {  	[spmem:s3] =	stream.indirect.scatter.add.f32 [tilespmem:s16], [sflag:$0x1], $0x80, s11, s18, $0xb8;
	[tilespmem:$0x18CC0] =	vst v63  }
0x9f: {  	s11 =	simm.s32 $0x13E40  }
0xa0: {  	[spmem:s3] =	stream.indirect.scatter.add.f32 [tilespmem:s16], [sflag:$0x1], $0x80, s11, s18, $0xb8;
	[tilespmem:$0x18CC0] =	vst v63  }
0xa1: {  	s11 =	simm.s32 $0x13EC0  }
0xa2: {  	[spmem:s3] =	stream.indirect.scatter.add.f32 [tilespmem:s16], [sflag:$0x1], $0x80, s11, s18, $0xb8;
	[tilespmem:$0x18CC0] =	vst v63  }
0xa3: {  	s11 =	simm.s32 $0x13F40  }
0xa4: {  	[spmem:s3] =	stream.indirect.scatter.add.f32 [tilespmem:s16], [sflag:$0x1], $0x80, s11, s18, $0xb8;
	[tilespmem:$0x18CC0] =	vst v63  }
0xa5: {  	s11 =	simm.s32 $0x13FC0  }
0xa6: {  	[spmem:s3] =	stream.indirect.scatter.add.f32 [tilespmem:s16], [sflag:$0x1], $0x80, s11, s18, $0xb8;
	[tilespmem:$0x18CC0] =	vst v63  }
0xa7: {  	s11 =	simm.s32 $0x14040  }
0xa8: {  	[spmem:s3] =	stream.indirect.scatter.add.f32 [tilespmem:s16], [sflag:$0x1], $0x80, s11, s18, $0xb8;
	[tilespmem:$0x18CC0] =	vst v63  }
0xa9: {  	s11 =	simm.s32 $0x140C0  }
0xaa: {  	[spmem:s3] =	stream.indirect.scatter.add.f32 [tilespmem:s16], [sflag:$0x1], $0x80, s11, s18, $0xb8;
	[tilespmem:$0x18CC0] =	vst v63  }
0xab: {  	s11 =	simm.s32 $0x14140  }
0xac: {  	[spmem:s3] =	stream.indirect.scatter.add.f32 [tilespmem:s16], [sflag:$0x1], $0x80, s11, s18, $0xb8;
	[tilespmem:$0x18CC0] =	vst v63  }
0xad: {  	s11 =	simm.s32 $0x141C0  }
0xae: {  	[spmem:s3] =	stream.indirect.scatter.add.f32 [tilespmem:s16], [sflag:$0x1], $0x80, s11, s18, $0xb8;
	[tilespmem:$0x18CC0] =	vst v63  }
0xaf: {  	s11 =	simm.s32 $0x14240  }
0xb0: {  	[spmem:s3] =	stream.indirect.scatter.add.f32 [tilespmem:s16], [sflag:$0x1], $0x80, s11, s18, $0xb8;
	[tilespmem:$0x18CC0] =	vst v63  }
0xb1: {  	s11 =	simm.s32 $0x142C0  }
0xb2: {  	[spmem:s3] =	stream.indirect.scatter.add.f32 [tilespmem:s16], [sflag:$0x1], $0x80, s11, s18, $0xb8;
	[tilespmem:$0x18CC0] =	vst v63  }
0xb3: {  	s11 =	simm.s32 $0x14340  }
0xb4: {  	[spmem:s3] =	stream.indirect.scatter.add.f32 [tilespmem:s16], [sflag:$0x1], $0x80, s11, s18, $0xb8;
	[tilespmem:$0x18CC0] =	vst v63  }
0xb5: {  	_ = 	snop  }
0xb6: {  	[spmem:s3] =	stream.indirect.scatter.add.f32 [tilespmem:s16], [sflag:$0x1], $0x80, s12, s18, $0xb8;
	[tilespmem:$0x18CC0] =	vst v63  }
0xb7: {  	_ = 	snop  }
0xb8: {  	[spmem:s3] =	stream.indirect.scatter.add.f32 [tilespmem:s16], [sflag:$0x1], $0x80, s19, s18, $0xb8;
	[tilespmem:$0x18CC0] =	vst v63  }
0xb9: {  	_ = 	snop  }
0xba: {  	[spmem:s3] =	stream.indirect.scatter.add.f32 [tilespmem:s16], [sflag:$0x1], $0x80, s20, s18, $0xb8;
	[tilespmem:$0x18CC0] =	vst v63  }
0xbb: {  	_ = 	snop  }
0xbc: {  	[spmem:s3] =	stream.indirect.scatter.add.f32 [tilespmem:s16], [sflag:$0x1], $0x80, s21, s18, $0xb8;
	[tilespmem:$0x18CC0] =	vst v63  }
0xbd: {  	_ = 	snop  }
0xbe: {  	[spmem:s3] =	stream.indirect.scatter.add.f32 [tilespmem:s16], [sflag:$0x1], $0x80, s22, s18, $0xb8;
	[tilespmem:$0x18CC0] =	vst v63  }
0xbf: {  	_ = 	snop  }
0xc0: {  	[spmem:s3] =	stream.indirect.scatter.add.f32 [tilespmem:s16], [sflag:$0x1], $0x80, s23, s18, $0xb8;
	[tilespmem:$0x18CC0] =	vst v63  }
0xc1: {  	_ = 	snop  }
0xc2: {  	[spmem:s3] =	stream.indirect.scatter.add.f32 [tilespmem:s16], [sflag:$0x1], $0x80, s24, s18, $0xb8;
	[tilespmem:$0x18CC0] =	vst v63  }
0xc3: {  	_ = 	snop  }
0xc4: {  	[spmem:s3] =	stream.indirect.scatter.add.f32 [tilespmem:s16], [sflag:$0x1], $0x80, s25, s18, $0xb8;
	[tilespmem:$0x18CC0] =	vst v63  }
0xc5: {  	_ = 	snop  }
0xc6: {  	[spmem:s3] =	stream.indirect.scatter.add.f32 [tilespmem:s16], [sflag:$0x1], $0x80, s26, s18, $0xb8;
	[tilespmem:$0x18CC0] =	vst v63  }
0xc7: {  	_ = 	snop  }
0xc8: {  	[spmem:s3] =	stream.indirect.scatter.add.f32 [tilespmem:s16], [sflag:$0x1], $0x80, s28, s18, $0xb8;
	[tilespmem:$0x18CC0] =	vst v63  }
0xc9: {  	_ = 	snop  }
0xca: {  	[spmem:s3] =	stream.indirect.scatter.add.f32 [tilespmem:s16], [sflag:$0x1], $0x80, s29, s18, $0xb8;
	[tilespmem:$0x18CC0] =	vst v63  }
0xcb: {  	_ = 	snop  }
0xcc: {  	[spmem:s3] =	stream.indirect.scatter.add.f32 [tilespmem:s16], [sflag:$0x1], $0x80, s30, s18, $0xb8;
	[tilespmem:$0x18CC0] =	vst v63  }
0xcd: {  	_ = 	snop  }
0xce: {  	[spmem:s3] =	stream.indirect.scatter.add.f32 [tilespmem:s16], [sflag:$0x1], $0x80, s31, s18, $0xb8;
	[tilespmem:$0x18CC0] =	vst v63  }
0xcf: {  	_ = 	snop  }
0xd0: {  	[spmem:s3] =	stream.indirect.scatter.add.f32 [tilespmem:s16], [sflag:$0x1], $0x80, s2, s18, $0xb8;
	[tilespmem:$0x18CC0] =	vst v63  }
0xd1: {  	_ = 	snop  }
0xd2: {  	[spmem:s3] =	stream.indirect.scatter.add.f32 [tilespmem:s16], [sflag:$0x1], $0x80, s0, s18, $0xb8;
	[tilespmem:$0x18CC0] =	vst v63  }
0xd3: {  	_ = 	snop  }
0xd4: {  	[spmem:s3] =	stream.indirect.scatter.add.f32 [tilespmem:s16], [sflag:$0x1], $0x80, s1, s18, $0xb8;
	[tilespmem:$0x18CC0] =	vst v63  }
0xd5: {  	_ = 	snop  }
0xd6: {  	[spmem:s3] =	stream.indirect.scatter.add.f32 [tilespmem:s16], [sflag:$0x1], $0x80, s5, s18, $0xb8;
	[tilespmem:$0x18CC0] =	vst v63  }
0xd7: {  	_ = 	snop  }
0xd8: {  	[spmem:s3] =	stream.indirect.scatter.add.f32 [tilespmem:s16], [sflag:$0x1], $0x80, s7, s18, $0xb8;
	[tilespmem:$0x18CC0] =	vst v63  }
0xd9: {  	_ =	swait.ge [sflag:s8], $0x4000  }
0xda: {  	s10 =	simm.s32 $0x27;
	[sflag:s8] =	ssyncset.done $0x0  }
.LBB2_4:
0xdb: {  	p1 =	sne.s32 s10, $0x1;
	s10 =	sadd.s32 $0xFFFFFFFF, s10;
	[sflag:s8] =	ssyncadd.s32 $0xFFFFC000  }
.Ltmp1:
0xdc: {  	(pc) =	sbr.rel @p1 .LBB2_4-.Ltmp1, $3  }
0xdd: {  	_ =	sdelay $0x1  }
0xde: {  	_ =	swait.ge [sflag:s8], $0x4000  }
0xdf: {  	[sflag:s8] =	ssyncset.done $0x0  }
0xe0: {  	[sflag:s8] =	ssyncadd.s32 $0xFFFFC000  }
0xe1: {  	[bflag:$0x0] =	sbarrier.arrive $0xFFFF  }
0xe2: {  	s10 =	rddreg [dreg:$0x9]  }
0xe3: {  	[hbm:s10], [sflag:s6] =	dma.local [spmem:s13], $0x2700  }
0xe4: {  	_ =	swait.ge [sflag:s14], $0x2700  }
0xe5: {  	[sflag:s14] =	ssyncset.done $0x0  }
0xe6: {  	s10 =	rddreg [dreg:$0xa];
	[sflag:s14] =	ssyncadd.s32 $0xFFFFD900  }
0xe7: {  	[hbm:s10], [sflag:s6] =	dma.local @!p0 [spmem:s15], $0x100  }
0xe8: {  	s10 =	simm.s32 @!p0 $0x2  }
0xe9: {  	_ =	swait.ge @!p0 [sflag:s10], $0x100  }
0xea: {  	s9 =	sadd.s32 $0x1, s9;
	s11 =	rddreg [dreg:$0xb]  }
0xeb: {  	p1 =	sne.s32 s9, s11  }
.Ltmp2:
0xec: {  	_ = 	snop;
	(pc) =	sbr.rel @p1 .LBB2_1-.Ltmp2, $3  }
0xed: {  	_ =	sdelay $0x1  }
0xee: {  	[sflag:s10] =	ssyncset.done @!p0 $0x0  }
0xef: {  	[sflag:s10] =	ssyncadd.s32 @!p0 $0xFFFFFF00;
	s11 =	simm.s32 $0x13940  }
0xf0: {  	_ =	sfence.sel $0x180000  }
0xf1: {  	[bflag:$0x0] =	sbarrier.arrive $0xFFFF  }
0xf2: {  	_ =	strace $0x90000047  }
0xf3: {  	s0 =	stileid.u32;
	[bflag:$0x2] =	sbarrier.arrive $0xFFFF  }
0xf4: {  	p0 =	sne.s32 s0, $0x0;
	s0 =	rddreg [dreg:$0x4]  }
0xf5: {  	s0 =	sadd.s32 @!p0 $0x100000, s0  }
0xf6: {  	[sflag:s0] =	ssyncadd.tile.s32 @!p0 $0x1;
	_ =	shalt  }
.Lfunc_end2:
_tile_overlayer_lowered:
.L_overlay_start_2:
0xf7: {  	(tag) =	ssettag $0x2  }
0xf8: {  	s0 =	rddreg [dreg:$0x0];
	s2 =	stileid.u32  }
0xf9: {  	s1 =	rddreg [dreg:$0x1];
	p0 =	sne.s32 s2, $0x0  }
0xfa: {  	s3 =	rddreg [dreg:$0x2];
	[bflag:$0x3] =	sbarrier.arrive $0xFFFF;
	s2 =	simm.s32 @!p0 $0x1C02  }
0xfb: {  	[timem:s3], [sflag:s2] =	dma.local @!p0 [hbm:s0], s1  }
0xfc: {  	s0 =	simm.s32 @!p0 $0x2  }
0xfd: {  	_ =	swait.ge @!p0 [sflag:s0], s1  }
0xfe: {  	s1 =	ssub.s32 @!p0 $0x0, s1;
	[sflag:s0] =	ssyncset.done @!p0 $0x0  }
0xff: {  	[sflag:s0] =	ssyncadd.s32 @!p0 s1  }
0x100: {  	[bflag:$0x3] =	sbarrier.arrive $0xFFFF  }
0x101: {  	_ =	shalt  }

</sc_bundles>
